<compile_context>
chip_gen: v7x
topology: tpu7x:2x2x1
jax: 0.10.2.dev20260603
libtpu: 0.0.44.dev20260713+nightly
codegen_flags: <defaults>
</compile_context>

<pallas_src>
import dataclasses

import jax
import jax.numpy as jnp
from jax import lax
from jax.experimental import pallas as pl
from jax.experimental.pallas import tpu as pltpu
from jax.experimental.pallas import tpu_sc as plsc

N_NODES = 10000
N_EDGES = 160000
D = 256
DH = 128

N_PAD = 10240
E_PAD = 163840
DUMMY = 10000

NC, NS = 2, 16

_MESH = plsc.VectorSubcoreMesh(
    core_axis_name="c", subcore_axis_name="s", num_cores=NC, num_subcores=NS
)

_SC_PARAMS = pltpu.CompilerParams()
if "needs_layout_passes" in pltpu.CompilerParams.__dataclass_fields__:
    _SC_PARAMS = dataclasses.replace(_SC_PARAMS, needs_layout_passes=False)
if "use_tc_tiling_on_sc" in pltpu.CompilerParams.__dataclass_fields__:
    _SC_PARAMS = dataclasses.replace(_SC_PARAMS, use_tc_tiling_on_sc=False)



def _proj_body(feat_ref, w_ref, b_ref, hn_ref, hv_ref):
    x = feat_ref[...]
    h = lax.dot_general(
        x, w_ref[...], (((1,), (1,)), ((), ())),
        precision=lax.Precision.HIGHEST,
        preferred_element_type=jnp.float32,
    ) + b_ref[...]
    norm = jnp.sqrt(jnp.sum(h * h, axis=1, keepdims=True))
    hn = h / jnp.maximum(norm, 1e-12)
    hn_ref[...] = hn.astype(jnp.bfloat16).reshape(256, 2, DH)
    hv_ref[0] = h[:, :DH]
    hv_ref[1] = h[:, DH:]


def _project(feat_p, W, b2):
    nblk = N_PAD // 256
    return pl.pallas_call(
        _proj_body,
        grid=(nblk,),
        in_specs=[
            pl.BlockSpec((256, D), lambda i: (i, 0)),
            pl.BlockSpec((D, D), lambda i: (0, 0)),
            pl.BlockSpec((1, D), lambda i: (0, 0)),
        ],
        out_specs=[
            pl.BlockSpec((256, 2, DH), lambda i: (i, 0, 0)),
            pl.BlockSpec((2, 256, DH), lambda i: (0, i, 0)),
        ],
        out_shape=[
            jax.ShapeDtypeStruct((N_PAD, 2, DH), jnp.bfloat16),
            jax.ShapeDtypeStruct((2, N_PAD, DH), jnp.float32),
        ],
    )(feat_p, W, b2)



EBB = 32
EPT_B = E_PAD // (NC * NS)
NBLK_B = EPT_B // EBB
RPT_B = N_PAD // NS


def _edge_w_body(hn_hbm, src_hbm, dst_hbm, w_hbm, dpart_hbm,
                 sidx, didx, arows0, arows1, brows0, brows1, wall, dpart,
                 acc_ref, tbl_sh, sem0, sem1):
    cid = lax.axis_index("c")
    sid = lax.axis_index("s")
    wid = cid * NS + sid
    iota = lax.iota(jnp.int32, 16)
    sems = (sem0, sem1)
    abuf = (arows0, arows1)
    bbuf = (brows0, brows1)
    ebase = wid * EPT_B

    pltpu.sync_copy(src_hbm.at[pl.ds(ebase, EPT_B)], sidx)
    pltpu.sync_copy(dst_hbm.at[pl.ds(ebase, EPT_B)], didx)

    @pl.loop(0, N_PAD // 16)
    def _(i):
        dpart[pl.ds(i * 16, 16)] = jnp.zeros((16,), jnp.float32)

    rbase = sid * RPT_B

    def stage_rd(i, slot):
        pltpu.async_copy(hn_hbm.at[pl.ds(rbase + i * EBB, EBB)], abuf[slot],
                         sems[slot])

    def stage_wt(i, slot):
        pltpu.make_async_copy(hn_hbm.at[pl.ds(rbase + i * EBB, EBB)],
                              abuf[slot], sems[slot]).wait()
        pltpu.sync_copy(abuf[slot], tbl_sh.at[pl.ds(rbase + i * EBB, EBB)])

    nstage = RPT_B // EBB
    stage_rd(0, 0)

    @pl.loop(0, nstage // 2)
    def _(it):
        i = it * 2
        stage_rd(i + 1, 1)
        stage_wt(i, 0)

        @pl.when(it < nstage // 2 - 1)
        def _():
            stage_rd(i + 2, 0)

        stage_wt(i + 1, 1)

    plsc.subcore_barrier()

    def start_gathers(blk, slot):
        sl = pl.ds(blk * EBB, EBB)
        pltpu.async_copy(tbl_sh.at[sidx.at[sl]], abuf[slot], sems[slot])
        pltpu.async_copy(tbl_sh.at[didx.at[sl]], bbuf[slot], sems[slot])

    def wait_gathers(blk, slot):
        sl = pl.ds(blk * EBB, EBB)
        pltpu.make_async_copy(tbl_sh.at[sidx.at[sl]], abuf[slot],
                              sems[slot]).wait()
        pltpu.make_async_copy(tbl_sh.at[didx.at[sl]], bbuf[slot],
                              sems[slot]).wait()

    def compute(blk, slot):
        ar, br = abuf[slot], bbuf[slot]

        @pl.loop(0, EBB // 16)
        def _(g):
            @pl.loop(0, 16)
            def _(j):
                e = g * 16 + j
                acc = jnp.zeros((16,), jnp.float32)
                for h in range(2):
                    for c in range(DH // 32):
                        sl = pl.ds(c * 32, 32)
                        a0, a1 = plsc.unpack(
                            ar[e, h, sl], format=plsc.PackFormat.INTERLEAVED)
                        b0, b1 = plsc.unpack(
                            br[e, h, sl], format=plsc.PackFormat.INTERLEAVED)
                        acc = acc + a0 * b0 + a1 * b1
                s = jnp.sum(acc)
                acc_ref[...] = jnp.where(
                    iota == j, jnp.full((16,), s, jnp.float32), acc_ref[...])

            w16 = jnp.exp(acc_ref[...])
            off = blk * EBB + g * 16
            wall[pl.ds(off, 16)] = w16
            plsc.addupdate_scatter(dpart, [didx[pl.ds(off, 16)]], w16)

    start_gathers(0, 0)

    @pl.loop(0, NBLK_B // 2)
    def _(it):
        blk_a = it * 2
        blk_b = blk_a + 1
        start_gathers(blk_b, 1)
        wait_gathers(blk_a, 0)
        compute(blk_a, 0)

        @pl.when(it < NBLK_B // 2 - 1)
        def _():
            start_gathers(blk_a + 2, 0)

        wait_gathers(blk_b, 1)
        compute(blk_b, 1)

    pltpu.sync_copy(wall, w_hbm.at[pl.ds(ebase, EPT_B)])
    pltpu.sync_copy(dpart, dpart_hbm.at[wid])


def _edge_weights(hnorm, src, dst):
    kern = pl.kernel(
        _edge_w_body,
        out_type=(
            jax.ShapeDtypeStruct((E_PAD,), jnp.float32),
            jax.ShapeDtypeStruct((NC * NS, N_PAD), jnp.float32),
        ),
        mesh=_MESH,
        scratch_types=[
            pltpu.VMEM((EPT_B,), jnp.int32),
            pltpu.VMEM((EPT_B,), jnp.int32),
            pltpu.VMEM((EBB, 2, DH), jnp.bfloat16),
            pltpu.VMEM((EBB, 2, DH), jnp.bfloat16),
            pltpu.VMEM((EBB, 2, DH), jnp.bfloat16),
            pltpu.VMEM((EBB, 2, DH), jnp.bfloat16),
            pltpu.VMEM((EPT_B,), jnp.float32),
            pltpu.VMEM((N_PAD,), jnp.float32),
            pltpu.VMEM((16,), jnp.float32),
            pltpu.VMEM_SHARED((N_PAD, 2, DH), jnp.bfloat16),
            pltpu.SemaphoreType.DMA,
            pltpu.SemaphoreType.DMA,
        ],
        compiler_params=_SC_PARAMS,
    )
    return kern(hnorm, src, dst)



EPT_C = E_PAD // NS
EBC = 128
NBLK_C = EPT_C // EBC
RPT = N_PAD // NS


JU = 4


def _aggregate_body(tbl_hbm, src_hbm, dst2_hbm, w_hbm, out_hbm,
                    sidx, didx_s, rows0, rows1, wv, acc_sh,
                    sg0, sg1, ss0, ss1):
    cid = lax.axis_index("c")
    sid = lax.axis_index("s")
    rbuf = (rows0, rows1)
    gsem = (sg0, sg1)
    ssem = (ss0, ss1)

    ebase = sid * EPT_C
    pltpu.sync_copy(src_hbm.at[pl.ds(ebase, EPT_C)], sidx)
    off = cid * N_PAD

    @pl.loop(0, EPT_C // 16)
    def _(i):
        sl = pl.ds(i * 16, 16)
        sidx[sl] = sidx[sl] + off

    @pl.loop(0, EBC)
    def _(j):
        for k in range(DH // 16):
            rows0[j, pl.ds(k * 16, 16)] = jnp.zeros((16,), jnp.float32)

    @pl.loop(0, RPT // EBC)
    def _(i):
        pltpu.sync_copy(rows0, acc_sh.at[pl.ds(sid * RPT + i * EBC, EBC)])

    plsc.subcore_barrier()

    def start_gather(blk, slot):
        pltpu.async_copy(tbl_hbm.at[sidx.at[pl.ds(blk * EBC, EBC)]],
                         rbuf[slot], gsem[slot])
        pltpu.async_copy(dst2_hbm.at[sid * NBLK_C + blk], didx_s.at[slot],
                         gsem[slot])
        pltpu.async_copy(w_hbm.at[pl.ds(ebase + blk * EBC, EBC)],
                         wv.at[pl.ds(slot * EBC, EBC)], gsem[slot])

    def wait_gather(blk, slot):
        pltpu.make_async_copy(tbl_hbm.at[sidx.at[pl.ds(blk * EBC, EBC)]],
                              rbuf[slot], gsem[slot]).wait()
        pltpu.make_async_copy(dst2_hbm.at[sid * NBLK_C + blk],
                              didx_s.at[slot], gsem[slot]).wait()
        pltpu.make_async_copy(w_hbm.at[pl.ds(ebase + blk * EBC, EBC)],
                              wv.at[pl.ds(slot * EBC, EBC)],
                              gsem[slot]).wait()

    def scale(blk, slot):
        r = rbuf[slot]

        @pl.loop(0, EBC, step=JU)
        def _(j0):
            for dj in range(JU):
                j = j0 + dj
                cj = plsc.load_gather(
                    wv, [jnp.full((16,), slot * EBC + j, jnp.int32)])
                for k in range(DH // 16):
                    sl = pl.ds(k * 16, 16)
                    r[j, sl] = r[j, sl] * cj

    def start_scatter(blk, slot):
        pltpu.async_copy(rbuf[slot], acc_sh.at[didx_s.at[slot]], ssem[slot],
                         add=True)

    def drain_scatter(slot):
        pltpu.make_async_copy(rbuf[slot], acc_sh.at[didx_s.at[slot]],
                              ssem[slot]).wait()

    start_gather(0, 0)

    @pl.loop(0, NBLK_C // 2)
    def _(it):
        blk_a = it * 2
        blk_b = blk_a + 1
        wait_gather(blk_a, 0)
        scale(blk_a, 0)
        start_scatter(blk_a, 0)

        @pl.when(it > 0)
        def _():
            drain_scatter(1)

        start_gather(blk_b, 1)
        wait_gather(blk_b, 1)
        scale(blk_b, 1)
        start_scatter(blk_b, 1)
        drain_scatter(0)

        @pl.when(it < NBLK_C // 2 - 1)
        def _():
            start_gather(blk_a + 2, 0)

    drain_scatter(1)
    plsc.subcore_barrier()

    @pl.loop(0, RPT // EBC)
    def _(i):
        r0 = sid * RPT + i * EBC
        pltpu.sync_copy(acc_sh.at[pl.ds(r0, EBC)], rows0)
        pltpu.sync_copy(rows0, out_hbm.at[pl.ds(cid * N_PAD + r0, EBC)])


def _aggregate(table, src, dst2, w):
    kern = pl.kernel(
        _aggregate_body,
        out_type=jax.ShapeDtypeStruct((2 * N_PAD, DH), jnp.float32),
        mesh=_MESH,
        scratch_types=[
            pltpu.VMEM((EPT_C,), jnp.int32),
            pltpu.VMEM((2, EBC), jnp.int32),
            pltpu.VMEM((EBC, DH), jnp.float32),
            pltpu.VMEM((EBC, DH), jnp.float32),
            pltpu.VMEM((2 * EBC,), jnp.float32),
            pltpu.VMEM_SHARED((N_PAD, DH), jnp.float32),
            pltpu.SemaphoreType.DMA,
            pltpu.SemaphoreType.DMA,
            pltpu.SemaphoreType.DMA,
            pltpu.SemaphoreType.DMA,
        ],
        compiler_params=_SC_PARAMS,
    )
    return kern(table, src, dst2, w)



def _final_body(lo_ref, hi_ref, dp_ref, out_ref):
    den = jnp.maximum(jnp.sum(dp_ref[...], axis=0), 1e-38)
    num = jnp.concatenate([lo_ref[...], hi_ref[...]], axis=1)
    out_ref[...] = num / den[:, None]


def _finalize(num, dparts):
    nblk = N_PAD // 256
    return pl.pallas_call(
        _final_body,
        grid=(nblk,),
        in_specs=[
            pl.BlockSpec((256, DH), lambda i: (i, 0)),
            pl.BlockSpec((256, DH), lambda i: (nblk + i, 0)),
            pl.BlockSpec((NC * NS, 256), lambda i: (0, i)),
        ],
        out_specs=pl.BlockSpec((256, D), lambda i: (i, 0)),
        out_shape=jax.ShapeDtypeStruct((N_PAD, D), jnp.float32),
    )(num, num, dparts)



@jax.jit
def kernel(feat, edge_index, W, b):
    feat_p = jnp.pad(feat, ((0, N_PAD - N_NODES), (0, 0)))
    src = jnp.pad(edge_index[0], (0, E_PAD - N_EDGES), constant_values=DUMMY)
    dst = jnp.pad(edge_index[1], (0, E_PAD - N_EDGES), constant_values=DUMMY)
    b2 = b.reshape(1, D)

    hnorm, hv = _project(feat_p, W, b2)
    table = hv.reshape(2 * N_PAD, DH)
    w, dparts = _edge_weights(hnorm, src, dst)
    num = _aggregate(table, src, dst.reshape(E_PAD // EBC, EBC), w)
    out = _finalize(num, dparts)
    return out[:N_NODES]

# --- scband reference (transcript-rebuilt; emitter-appended) ---
"""Pipeline reference for scband-agnnconv-dgl-82231443849401 (READ-ONLY COPY).

The authoritative reference and input builder live on the scoring server;
editing this copy changes nothing except your own understanding.
"""

import jax, jax.numpy as jnp
import numpy as np

N_NODES = 10000
N_EDGES = 160000
D = 256


def setup_inputs(seed: int = 0) -> dict:
    key = jax.random.key(seed)
    k1, k2, k3, k4 = jax.random.split(key, 4)
    feat = jax.random.normal(k1, (N_NODES, D), dtype=jnp.float32)
    edge_index = jax.random.randint(k2, (2, N_EDGES), 0, N_NODES, dtype=jnp.int32)
    # nn.Linear(in_size=256, out_size=256) parameters
    W = jax.random.normal(k3, (D, D), dtype=jnp.float32) * (1.0 / np.sqrt(D))
    b = jax.random.normal(k4, (D,), dtype=jnp.float32) * (1.0 / np.sqrt(D))
    return {"feat": feat, "edge_index": edge_index, "W": W, "b": b}


def reference(feat, edge_index, W, b):
    # proj: nn.Linear
    h = feat @ W.T + b
    # AGNNConv (learn_beta=False -> beta = 1)
    # F.normalize(h, p=2, dim=-1)
    norm = jnp.linalg.norm(h, axis=-1, keepdims=True)
    h_norm = h / jnp.maximum(norm, 1e-12)
    src = edge_index[0]
    dst = edge_index[1]
    # cosine similarity per edge: beta * <h_norm[src], h_norm[dst]>
    e = jnp.sum(h_norm[src] * h_norm[dst], axis=-1)
    # edge softmax over incoming edges of each dst node
    m = jax.ops.segment_max(e, dst, num_segments=N_NODES)
    m = jnp.where(jnp.isfinite(m), m, 0.0)
    ee = jnp.exp(e - m[dst])
    denom = jax.ops.segment_sum(ee, dst, num_segments=N_NODES)
    alpha = ee / jnp.maximum(denom[dst], 1e-38)
    # aggregate: sum_{e:(u->v)} alpha_e * h[u]
    rst = jax.ops.segment_sum(alpha[:, None] * h[src], dst, num_segments=N_NODES)
    return rst

if __name__ == "__main__":
    import jax
    _d = setup_inputs()
    print(jax.jit(kernel)(*tuple(_d.values())))

</pallas_src>

<mosaic_0001>
#map = affine_map<(d0, d1) -> (0, 0)>
#map1 = affine_map<(d0, d1) -> (0)>
module attributes {stable_mosaic.version = 14 : i64} {
  func.func @_aggregate_body(%arg0: i32, %arg1: i32, %arg2: memref<20480x128xf32, #tpu.memory_space<hbm>>, %arg3: memref<163840xi32, #tpu.memory_space<hbm>>, %arg4: memref<1280x128xi32, #tpu.memory_space<hbm>>, %arg5: memref<163840xf32, #tpu.memory_space<hbm>>, %arg6: memref<20480x128xf32, #tpu.memory_space<hbm>>, %arg7: memref<10240xi32, #tpu.memory_space<vmem>>, %arg8: memref<2x128xi32, #tpu.memory_space<vmem>>, %arg9: memref<128x128xf32, #tpu.memory_space<vmem>>, %arg10: memref<128x128xf32, #tpu.memory_space<vmem>>, %arg11: memref<256xf32, #tpu.memory_space<vmem>>, %arg12: memref<10240x128xf32, #tpu.memory_space<vmem_shared>>, %arg13: memref<!tpu.dma_semaphore, #tpu.memory_space<semaphore_mem>>, %arg14: memref<!tpu.dma_semaphore, #tpu.memory_space<semaphore_mem>>, %arg15: memref<!tpu.dma_semaphore, #tpu.memory_space<semaphore_mem>>, %arg16: memref<!tpu.dma_semaphore, #tpu.memory_space<semaphore_mem>>) attributes {dimension_semantics = [#tpu.dimension_semantics<core_parallel>, #tpu.dimension_semantics<subcore_parallel>], iteration_bounds = array<i64: 2, 16>, scalar_prefetch = 0 : i64, scratch_operands = 10 : i64, tpu.core_type = #tpu.core_type<sc_vector_subcore>, window_params = [{transform_indices = #map}, {transform_indices = #map1}, {transform_indices = #map}, {transform_indices = #map1}, {transform_indices = #map}]} {
    %mul3A = arith.constant 10240 : i32
    %mul3A_0 = arith.muli %arg1, %mul3A : i32
    "tpu.region"() ({
      %run_scoped3A = tpu.sem_alloc : memref<!tpu.dma_semaphore, #tpu.memory_space<semaphore_mem>>
      %dma_start3A_62 = tpu.memref_slice %arg3[%mul3A_0] : memref<163840xi32, #tpu.memory_space<hbm>> -> memref<10240xi32, #tpu.memory_space<hbm>>
      %dma_start3A_63 = tpu.memref_slice %arg3[%mul3A_0] : memref<163840xi32, #tpu.memory_space<hbm>> -> memref<10240xi32, #tpu.memory_space<hbm>>
      tpu.enqueue_dma source(%dma_start3A_63 : memref<10240xi32, #tpu.memory_space<hbm>>) target(%arg7 : memref<10240xi32, #tpu.memory_space<vmem>>) target_semaphore(%run_scoped3A : memref<!tpu.dma_semaphore, #tpu.memory_space<semaphore_mem>>)
      %dma_wait3A_64 = tpu.memref_slice %arg3[%mul3A_0] : memref<163840xi32, #tpu.memory_space<hbm>> -> memref<10240xi32, #tpu.memory_space<hbm>>
      %dma_wait3A_65 = tpu.memref_slice %arg3[%mul3A_0] : memref<163840xi32, #tpu.memory_space<hbm>> -> memref<10240xi32, #tpu.memory_space<hbm>>
      tpu.wait_dma2 semaphore(%run_scoped3A : memref<!tpu.dma_semaphore, #tpu.memory_space<semaphore_mem>>) src(%dma_wait3A_65 : memref<10240xi32, #tpu.memory_space<hbm>>) dst(%arg7 : memref<10240xi32, #tpu.memory_space<vmem>>)
      tpu.yield
    }) : () -> ()
    %mul3A_1 = arith.constant 10240 : i32
    %mul3A_2 = arith.muli %arg0, %mul3A_1 : i32
    %scan3A = arith.constant 0 : i32
    %scan3A_3 = arith.constant 640 : i32
    %scan3A_4 = arith.addi %scan3A, %scan3A_3 : i32
    %scan3A_5 = arith.constant 1 : i32
    scf.for %scan3A_62 = %scan3A to %scan3A_4 step %scan3A_5  : i32 {
      %mul3A_63 = arith.constant 1 : i32
      %mul3A_64 = arith.muli %scan3A_62, %mul3A_63 : i32
      %add3A_65 = arith.constant 0 : i32
      %add3A_66 = arith.addi %add3A_65, %mul3A_64 : i32
      %mul3A_67 = arith.constant 16 : i32
      %mul3A_68 = arith.muli %add3A_66, %mul3A_67 : i32
      %get3A = arith.index_cast %mul3A_68 : i32 to index
      %get3A_69 = tpu.vector_load %arg7[%get3A] {strides = array<i32>} : memref<10240xi32, #tpu.memory_space<vmem>>, vector<16xi32>,
      %add3A_70 = vector.broadcast %mul3A_2 : i32 to vector<16xi32>
      %add3A_71 = arith.addi %get3A_69, %add3A_70 : vector<16xi32>
      %swap3A = arith.index_cast %mul3A_68 : i32 to index
      %swap3A_72 = tpu.vector_load %arg7[%swap3A] {strides = array<i32>} : memref<10240xi32, #tpu.memory_space<vmem>>, vector<16xi32>,
      tpu.vector_store %arg7[%swap3A], %add3A_71 {strides = array<i32>} : memref<10240xi32, #tpu.memory_space<vmem>>, vector<16xi32>,
    }
    %scan3A_6 = arith.constant 640 : i32
    %scan3A_7 = arith.constant 0 : i32
    %scan3A_8 = arith.constant 128 : i32
    %scan3A_9 = arith.addi %scan3A_7, %scan3A_8 : i32
    %scan3A_10 = arith.constant 1 : i32
    scf.for %scan3A_62 = %scan3A_7 to %scan3A_9 step %scan3A_10  : i32 {
      %mul3A_63 = arith.constant 1 : i32
      %mul3A_64 = arith.muli %scan3A_62, %mul3A_63 : i32
      %add3A_65 = arith.constant 0 : i32
      %add3A_66 = arith.addi %add3A_65, %mul3A_64 : i32
      %broadcast_in_dim3A = arith.constant 0.000000e+00 : f32
      %broadcast_in_dim3A_67 = vector.broadcast %broadcast_in_dim3A : f32 to vector<16xf32>
      %swap3A = arith.index_cast %add3A_66 : i32 to index
      %swap3A_68 = arith.constant 0 : index
      %swap3A_69 = tpu.vector_load %arg9[%swap3A, %swap3A_68] {strides = array<i32>} : memref<128x128xf32, #tpu.memory_space<vmem>>, vector<16xf32>,
      tpu.vector_store %arg9[%swap3A, %swap3A_68], %broadcast_in_dim3A_67 {strides = array<i32>} : memref<128x128xf32, #tpu.memory_space<vmem>>, vector<16xf32>,
      %broadcast_in_dim3A_70 = arith.constant 0.000000e+00 : f32
      %broadcast_in_dim3A_71 = vector.broadcast %broadcast_in_dim3A_70 : f32 to vector<16xf32>
      %swap3A_72 = arith.index_cast %add3A_66 : i32 to index
      %swap3A_73 = arith.constant 16 : index
      %swap3A_74 = tpu.vector_load %arg9[%swap3A_72, %swap3A_73] {strides = array<i32>} : memref<128x128xf32, #tpu.memory_space<vmem>>, vector<16xf32>,
      tpu.vector_store %arg9[%swap3A_72, %swap3A_73], %broadcast_in_dim3A_71 {strides = array<i32>} : memref<128x128xf32, #tpu.memory_space<vmem>>, vector<16xf32>,
      %broadcast_in_dim3A_75 = arith.constant 0.000000e+00 : f32
      %broadcast_in_dim3A_76 = vector.broadcast %broadcast_in_dim3A_75 : f32 to vector<16xf32>
      %swap3A_77 = arith.index_cast %add3A_66 : i32 to index
      %swap3A_78 = arith.constant 32 : index
      %swap3A_79 = tpu.vector_load %arg9[%swap3A_77, %swap3A_78] {strides = array<i32>} : memref<128x128xf32, #tpu.memory_space<vmem>>, vector<16xf32>,
      tpu.vector_store %arg9[%swap3A_77, %swap3A_78], %broadcast_in_dim3A_76 {strides = array<i32>} : memref<128x128xf32, #tpu.memory_space<vmem>>, vector<16xf32>,
      %broadcast_in_dim3A_80 = arith.constant 0.000000e+00 : f32
      %broadcast_in_dim3A_81 = vector.broadcast %broadcast_in_dim3A_80 : f32 to vector<16xf32>
      %swap3A_82 = arith.index_cast %add3A_66 : i32 to index
      %swap3A_83 = arith.constant 48 : index
      %swap3A_84 = tpu.vector_load %arg9[%swap3A_82, %swap3A_83] {strides = array<i32>} : memref<128x128xf32, #tpu.memory_space<vmem>>, vector<16xf32>,
      tpu.vector_store %arg9[%swap3A_82, %swap3A_83], %broadcast_in_dim3A_81 {strides = array<i32>} : memref<128x128xf32, #tpu.memory_space<vmem>>, vector<16xf32>,
      %broadcast_in_dim3A_85 = arith.constant 0.000000e+00 : f32
      %broadcast_in_dim3A_86 = vector.broadcast %broadcast_in_dim3A_85 : f32 to vector<16xf32>
      %swap3A_87 = arith.index_cast %add3A_66 : i32 to index
      %swap3A_88 = arith.constant 64 : index
      %swap3A_89 = tpu.vector_load %arg9[%swap3A_87, %swap3A_88] {strides = array<i32>} : memref<128x128xf32, #tpu.memory_space<vmem>>, vector<16xf32>,
      tpu.vector_store %arg9[%swap3A_87, %swap3A_88], %broadcast_in_dim3A_86 {strides = array<i32>} : memref<128x128xf32, #tpu.memory_space<vmem>>, vector<16xf32>,
      %broadcast_in_dim3A_90 = arith.constant 0.000000e+00 : f32
      %broadcast_in_dim3A_91 = vector.broadcast %broadcast_in_dim3A_90 : f32 to vector<16xf32>
      %swap3A_92 = arith.index_cast %add3A_66 : i32 to index
      %swap3A_93 = arith.constant 80 : index
      %swap3A_94 = tpu.vector_load %arg9[%swap3A_92, %swap3A_93] {strides = array<i32>} : memref<128x128xf32, #tpu.memory_space<vmem>>, vector<16xf32>,
      tpu.vector_store %arg9[%swap3A_92, %swap3A_93], %broadcast_in_dim3A_91 {strides = array<i32>} : memref<128x128xf32, #tpu.memory_space<vmem>>, vector<16xf32>,
      %broadcast_in_dim3A_95 = arith.constant 0.000000e+00 : f32
      %broadcast_in_dim3A_96 = vector.broadcast %broadcast_in_dim3A_95 : f32 to vector<16xf32>
      %swap3A_97 = arith.index_cast %add3A_66 : i32 to index
      %swap3A_98 = arith.constant 96 : index
      %swap3A_99 = tpu.vector_load %arg9[%swap3A_97, %swap3A_98] {strides = array<i32>} : memref<128x128xf32, #tpu.memory_space<vmem>>, vector<16xf32>,
      tpu.vector_store %arg9[%swap3A_97, %swap3A_98], %broadcast_in_dim3A_96 {strides = array<i32>} : memref<128x128xf32, #tpu.memory_space<vmem>>, vector<16xf32>,
      %broadcast_in_dim3A_100 = arith.constant 0.000000e+00 : f32
      %broadcast_in_dim3A_101 = vector.broadcast %broadcast_in_dim3A_100 : f32 to vector<16xf32>
      %swap3A_102 = arith.index_cast %add3A_66 : i32 to index
      %swap3A_103 = arith.constant 112 : index
      %swap3A_104 = tpu.vector_load %arg9[%swap3A_102, %swap3A_103] {strides = array<i32>} : memref<128x128xf32, #tpu.memory_space<vmem>>, vector<16xf32>,
      tpu.vector_store %arg9[%swap3A_102, %swap3A_103], %broadcast_in_dim3A_101 {strides = array<i32>} : memref<128x128xf32, #tpu.memory_space<vmem>>, vector<16xf32>,
    }
    %scan3A_11 = arith.constant 128 : i32
    %scan3A_12 = arith.constant 0 : i32
    %scan3A_13 = arith.constant 5 : i32
    %scan3A_14 = arith.addi %scan3A_12, %scan3A_13 : i32
    %scan3A_15 = arith.constant 1 : i32
    scf.for %scan3A_62 = %scan3A_12 to %scan3A_14 step %scan3A_15  : i32 {
      %mul3A_63 = arith.constant 1 : i32
      %mul3A_64 = arith.muli %scan3A_62, %mul3A_63 : i32
      %add3A_65 = arith.constant 0 : i32
      %add3A_66 = arith.addi %add3A_65, %mul3A_64 : i32
      %mul3A_67 = arith.constant 640 : i32
      %mul3A_68 = arith.muli %arg1, %mul3A_67 : i32
      %mul3A_69 = arith.constant 128 : i32
      %mul3A_70 = arith.muli %add3A_66, %mul3A_69 : i32
      %add3A_71 = arith.addi %mul3A_68, %mul3A_70 : i32
      "tpu.region"() ({
        %run_scoped3A = tpu.sem_alloc : memref<!tpu.dma_semaphore, #tpu.memory_space<semaphore_mem>>
        %dma_start3A_72 = arith.constant 0 : i32
        %dma_start3A_73 = tpu.memref_slice %arg12[%add3A_71, %dma_start3A_72] : memref<10240x128xf32, #tpu.memory_space<vmem_shared>> -> memref<128x128xf32, #tpu.memory_space<vmem_shared>>
        %dma_start3A_74 = arith.constant 0 : i32
        %dma_start3A_75 = tpu.memref_slice %arg12[%add3A_71, %dma_start3A_74] : memref<10240x128xf32, #tpu.memory_space<vmem_shared>> -> memref<128x128xf32, #tpu.memory_space<vmem_shared>>
        tpu.enqueue_dma source(%arg9 : memref<128x128xf32, #tpu.memory_space<vmem>>) target(%dma_start3A_75 : memref<128x128xf32, #tpu.memory_space<vmem_shared>>) target_semaphore(%run_scoped3A : memref<!tpu.dma_semaphore, #tpu.memory_space<semaphore_mem>>)
        %dma_wait3A_76 = arith.constant 0 : i32
        %dma_wait3A_77 = tpu.memref_slice %arg12[%add3A_71, %dma_wait3A_76] : memref<10240x128xf32, #tpu.memory_space<vmem_shared>> -> memref<128x128xf32, #tpu.memory_space<vmem_shared>>
        %dma_wait3A_78 = arith.constant 0 : i32
        %dma_wait3A_79 = tpu.memref_slice %arg12[%add3A_71, %dma_wait3A_78] : memref<10240x128xf32, #tpu.memory_space<vmem_shared>> -> memref<128x128xf32, #tpu.memory_space<vmem_shared>>
        tpu.wait_dma2 semaphore(%run_scoped3A : memref<!tpu.dma_semaphore, #tpu.memory_space<semaphore_mem>>) src(%arg9 : memref<128x128xf32, #tpu.memory_space<vmem>>) dst(%dma_wait3A_79 : memref<128x128xf32, #tpu.memory_space<vmem_shared>>)
        tpu.yield
      }) : () -> ()
    }
    %scan3A_16 = arith.constant 5 : i32
    %barrier3A = arith.constant 0 : index
    tpu.barrier barrier_id(%barrier3A)
    %dma_start3A = arith.constant 0 : i32
    %dma_start3A_17 = tpu.memref_slice %arg7[%dma_start3A] : memref<10240xi32, #tpu.memory_space<vmem>> -> memref<128xi32, #tpu.memory_space<vmem>>
    %dma_start3A_18 = arith.constant 0 : i32
    %dma_start3A_19 = arith.constant 0 : i32
    %dma_start3A_20 = tpu.memref_slice %arg2[%dma_start3A_18, %dma_start3A_19] : memref<20480x128xf32, #tpu.memory_space<hbm>> -> memref<20480x128xf32, #tpu.memory_space<hbm>>
    tpu.enqueue_indirect_dma source(%dma_start3A_20 : memref<20480x128xf32, #tpu.memory_space<hbm>>) target(%arg9 : memref<128x128xf32, #tpu.memory_space<vmem>>) offsets(%dma_start3A_17 : memref<128xi32, #tpu.memory_space<vmem>>) semaphore(%arg13 : memref<!tpu.dma_semaphore, #tpu.memory_space<semaphore_mem>>)
    %mul3A_21 = arith.constant 80 : i32
    %mul3A_22 = arith.muli %arg1, %mul3A_21 : i32
    %add3A = arith.constant 0 : i32
    %add3A_23 = arith.addi %mul3A_22, %add3A : i32
    %dma_start3A_24 = arith.constant 0 : i32
    %dma_start3A_25 = arith.constant 0 : i32
    %dma_start3A_26 = tpu.memref_slice %arg8[%dma_start3A_24, %dma_start3A_25] : memref<2x128xi32, #tpu.memory_space<vmem>> -> memref<1x128xi32, #tpu.memory_space<vmem>>
    %dma_start3A_27 = tpu.memref_squeeze %dma_start3A_26 : memref<1x128xi32, #tpu.memory_space<vmem>> -> memref<128xi32, #tpu.memory_space<vmem>>
    %dma_start3A_28 = arith.constant 0 : i32
    %dma_start3A_29 = tpu.memref_slice %arg4[%add3A_23, %dma_start3A_28] : memref<1280x128xi32, #tpu.memory_space<hbm>> -> memref<1x128xi32, #tpu.memory_space<hbm>>
    %dma_start3A_30 = tpu.memref_squeeze %dma_start3A_29 : memref<1x128xi32, #tpu.memory_space<hbm>> -> memref<128xi32, #tpu.memory_space<hbm>>
    %dma_start3A_31 = arith.constant 0 : i32
    %dma_start3A_32 = tpu.memref_slice %arg8[%dma_start3A_24, %dma_start3A_31] : memref<2x128xi32, #tpu.memory_space<vmem>> -> memref<1x128xi32, #tpu.memory_space<vmem>>
    %dma_start3A_33 = tpu.memref_squeeze %dma_start3A_32 : memref<1x128xi32, #tpu.memory_space<vmem>> -> memref<128xi32, #tpu.memory_space<vmem>>
    %dma_start3A_34 = arith.constant 0 : i32
    %dma_start3A_35 = tpu.memref_slice %arg4[%add3A_23, %dma_start3A_34] : memref<1280x128xi32, #tpu.memory_space<hbm>> -> memref<1x128xi32, #tpu.memory_space<hbm>>
    %dma_start3A_36 = tpu.memref_squeeze %dma_start3A_35 : memref<1x128xi32, #tpu.memory_space<hbm>> -> memref<128xi32, #tpu.memory_space<hbm>>
    tpu.enqueue_dma source(%dma_start3A_36 : memref<128xi32, #tpu.memory_space<hbm>>) target(%dma_start3A_33 : memref<128xi32, #tpu.memory_space<vmem>>) target_semaphore(%arg13 : memref<!tpu.dma_semaphore, #tpu.memory_space<semaphore_mem>>)
    %add3A_37 = arith.constant 0 : i32
    %add3A_38 = arith.addi %mul3A_0, %add3A_37 : i32
    %dma_start3A_39 = arith.constant 0 : i32
    %dma_start3A_40 = tpu.memref_slice %arg11[%dma_start3A_39] : memref<256xf32, #tpu.memory_space<vmem>> -> memref<128xf32, #tpu.memory_space<vmem>>
    %dma_start3A_41 = tpu.memref_slice %arg5[%add3A_38] : memref<163840xf32, #tpu.memory_space<hbm>> -> memref<128xf32, #tpu.memory_space<hbm>>
    %dma_start3A_42 = arith.constant 0 : i32
    %dma_start3A_43 = tpu.memref_slice %arg11[%dma_start3A_42] : memref<256xf32, #tpu.memory_space<vmem>> -> memref<128xf32, #tpu.memory_space<vmem>>
    %dma_start3A_44 = tpu.memref_slice %arg5[%add3A_38] : memref<163840xf32, #tpu.memory_space<hbm>> -> memref<128xf32, #tpu.memory_space<hbm>>
    tpu.enqueue_dma source(%dma_start3A_44 : memref<128xf32, #tpu.memory_space<hbm>>) target(%dma_start3A_43 : memref<128xf32, #tpu.memory_space<vmem>>) target_semaphore(%arg13 : memref<!tpu.dma_semaphore, #tpu.memory_space<semaphore_mem>>)
    %scan3A_45 = arith.constant 0 : i32
    %scan3A_46 = arith.constant 40 : i32
    %scan3A_47 = arith.addi %scan3A_45, %scan3A_46 : i32
    %scan3A_48 = arith.constant 1 : i32
    scf.for %scan3A_62 = %scan3A_45 to %scan3A_47 step %scan3A_48  : i32 {
      %mul3A_63 = arith.constant 1 : i32
      %mul3A_64 = arith.muli %scan3A_62, %mul3A_63 : i32
      %add3A_65 = arith.constant 0 : i32
      %add3A_66 = arith.addi %add3A_65, %mul3A_64 : i32
      %mul3A_67 = arith.constant 2 : i32
      %mul3A_68 = arith.muli %add3A_66, %mul3A_67 : i32
      %add3A_69 = arith.constant 1 : i32
      %add3A_70 = arith.addi %mul3A_68, %add3A_69 : i32
      %mul3A_71 = arith.constant 128 : i32
      %mul3A_72 = arith.muli %mul3A_68, %mul3A_71 : i32
      %dma_wait3A_73 = tpu.memref_slice %arg7[%mul3A_72] : memref<10240xi32, #tpu.memory_space<vmem>> -> memref<128xi32, #tpu.memory_space<vmem>>
      %dma_wait3A_74 = arith.constant 0 : i32
      %dma_wait3A_75 = arith.constant 0 : i32
      %dma_wait3A_76 = tpu.memref_slice %arg2[%dma_wait3A_74, %dma_wait3A_75] : memref<20480x128xf32, #tpu.memory_space<hbm>> -> memref<20480x128xf32, #tpu.memory_space<hbm>>
      tpu.wait_indirect_dma semaphore(%arg13 : memref<!tpu.dma_semaphore, #tpu.memory_space<semaphore_mem>>) src(%dma_wait3A_76 : memref<20480x128xf32, #tpu.memory_space<hbm>>) dst(%arg9 : memref<128x128xf32, #tpu.memory_space<vmem>>)
      %mul3A_77 = arith.constant 80 : i32
      %mul3A_78 = arith.muli %arg1, %mul3A_77 : i32
      %add3A_79 = arith.addi %mul3A_78, %mul3A_68 : i32
      %dma_wait3A_80 = arith.constant 0 : i32
      %dma_wait3A_81 = arith.constant 0 : i32
      %dma_wait3A_82 = tpu.memref_slice %arg8[%dma_wait3A_80, %dma_wait3A_81] : memref<2x128xi32, #tpu.memory_space<vmem>> -> memref<1x128xi32, #tpu.memory_space<vmem>>
      %dma_wait3A_83 = tpu.memref_squeeze %dma_wait3A_82 : memref<1x128xi32, #tpu.memory_space<vmem>> -> memref<128xi32, #tpu.memory_space<vmem>>
      %dma_wait3A_84 = arith.constant 0 : i32
      %dma_wait3A_85 = tpu.memref_slice %arg4[%add3A_79, %dma_wait3A_84] : memref<1280x128xi32, #tpu.memory_space<hbm>> -> memref<1x128xi32, #tpu.memory_space<hbm>>
      %dma_wait3A_86 = tpu.memref_squeeze %dma_wait3A_85 : memref<1x128xi32, #tpu.memory_space<hbm>> -> memref<128xi32, #tpu.memory_space<hbm>>
      %dma_wait3A_87 = arith.constant 0 : i32
      %dma_wait3A_88 = tpu.memref_slice %arg8[%dma_wait3A_80, %dma_wait3A_87] : memref<2x128xi32, #tpu.memory_space<vmem>> -> memref<1x128xi32, #tpu.memory_space<vmem>>
      %dma_wait3A_89 = tpu.memref_squeeze %dma_wait3A_88 : memref<1x128xi32, #tpu.memory_space<vmem>> -> memref<128xi32, #tpu.memory_space<vmem>>
      %dma_wait3A_90 = arith.constant 0 : i32
      %dma_wait3A_91 = tpu.memref_slice %arg4[%add3A_79, %dma_wait3A_90] : memref<1280x128xi32, #tpu.memory_space<hbm>> -> memref<1x128xi32, #tpu.memory_space<hbm>>
      %dma_wait3A_92 = tpu.memref_squeeze %dma_wait3A_91 : memref<1x128xi32, #tpu.memory_space<hbm>> -> memref<128xi32, #tpu.memory_space<hbm>>
      tpu.wait_dma2 semaphore(%arg13 : memref<!tpu.dma_semaphore, #tpu.memory_space<semaphore_mem>>) src(%dma_wait3A_92 : memref<128xi32, #tpu.memory_space<hbm>>) dst(%dma_wait3A_89 : memref<128xi32, #tpu.memory_space<vmem>>)
      %mul3A_93 = arith.constant 128 : i32
      %mul3A_94 = arith.muli %mul3A_68, %mul3A_93 : i32
      %add3A_95 = arith.addi %mul3A_0, %mul3A_94 : i32
      %dma_wait3A_96 = arith.constant 0 : i32
      %dma_wait3A_97 = tpu.memref_slice %arg11[%dma_wait3A_96] : memref<256xf32, #tpu.memory_space<vmem>> -> memref<128xf32, #tpu.memory_space<vmem>>
      %dma_wait3A_98 = tpu.memref_slice %arg5[%add3A_95] : memref<163840xf32, #tpu.memory_space<hbm>> -> memref<128xf32, #tpu.memory_space<hbm>>
      %dma_wait3A_99 = arith.constant 0 : i32
      %dma_wait3A_100 = tpu.memref_slice %arg11[%dma_wait3A_99] : memref<256xf32, #tpu.memory_space<vmem>> -> memref<128xf32, #tpu.memory_space<vmem>>
      %dma_wait3A_101 = tpu.memref_slice %arg5[%add3A_95] : memref<163840xf32, #tpu.memory_space<hbm>> -> memref<128xf32, #tpu.memory_space<hbm>>
      tpu.wait_dma2 semaphore(%arg13 : memref<!tpu.dma_semaphore, #tpu.memory_space<semaphore_mem>>) src(%dma_wait3A_101 : memref<128xf32, #tpu.memory_space<hbm>>) dst(%dma_wait3A_100 : memref<128xf32, #tpu.memory_space<vmem>>)
      %scan3A_102 = arith.constant 0 : i32
      %scan3A_103 = arith.constant 32 : i32
      %scan3A_104 = arith.addi %scan3A_102, %scan3A_103 : i32
      %scan3A_105 = arith.constant 1 : i32
      scf.for %scan3A_201 = %scan3A_102 to %scan3A_104 step %scan3A_105  : i32 {
        %mul3A_202 = arith.constant 4 : i32
        %mul3A_203 = arith.muli %scan3A_201, %mul3A_202 : i32
        %add3A_204 = arith.constant 0 : i32
        %add3A_205 = arith.addi %add3A_204, %mul3A_203 : i32
        %add3A_206 = arith.constant 0 : i32
        %add3A_207 = arith.addi %add3A_205, %add3A_206 : i32
        %add3A_208 = arith.constant 0 : i32
        %add3A_209 = arith.addi %add3A_208, %add3A_207 : i32
        %broadcast_in_dim3A = vector.broadcast %add3A_209 : i32 to vector<16xi32>
        %gather3A = tpu.vector_load_idx %arg11[%broadcast_in_dim3A] : memref<256xf32, #tpu.memory_space<vmem>>[vector<16xi32>], vector<16xf32>,
        %get3A = arith.index_cast %add3A_207 : i32 to index
        %get3A_210 = arith.constant 0 : index
        %get3A_211 = tpu.vector_load %arg9[%get3A, %get3A_210] {strides = array<i32>} : memref<128x128xf32, #tpu.memory_space<vmem>>, vector<16xf32>,
        %mul3A_212 = arith.mulf %get3A_211, %gather3A : vector<16xf32>
        %swap3A = arith.index_cast %add3A_207 : i32 to index
        %swap3A_213 = arith.constant 0 : index
        %swap3A_214 = tpu.vector_load %arg9[%swap3A, %swap3A_213] {strides = array<i32>} : memref<128x128xf32, #tpu.memory_space<vmem>>, vector<16xf32>,
        tpu.vector_store %arg9[%swap3A, %swap3A_213], %mul3A_212 {strides = array<i32>} : memref<128x128xf32, #tpu.memory_space<vmem>>, vector<16xf32>,
        %get3A_215 = arith.index_cast %add3A_207 : i32 to index
        %get3A_216 = arith.constant 16 : index
        %get3A_217 = tpu.vector_load %arg9[%get3A_215, %get3A_216] {strides = array<i32>} : memref<128x128xf32, #tpu.memory_space<vmem>>, vector<16xf32>,
        %mul3A_218 = arith.mulf %get3A_217, %gather3A : vector<16xf32>
        %swap3A_219 = arith.index_cast %add3A_207 : i32 to index
        %swap3A_220 = arith.constant 16 : index
        %swap3A_221 = tpu.vector_load %arg9[%swap3A_219, %swap3A_220] {strides = array<i32>} : memref<128x128xf32, #tpu.memory_space<vmem>>, vector<16xf32>,
        tpu.vector_store %arg9[%swap3A_219, %swap3A_220], %mul3A_218 {strides = array<i32>} : memref<128x128xf32, #tpu.memory_space<vmem>>, vector<16xf32>,
        %get3A_222 = arith.index_cast %add3A_207 : i32 to index
        %get3A_223 = arith.constant 32 : index
        %get3A_224 = tpu.vector_load %arg9[%get3A_222, %get3A_223] {strides = array<i32>} : memref<128x128xf32, #tpu.memory_space<vmem>>, vector<16xf32>,
        %mul3A_225 = arith.mulf %get3A_224, %gather3A : vector<16xf32>
        %swap3A_226 = arith.index_cast %add3A_207 : i32 to index
        %swap3A_227 = arith.constant 32 : index
        %swap3A_228 = tpu.vector_load %arg9[%swap3A_226, %swap3A_227] {strides = array<i32>} : memref<128x128xf32, #tpu.memory_space<vmem>>, vector<16xf32>,
        tpu.vector_store %arg9[%swap3A_226, %swap3A_227], %mul3A_225 {strides = array<i32>} : memref<128x128xf32, #tpu.memory_space<vmem>>, vector<16xf32>,
        %get3A_229 = arith.index_cast %add3A_207 : i32 to index
        %get3A_230 = arith.constant 48 : index
        %get3A_231 = tpu.vector_load %arg9[%get3A_229, %get3A_230] {strides = array<i32>} : memref<128x128xf32, #tpu.memory_space<vmem>>, vector<16xf32>,
        %mul3A_232 = arith.mulf %get3A_231, %gather3A : vector<16xf32>
        %swap3A_233 = arith.index_cast %add3A_207 : i32 to index
        %swap3A_234 = arith.constant 48 : index
        %swap3A_235 = tpu.vector_load %arg9[%swap3A_233, %swap3A_234] {strides = array<i32>} : memref<128x128xf32, #tpu.memory_space<vmem>>, vector<16xf32>,
        tpu.vector_store %arg9[%swap3A_233, %swap3A_234], %mul3A_232 {strides = array<i32>} : memref<128x128xf32, #tpu.memory_space<vmem>>, vector<16xf32>,
        %get3A_236 = arith.index_cast %add3A_207 : i32 to index
        %get3A_237 = arith.constant 64 : index
        %get3A_238 = tpu.vector_load %arg9[%get3A_236, %get3A_237] {strides = array<i32>} : memref<128x128xf32, #tpu.memory_space<vmem>>, vector<16xf32>,
        %mul3A_239 = arith.mulf %get3A_238, %gather3A : vector<16xf32>
        %swap3A_240 = arith.index_cast %add3A_207 : i32 to index
        %swap3A_241 = arith.constant 64 : index
        %swap3A_242 = tpu.vector_load %arg9[%swap3A_240, %swap3A_241] {strides = array<i32>} : memref<128x128xf32, #tpu.memory_space<vmem>>, vector<16xf32>,
        tpu.vector_store %arg9[%swap3A_240, %swap3A_241], %mul3A_239 {strides = array<i32>} : memref<128x128xf32, #tpu.memory_space<vmem>>, vector<16xf32>,
        %get3A_243 = arith.index_cast %add3A_207 : i32 to index
        %get3A_244 = arith.constant 80 : index
        %get3A_245 = tpu.vector_load %arg9[%get3A_243, %get3A_244] {strides = array<i32>} : memref<128x128xf32, #tpu.memory_space<vmem>>, vector<16xf32>,
        %mul3A_246 = arith.mulf %get3A_245, %gather3A : vector<16xf32>
        %swap3A_247 = arith.index_cast %add3A_207 : i32 to index
        %swap3A_248 = arith.constant 80 : index
        %swap3A_249 = tpu.vector_load %arg9[%swap3A_247, %swap3A_248] {strides = array<i32>} : memref<128x128xf32, #tpu.memory_space<vmem>>, vector<16xf32>,
        tpu.vector_store %arg9[%swap3A_247, %swap3A_248], %mul3A_246 {strides = array<i32>} : memref<128x128xf32, #tpu.memory_space<vmem>>, vector<16xf32>,
        %get3A_250 = arith.index_cast %add3A_207 : i32 to index
        %get3A_251 = arith.constant 96 : index
        %get3A_252 = tpu.vector_load %arg9[%get3A_250, %get3A_251] {strides = array<i32>} : memref<128x128xf32, #tpu.memory_space<vmem>>, vector<16xf32>,
        %mul3A_253 = arith.mulf %get3A_252, %gather3A : vector<16xf32>
        %swap3A_254 = arith.index_cast %add3A_207 : i32 to index
        %swap3A_255 = arith.constant 96 : index
        %swap3A_256 = tpu.vector_load %arg9[%swap3A_254, %swap3A_255] {strides = array<i32>} : memref<128x128xf32, #tpu.memory_space<vmem>>, vector<16xf32>,
        tpu.vector_store %arg9[%swap3A_254, %swap3A_255], %mul3A_253 {strides = array<i32>} : memref<128x128xf32, #tpu.memory_space<vmem>>, vector<16xf32>,
        %get3A_257 = arith.index_cast %add3A_207 : i32 to index
        %get3A_258 = arith.constant 112 : index
        %get3A_259 = tpu.vector_load %arg9[%get3A_257, %get3A_258] {strides = array<i32>} : memref<128x128xf32, #tpu.memory_space<vmem>>, vector<16xf32>,
        %mul3A_260 = arith.mulf %get3A_259, %gather3A : vector<16xf32>
        %swap3A_261 = arith.index_cast %add3A_207 : i32 to index
        %swap3A_262 = arith.constant 112 : index
        %swap3A_263 = tpu.vector_load %arg9[%swap3A_261, %swap3A_262] {strides = array<i32>} : memref<128x128xf32, #tpu.memory_space<vmem>>, vector<16xf32>,
        tpu.vector_store %arg9[%swap3A_261, %swap3A_262], %mul3A_260 {strides = array<i32>} : memref<128x128xf32, #tpu.memory_space<vmem>>, vector<16xf32>,
        %add3A_264 = arith.constant 1 : i32
        %add3A_265 = arith.addi %add3A_205, %add3A_264 : i32
        %add3A_266 = arith.constant 0 : i32
        %add3A_267 = arith.addi %add3A_266, %add3A_265 : i32
        %broadcast_in_dim3A_268 = vector.broadcast %add3A_267 : i32 to vector<16xi32>
        %gather3A_269 = tpu.vector_load_idx %arg11[%broadcast_in_dim3A_268] : memref<256xf32, #tpu.memory_space<vmem>>[vector<16xi32>], vector<16xf32>,
        %get3A_270 = arith.index_cast %add3A_265 : i32 to index
        %get3A_271 = arith.constant 0 : index
        %get3A_272 = tpu.vector_load %arg9[%get3A_270, %get3A_271] {strides = array<i32>} : memref<128x128xf32, #tpu.memory_space<vmem>>, vector<16xf32>,
        %mul3A_273 = arith.mulf %get3A_272, %gather3A_269 : vector<16xf32>
        %swap3A_274 = arith.index_cast %add3A_265 : i32 to index
        %swap3A_275 = arith.constant 0 : index
        %swap3A_276 = tpu.vector_load %arg9[%swap3A_274, %swap3A_275] {strides = array<i32>} : memref<128x128xf32, #tpu.memory_space<vmem>>, vector<16xf32>,
        tpu.vector_store %arg9[%swap3A_274, %swap3A_275], %mul3A_273 {strides = array<i32>} : memref<128x128xf32, #tpu.memory_space<vmem>>, vector<16xf32>,
        %get3A_277 = arith.index_cast %add3A_265 : i32 to index
        %get3A_278 = arith.constant 16 : index
        %get3A_279 = tpu.vector_load %arg9[%get3A_277, %get3A_278] {strides = array<i32>} : memref<128x128xf32, #tpu.memory_space<vmem>>, vector<16xf32>,
        %mul3A_280 = arith.mulf %get3A_279, %gather3A_269 : vector<16xf32>
        %swap3A_281 = arith.index_cast %add3A_265 : i32 to index
        %swap3A_282 = arith.constant 16 : index
        %swap3A_283 = tpu.vector_load %arg9[%swap3A_281, %swap3A_282] {strides = array<i32>} : memref<128x128xf32, #tpu.memory_space<vmem>>, vector<16xf32>,
        tpu.vector_store %arg9[%swap3A_281, %swap3A_282], %mul3A_280 {strides = array<i32>} : memref<128x128xf32, #tpu.memory_space<vmem>>, vector<16xf32>,
        %get3A_284 = arith.index_cast %add3A_265 : i32 to index
        %get3A_285 = arith.constant 32 : index
        %get3A_286 = tpu.vector_load %arg9[%get3A_284, %get3A_285] {strides = array<i32>} : memref<128x128xf32, #tpu.memory_space<vmem>>, vector<16xf32>,
        %mul3A_287 = arith.mulf %get3A_286, %gather3A_269 : vector<16xf32>
        %swap3A_288 = arith.index_cast %add3A_265 : i32 to index
        %swap3A_289 = arith.constant 32 : index
        %swap3A_290 = tpu.vector_load %arg9[%swap3A_288, %swap3A_289] {strides = array<i32>} : memref<128x128xf32, #tpu.memory_space<vmem>>, vector<16xf32>,
        tpu.vector_store %arg9[%swap3A_288, %swap3A_289], %mul3A_287 {strides = array<i32>} : memref<128x128xf32, #tpu.memory_space<vmem>>, vector<16xf32>,
        %get3A_291 = arith.index_cast %add3A_265 : i32 to index
        %get3A_292 = arith.constant 48 : index
        %get3A_293 = tpu.vector_load %arg9[%get3A_291, %get3A_292] {strides = array<i32>} : memref<128x128xf32, #tpu.memory_space<vmem>>, vector<16xf32>,
        %mul3A_294 = arith.mulf %get3A_293, %gather3A_269 : vector<16xf32>
        %swap3A_295 = arith.index_cast %add3A_265 : i32 to index
        %swap3A_296 = arith.constant 48 : index
        %swap3A_297 = tpu.vector_load %arg9[%swap3A_295, %swap3A_296] {strides = array<i32>} : memref<128x128xf32, #tpu.memory_space<vmem>>, vector<16xf32>,
        tpu.vector_store %arg9[%swap3A_295, %swap3A_296], %mul3A_294 {strides = array<i32>} : memref<128x128xf32, #tpu.memory_space<vmem>>, vector<16xf32>,
        %get3A_298 = arith.index_cast %add3A_265 : i32 to index
        %get3A_299 = arith.constant 64 : index
        %get3A_300 = tpu.vector_load %arg9[%get3A_298, %get3A_299] {strides = array<i32>} : memref<128x128xf32, #tpu.memory_space<vmem>>, vector<16xf32>,
        %mul3A_301 = arith.mulf %get3A_300, %gather3A_269 : vector<16xf32>
        %swap3A_302 = arith.index_cast %add3A_265 : i32 to index
        %swap3A_303 = arith.constant 64 : index
        %swap3A_304 = tpu.vector_load %arg9[%swap3A_302, %swap3A_303] {strides = array<i32>} : memref<128x128xf32, #tpu.memory_space<vmem>>, vector<16xf32>,
        tpu.vector_store %arg9[%swap3A_302, %swap3A_303], %mul3A_301 {strides = array<i32>} : memref<128x128xf32, #tpu.memory_space<vmem>>, vector<16xf32>,
        %get3A_305 = arith.index_cast %add3A_265 : i32 to index
        %get3A_306 = arith.constant 80 : index
        %get3A_307 = tpu.vector_load %arg9[%get3A_305, %get3A_306] {strides = array<i32>} : memref<128x128xf32, #tpu.memory_space<vmem>>, vector<16xf32>,
        %mul3A_308 = arith.mulf %get3A_307, %gather3A_269 : vector<16xf32>
        %swap3A_309 = arith.index_cast %add3A_265 : i32 to index
        %swap3A_310 = arith.constant 80 : index
        %swap3A_311 = tpu.vector_load %arg9[%swap3A_309, %swap3A_310] {strides = array<i32>} : memref<128x128xf32, #tpu.memory_space<vmem>>, vector<16xf32>,
        tpu.vector_store %arg9[%swap3A_309, %swap3A_310], %mul3A_308 {strides = array<i32>} : memref<128x128xf32, #tpu.memory_space<vmem>>, vector<16xf32>,
        %get3A_312 = arith.index_cast %add3A_265 : i32 to index
        %get3A_313 = arith.constant 96 : index
        %get3A_314 = tpu.vector_load %arg9[%get3A_312, %get3A_313] {strides = array<i32>} : memref<128x128xf32, #tpu.memory_space<vmem>>, vector<16xf32>,
        %mul3A_315 = arith.mulf %get3A_314, %gather3A_269 : vector<16xf32>
        %swap3A_316 = arith.index_cast %add3A_265 : i32 to index
        %swap3A_317 = arith.constant 96 : index
        %swap3A_318 = tpu.vector_load %arg9[%swap3A_316, %swap3A_317] {strides = array<i32>} : memref<128x128xf32, #tpu.memory_space<vmem>>, vector<16xf32>,
        tpu.vector_store %arg9[%swap3A_316, %swap3A_317], %mul3A_315 {strides = array<i32>} : memref<128x128xf32, #tpu.memory_space<vmem>>, vector<16xf32>,
        %get3A_319 = arith.index_cast %add3A_265 : i32 to index
        %get3A_320 = arith.constant 112 : index
        %get3A_321 = tpu.vector_load %arg9[%get3A_319, %get3A_320] {strides = array<i32>} : memref<128x128xf32, #tpu.memory_space<vmem>>, vector<16xf32>,
        %mul3A_322 = arith.mulf %get3A_321, %gather3A_269 : vector<16xf32>
        %swap3A_323 = arith.index_cast %add3A_265 : i32 to index
        %swap3A_324 = arith.constant 112 : index
        %swap3A_325 = tpu.vector_load %arg9[%swap3A_323, %swap3A_324] {strides = array<i32>} : memref<128x128xf32, #tpu.memory_space<vmem>>, vector<16xf32>,
        tpu.vector_store %arg9[%swap3A_323, %swap3A_324], %mul3A_322 {strides = array<i32>} : memref<128x128xf32, #tpu.memory_space<vmem>>, vector<16xf32>,
        %add3A_326 = arith.constant 2 : i32
        %add3A_327 = arith.addi %add3A_205, %add3A_326 : i32
        %add3A_328 = arith.constant 0 : i32
        %add3A_329 = arith.addi %add3A_328, %add3A_327 : i32
        %broadcast_in_dim3A_330 = vector.broadcast %add3A_329 : i32 to vector<16xi32>
        %gather3A_331 = tpu.vector_load_idx %arg11[%broadcast_in_dim3A_330] : memref<256xf32, #tpu.memory_space<vmem>>[vector<16xi32>], vector<16xf32>,
        %get3A_332 = arith.index_cast %add3A_327 : i32 to index
        %get3A_333 = arith.constant 0 : index
        %get3A_334 = tpu.vector_load %arg9[%get3A_332, %get3A_333] {strides = array<i32>} : memref<128x128xf32, #tpu.memory_space<vmem>>, vector<16xf32>,
        %mul3A_335 = arith.mulf %get3A_334, %gather3A_331 : vector<16xf32>
        %swap3A_336 = arith.index_cast %add3A_327 : i32 to index
        %swap3A_337 = arith.constant 0 : index
        %swap3A_338 = tpu.vector_load %arg9[%swap3A_336, %swap3A_337] {strides = array<i32>} : memref<128x128xf32, #tpu.memory_space<vmem>>, vector<16xf32>,
        tpu.vector_store %arg9[%swap3A_336, %swap3A_337], %mul3A_335 {strides = array<i32>} : memref<128x128xf32, #tpu.memory_space<vmem>>, vector<16xf32>,
        %get3A_339 = arith.index_cast %add3A_327 : i32 to index
        %get3A_340 = arith.constant 16 : index
        %get3A_341 = tpu.vector_load %arg9[%get3A_339, %get3A_340] {strides = array<i32>} : memref<128x128xf32, #tpu.memory_space<vmem>>, vector<16xf32>,
        %mul3A_342 = arith.mulf %get3A_341, %gather3A_331 : vector<16xf32>
        %swap3A_343 = arith.index_cast %add3A_327 : i32 to index
        %swap3A_344 = arith.constant 16 : index
        %swap3A_345 = tpu.vector_load %arg9[%swap3A_343, %swap3A_344] {strides = array<i32>} : memref<128x128xf32, #tpu.memory_space<vmem>>, vector<16xf32>,
        tpu.vector_store %arg9[%swap3A_343, %swap3A_344], %mul3A_342 {strides = array<i32>} : memref<128x128xf32, #tpu.memory_space<vmem>>, vector<16xf32>,
        %get3A_346 = arith.index_cast %add3A_327 : i32 to index
        %get3A_347 = arith.constant 32 : index
        %get3A_348 = tpu.vector_load %arg9[%get3A_346, %get3A_347] {strides = array<i32>} : memref<128x128xf32, #tpu.memory_space<vmem>>, vector<16xf32>,
        %mul3A_349 = arith.mulf %get3A_348, %gather3A_331 : vector<16xf32>
        %swap3A_350 = arith.index_cast %add3A_327 : i32 to index
        %swap3A_351 = arith.constant 32 : index
        %swap3A_352 = tpu.vector_load %arg9[%swap3A_350, %swap3A_351] {strides = array<i32>} : memref<128x128xf32, #tpu.memory_space<vmem>>, vector<16xf32>,
        tpu.vector_store %arg9[%swap3A_350, %swap3A_351], %mul3A_349 {strides = array<i32>} : memref<128x128xf32, #tpu.memory_space<vmem>>, vector<16xf32>,
        %get3A_353 = arith.index_cast %add3A_327 : i32 to index
        %get3A_354 = arith.constant 48 : index
        %get3A_355 = tpu.vector_load %arg9[%get3A_353, %get3A_354] {strides = array<i32>} : memref<128x128xf32, #tpu.memory_space<vmem>>, vector<16xf32>,
        %mul3A_356 = arith.mulf %get3A_355, %gather3A_331 : vector<16xf32>
        %swap3A_357 = arith.index_cast %add3A_327 : i32 to index
        %swap3A_358 = arith.constant 48 : index
        %swap3A_359 = tpu.vector_load %arg9[%swap3A_357, %swap3A_358] {strides = array<i32>} : memref<128x128xf32, #tpu.memory_space<vmem>>, vector<16xf32>,
        tpu.vector_store %arg9[%swap3A_357, %swap3A_358], %mul3A_356 {strides = array<i32>} : memref<128x128xf32, #tpu.memory_space<vmem>>, vector<16xf32>,
        %get3A_360 = arith.index_cast %add3A_327 : i32 to index
        %get3A_361 = arith.constant 64 : index
        %get3A_362 = tpu.vector_load %arg9[%get3A_360, %get3A_361] {strides = array<i32>} : memref<128x128xf32, #tpu.memory_space<vmem>>, vector<16xf32>,
        %mul3A_363 = arith.mulf %get3A_362, %gather3A_331 : vector<16xf32>
        %swap3A_364 = arith.index_cast %add3A_327 : i32 to index
        %swap3A_365 = arith.constant 64 : index
        %swap3A_366 = tpu.vector_load %arg9[%swap3A_364, %swap3A_365] {strides = array<i32>} : memref<128x128xf32, #tpu.memory_space<vmem>>, vector<16xf32>,
        tpu.vector_store %arg9[%swap3A_364, %swap3A_365], %mul3A_363 {strides = array<i32>} : memref<128x128xf32, #tpu.memory_space<vmem>>, vector<16xf32>,
        %get3A_367 = arith.index_cast %add3A_327 : i32 to index
        %get3A_368 = arith.constant 80 : index
        %get3A_369 = tpu.vector_load %arg9[%get3A_367, %get3A_368] {strides = array<i32>} : memref<128x128xf32, #tpu.memory_space<vmem>>, vector<16xf32>,
        %mul3A_370 = arith.mulf %get3A_369, %gather3A_331 : vector<16xf32>
        %swap3A_371 = arith.index_cast %add3A_327 : i32 to index
        %swap3A_372 = arith.constant 80 : index
        %swap3A_373 = tpu.vector_load %arg9[%swap3A_371, %swap3A_372] {strides = array<i32>} : memref<128x128xf32, #tpu.memory_space<vmem>>, vector<16xf32>,
        tpu.vector_store %arg9[%swap3A_371, %swap3A_372], %mul3A_370 {strides = array<i32>} : memref<128x128xf32, #tpu.memory_space<vmem>>, vector<16xf32>,
        %get3A_374 = arith.index_cast %add3A_327 : i32 to index
        %get3A_375 = arith.constant 96 : index
        %get3A_376 = tpu.vector_load %arg9[%get3A_374, %get3A_375] {strides = array<i32>} : memref<128x128xf32, #tpu.memory_space<vmem>>, vector<16xf32>,
        %mul3A_377 = arith.mulf %get3A_376, %gather3A_331 : vector<16xf32>
        %swap3A_378 = arith.index_cast %add3A_327 : i32 to index
        %swap3A_379 = arith.constant 96 : index
        %swap3A_380 = tpu.vector_load %arg9[%swap3A_378, %swap3A_379] {strides = array<i32>} : memref<128x128xf32, #tpu.memory_space<vmem>>, vector<16xf32>,
        tpu.vector_store %arg9[%swap3A_378, %swap3A_379], %mul3A_377 {strides = array<i32>} : memref<128x128xf32, #tpu.memory_space<vmem>>, vector<16xf32>,
        %get3A_381 = arith.index_cast %add3A_327 : i32 to index
        %get3A_382 = arith.constant 112 : index
        %get3A_383 = tpu.vector_load %arg9[%get3A_381, %get3A_382] {strides = array<i32>} : memref<128x128xf32, #tpu.memory_space<vmem>>, vector<16xf32>,
        %mul3A_384 = arith.mulf %get3A_383, %gather3A_331 : vector<16xf32>
        %swap3A_385 = arith.index_cast %add3A_327 : i32 to index
        %swap3A_386 = arith.constant 112 : index
        %swap3A_387 = tpu.vector_load %arg9[%swap3A_385, %swap3A_386] {strides = array<i32>} : memref<128x128xf32, #tpu.memory_space<vmem>>, vector<16xf32>,
        tpu.vector_store %arg9[%swap3A_385, %swap3A_386], %mul3A_384 {strides = array<i32>} : memref<128x128xf32, #tpu.memory_space<vmem>>, vector<16xf32>,
        %add3A_388 = arith.constant 3 : i32
        %add3A_389 = arith.addi %add3A_205, %add3A_388 : i32
        %add3A_390 = arith.constant 0 : i32
        %add3A_391 = arith.addi %add3A_390, %add3A_389 : i32
        %broadcast_in_dim3A_392 = vector.broadcast %add3A_391 : i32 to vector<16xi32>
        %gather3A_393 = tpu.vector_load_idx %arg11[%broadcast_in_dim3A_392] : memref<256xf32, #tpu.memory_space<vmem>>[vector<16xi32>], vector<16xf32>,
        %get3A_394 = arith.index_cast %add3A_389 : i32 to index
        %get3A_395 = arith.constant 0 : index
        %get3A_396 = tpu.vector_load %arg9[%get3A_394, %get3A_395] {strides = array<i32>} : memref<128x128xf32, #tpu.memory_space<vmem>>, vector<16xf32>,
        %mul3A_397 = arith.mulf %get3A_396, %gather3A_393 : vector<16xf32>
        %swap3A_398 = arith.index_cast %add3A_389 : i32 to index
        %swap3A_399 = arith.constant 0 : index
        %swap3A_400 = tpu.vector_load %arg9[%swap3A_398, %swap3A_399] {strides = array<i32>} : memref<128x128xf32, #tpu.memory_space<vmem>>, vector<16xf32>,
        tpu.vector_store %arg9[%swap3A_398, %swap3A_399], %mul3A_397 {strides = array<i32>} : memref<128x128xf32, #tpu.memory_space<vmem>>, vector<16xf32>,
        %get3A_401 = arith.index_cast %add3A_389 : i32 to index
        %get3A_402 = arith.constant 16 : index
        %get3A_403 = tpu.vector_load %arg9[%get3A_401, %get3A_402] {strides = array<i32>} : memref<128x128xf32, #tpu.memory_space<vmem>>, vector<16xf32>,
        %mul3A_404 = arith.mulf %get3A_403, %gather3A_393 : vector<16xf32>
        %swap3A_405 = arith.index_cast %add3A_389 : i32 to index
        %swap3A_406 = arith.constant 16 : index
        %swap3A_407 = tpu.vector_load %arg9[%swap3A_405, %swap3A_406] {strides = array<i32>} : memref<128x128xf32, #tpu.memory_space<vmem>>, vector<16xf32>,
        tpu.vector_store %arg9[%swap3A_405, %swap3A_406], %mul3A_404 {strides = array<i32>} : memref<128x128xf32, #tpu.memory_space<vmem>>, vector<16xf32>,
        %get3A_408 = arith.index_cast %add3A_389 : i32 to index
        %get3A_409 = arith.constant 32 : index
        %get3A_410 = tpu.vector_load %arg9[%get3A_408, %get3A_409] {strides = array<i32>} : memref<128x128xf32, #tpu.memory_space<vmem>>, vector<16xf32>,
        %mul3A_411 = arith.mulf %get3A_410, %gather3A_393 : vector<16xf32>
        %swap3A_412 = arith.index_cast %add3A_389 : i32 to index
        %swap3A_413 = arith.constant 32 : index
        %swap3A_414 = tpu.vector_load %arg9[%swap3A_412, %swap3A_413] {strides = array<i32>} : memref<128x128xf32, #tpu.memory_space<vmem>>, vector<16xf32>,
        tpu.vector_store %arg9[%swap3A_412, %swap3A_413], %mul3A_411 {strides = array<i32>} : memref<128x128xf32, #tpu.memory_space<vmem>>, vector<16xf32>,
        %get3A_415 = arith.index_cast %add3A_389 : i32 to index
        %get3A_416 = arith.constant 48 : index
        %get3A_417 = tpu.vector_load %arg9[%get3A_415, %get3A_416] {strides = array<i32>} : memref<128x128xf32, #tpu.memory_space<vmem>>, vector<16xf32>,
        %mul3A_418 = arith.mulf %get3A_417, %gather3A_393 : vector<16xf32>
        %swap3A_419 = arith.index_cast %add3A_389 : i32 to index
        %swap3A_420 = arith.constant 48 : index
        %swap3A_421 = tpu.vector_load %arg9[%swap3A_419, %swap3A_420] {strides = array<i32>} : memref<128x128xf32, #tpu.memory_space<vmem>>, vector<16xf32>,
        tpu.vector_store %arg9[%swap3A_419, %swap3A_420], %mul3A_418 {strides = array<i32>} : memref<128x128xf32, #tpu.memory_space<vmem>>, vector<16xf32>,
        %get3A_422 = arith.index_cast %add3A_389 : i32 to index
        %get3A_423 = arith.constant 64 : index
        %get3A_424 = tpu.vector_load %arg9[%get3A_422, %get3A_423] {strides = array<i32>} : memref<128x128xf32, #tpu.memory_space<vmem>>, vector<16xf32>,
        %mul3A_425 = arith.mulf %get3A_424, %gather3A_393 : vector<16xf32>
        %swap3A_426 = arith.index_cast %add3A_389 : i32 to index
        %swap3A_427 = arith.constant 64 : index
        %swap3A_428 = tpu.vector_load %arg9[%swap3A_426, %swap3A_427] {strides = array<i32>} : memref<128x128xf32, #tpu.memory_space<vmem>>, vector<16xf32>,
        tpu.vector_store %arg9[%swap3A_426, %swap3A_427], %mul3A_425 {strides = array<i32>} : memref<128x128xf32, #tpu.memory_space<vmem>>, vector<16xf32>,
        %get3A_429 = arith.index_cast %add3A_389 : i32 to index
        %get3A_430 = arith.constant 80 : index
        %get3A_431 = tpu.vector_load %arg9[%get3A_429, %get3A_430] {strides = array<i32>} : memref<128x128xf32, #tpu.memory_space<vmem>>, vector<16xf32>,
        %mul3A_432 = arith.mulf %get3A_431, %gather3A_393 : vector<16xf32>
        %swap3A_433 = arith.index_cast %add3A_389 : i32 to index
        %swap3A_434 = arith.constant 80 : index
        %swap3A_435 = tpu.vector_load %arg9[%swap3A_433, %swap3A_434] {strides = array<i32>} : memref<128x128xf32, #tpu.memory_space<vmem>>, vector<16xf32>,
        tpu.vector_store %arg9[%swap3A_433, %swap3A_434], %mul3A_432 {strides = array<i32>} : memref<128x128xf32, #tpu.memory_space<vmem>>, vector<16xf32>,
        %get3A_436 = arith.index_cast %add3A_389 : i32 to index
        %get3A_437 = arith.constant 96 : index
        %get3A_438 = tpu.vector_load %arg9[%get3A_436, %get3A_437] {strides = array<i32>} : memref<128x128xf32, #tpu.memory_space<vmem>>, vector<16xf32>,
        %mul3A_439 = arith.mulf %get3A_438, %gather3A_393 : vector<16xf32>
        %swap3A_440 = arith.index_cast %add3A_389 : i32 to index
        %swap3A_441 = arith.constant 96 : index
        %swap3A_442 = tpu.vector_load %arg9[%swap3A_440, %swap3A_441] {strides = array<i32>} : memref<128x128xf32, #tpu.memory_space<vmem>>, vector<16xf32>,
        tpu.vector_store %arg9[%swap3A_440, %swap3A_441], %mul3A_439 {strides = array<i32>} : memref<128x128xf32, #tpu.memory_space<vmem>>, vector<16xf32>,
        %get3A_443 = arith.index_cast %add3A_389 : i32 to index
        %get3A_444 = arith.constant 112 : index
        %get3A_445 = tpu.vector_load %arg9[%get3A_443, %get3A_444] {strides = array<i32>} : memref<128x128xf32, #tpu.memory_space<vmem>>, vector<16xf32>,
        %mul3A_446 = arith.mulf %get3A_445, %gather3A_393 : vector<16xf32>
        %swap3A_447 = arith.index_cast %add3A_389 : i32 to index
        %swap3A_448 = arith.constant 112 : index
        %swap3A_449 = tpu.vector_load %arg9[%swap3A_447, %swap3A_448] {strides = array<i32>} : memref<128x128xf32, #tpu.memory_space<vmem>>, vector<16xf32>,
        tpu.vector_store %arg9[%swap3A_447, %swap3A_448], %mul3A_446 {strides = array<i32>} : memref<128x128xf32, #tpu.memory_space<vmem>>, vector<16xf32>,
      }
      %scan3A_106 = arith.constant 32 : i32
      %dma_start3A_107 = arith.constant 0 : i32
      %dma_start3A_108 = arith.constant 0 : i32
      %dma_start3A_109 = tpu.memref_slice %arg8[%dma_start3A_107, %dma_start3A_108] : memref<2x128xi32, #tpu.memory_space<vmem>> -> memref<1x128xi32, #tpu.memory_space<vmem>>
      %dma_start3A_110 = tpu.memref_squeeze %dma_start3A_109 : memref<1x128xi32, #tpu.memory_space<vmem>> -> memref<128xi32, #tpu.memory_space<vmem>>
      %dma_start3A_111 = arith.constant 0 : i32
      %dma_start3A_112 = arith.constant 0 : i32
      %dma_start3A_113 = tpu.memref_slice %arg12[%dma_start3A_111, %dma_start3A_112] : memref<10240x128xf32, #tpu.memory_space<vmem_shared>> -> memref<10240x128xf32, #tpu.memory_space<vmem_shared>>
      tpu.enqueue_indirect_dma source(%arg9 : memref<128x128xf32, #tpu.memory_space<vmem>>) target(%dma_start3A_113 : memref<10240x128xf32, #tpu.memory_space<vmem_shared>>) offsets(%dma_start3A_110 : memref<128xi32, #tpu.memory_space<vmem>>) semaphore(%arg15 : memref<!tpu.dma_semaphore, #tpu.memory_space<semaphore_mem>>) {add = true}
      %gt3A = arith.constant 0 : i32
      %gt3A_114 = arith.cmpi sgt, %add3A_66, %gt3A : i32
      %convert_element_type3A = arith.extui %gt3A_114 : i1 to i32
      %cond3A = arith.constant 0 : i32
      %cond3A_115 = arith.cmpi ne, %convert_element_type3A, %cond3A : i32
      scf.if %cond3A_115 {
        %dma_wait3A_201 = arith.constant 1 : i32
        %dma_wait3A_202 = arith.constant 0 : i32
        %dma_wait3A_203 = tpu.memref_slice %arg8[%dma_wait3A_201, %dma_wait3A_202] : memref<2x128xi32, #tpu.memory_space<vmem>> -> memref<1x128xi32, #tpu.memory_space<vmem>>
        %dma_wait3A_204 = tpu.memref_squeeze %dma_wait3A_203 : memref<1x128xi32, #tpu.memory_space<vmem>> -> memref<128xi32, #tpu.memory_space<vmem>>
        %dma_wait3A_205 = arith.constant 0 : i32
        %dma_wait3A_206 = arith.constant 0 : i32
        %dma_wait3A_207 = tpu.memref_slice %arg12[%dma_wait3A_205, %dma_wait3A_206] : memref<10240x128xf32, #tpu.memory_space<vmem_shared>> -> memref<10240x128xf32, #tpu.memory_space<vmem_shared>>
        tpu.wait_indirect_dma semaphore(%arg16 : memref<!tpu.dma_semaphore, #tpu.memory_space<semaphore_mem>>) src(%arg10 : memref<128x128xf32, #tpu.memory_space<vmem>>) dst(%dma_wait3A_207 : memref<10240x128xf32, #tpu.memory_space<vmem_shared>>)
      } else {
      }
      %mul3A_116 = arith.constant 128 : i32
      %mul3A_117 = arith.muli %add3A_70, %mul3A_116 : i32
      %dma_start3A_118 = tpu.memref_slice %arg7[%mul3A_117] : memref<10240xi32, #tpu.memory_space<vmem>> -> memref<128xi32, #tpu.memory_space<vmem>>
      %dma_start3A_119 = arith.constant 0 : i32
      %dma_start3A_120 = arith.constant 0 : i32
      %dma_start3A_121 = tpu.memref_slice %arg2[%dma_start3A_119, %dma_start3A_120] : memref<20480x128xf32, #tpu.memory_space<hbm>> -> memref<20480x128xf32, #tpu.memory_space<hbm>>
      tpu.enqueue_indirect_dma source(%dma_start3A_121 : memref<20480x128xf32, #tpu.memory_space<hbm>>) target(%arg10 : memref<128x128xf32, #tpu.memory_space<vmem>>) offsets(%dma_start3A_118 : memref<128xi32, #tpu.memory_space<vmem>>) semaphore(%arg14 : memref<!tpu.dma_semaphore, #tpu.memory_space<semaphore_mem>>)
      %mul3A_122 = arith.constant 80 : i32
      %mul3A_123 = arith.muli %arg1, %mul3A_122 : i32
      %add3A_124 = arith.addi %mul3A_123, %add3A_70 : i32
      %dma_start3A_125 = arith.constant 1 : i32
      %dma_start3A_126 = arith.constant 0 : i32
      %dma_start3A_127 = tpu.memref_slice %arg8[%dma_start3A_125, %dma_start3A_126] : memref<2x128xi32, #tpu.memory_space<vmem>> -> memref<1x128xi32, #tpu.memory_space<vmem>>
      %dma_start3A_128 = tpu.memref_squeeze %dma_start3A_127 : memref<1x128xi32, #tpu.memory_space<vmem>> -> memref<128xi32, #tpu.memory_space<vmem>>
      %dma_start3A_129 = arith.constant 0 : i32
      %dma_start3A_130 = tpu.memref_slice %arg4[%add3A_124, %dma_start3A_129] : memref<1280x128xi32, #tpu.memory_space<hbm>> -> memref<1x128xi32, #tpu.memory_space<hbm>>
      %dma_start3A_131 = tpu.memref_squeeze %dma_start3A_130 : memref<1x128xi32, #tpu.memory_space<hbm>> -> memref<128xi32, #tpu.memory_space<hbm>>
      %dma_start3A_132 = arith.constant 0 : i32
      %dma_start3A_133 = tpu.memref_slice %arg8[%dma_start3A_125, %dma_start3A_132] : memref<2x128xi32, #tpu.memory_space<vmem>> -> memref<1x128xi32, #tpu.memory_space<vmem>>
      %dma_start3A_134 = tpu.memref_squeeze %dma_start3A_133 : memref<1x128xi32, #tpu.memory_space<vmem>> -> memref<128xi32, #tpu.memory_space<vmem>>
      %dma_start3A_135 = arith.constant 0 : i32
      %dma_start3A_136 = tpu.memref_slice %arg4[%add3A_124, %dma_start3A_135] : memref<1280x128xi32, #tpu.memory_space<hbm>> -> memref<1x128xi32, #tpu.memory_space<hbm>>
      %dma_start3A_137 = tpu.memref_squeeze %dma_start3A_136 : memref<1x128xi32, #tpu.memory_space<hbm>> -> memref<128xi32, #tpu.memory_space<hbm>>
      tpu.enqueue_dma source(%dma_start3A_137 : memref<128xi32, #tpu.memory_space<hbm>>) target(%dma_start3A_134 : memref<128xi32, #tpu.memory_space<vmem>>) target_semaphore(%arg14 : memref<!tpu.dma_semaphore, #tpu.memory_space<semaphore_mem>>)
      %mul3A_138 = arith.constant 128 : i32
      %mul3A_139 = arith.muli %add3A_70, %mul3A_138 : i32
      %add3A_140 = arith.addi %mul3A_0, %mul3A_139 : i32
      %dma_start3A_141 = arith.constant 128 : i32
      %dma_start3A_142 = tpu.memref_slice %arg11[%dma_start3A_141] : memref<256xf32, #tpu.memory_space<vmem>> -> memref<128xf32, #tpu.memory_space<vmem>>
      %dma_start3A_143 = tpu.memref_slice %arg5[%add3A_140] : memref<163840xf32, #tpu.memory_space<hbm>> -> memref<128xf32, #tpu.memory_space<hbm>>
      %dma_start3A_144 = arith.constant 128 : i32
      %dma_start3A_145 = tpu.memref_slice %arg11[%dma_start3A_144] : memref<256xf32, #tpu.memory_space<vmem>> -> memref<128xf32, #tpu.memory_space<vmem>>
      %dma_start3A_146 = tpu.memref_slice %arg5[%add3A_140] : memref<163840xf32, #tpu.memory_space<hbm>> -> memref<128xf32, #tpu.memory_space<hbm>>
      tpu.enqueue_dma source(%dma_start3A_146 : memref<128xf32, #tpu.memory_space<hbm>>) target(%dma_start3A_145 : memref<128xf32, #tpu.memory_space<vmem>>) target_semaphore(%arg14 : memref<!tpu.dma_semaphore, #tpu.memory_space<semaphore_mem>>)
      %mul3A_147 = arith.constant 128 : i32
      %mul3A_148 = arith.muli %add3A_70, %mul3A_147 : i32
      %dma_wait3A_149 = tpu.memref_slice %arg7[%mul3A_148] : memref<10240xi32, #tpu.memory_space<vmem>> -> memref<128xi32, #tpu.memory_space<vmem>>
      %dma_wait3A_150 = arith.constant 0 : i32
      %dma_wait3A_151 = arith.constant 0 : i32
      %dma_wait3A_152 = tpu.memref_slice %arg2[%dma_wait3A_150, %dma_wait3A_151] : memref<20480x128xf32, #tpu.memory_space<hbm>> -> memref<20480x128xf32, #tpu.memory_space<hbm>>
      tpu.wait_indirect_dma semaphore(%arg14 : memref<!tpu.dma_semaphore, #tpu.memory_space<semaphore_mem>>) src(%dma_wait3A_152 : memref<20480x128xf32, #tpu.memory_space<hbm>>) dst(%arg10 : memref<128x128xf32, #tpu.memory_space<vmem>>)
      %mul3A_153 = arith.constant 80 : i32
      %mul3A_154 = arith.muli %arg1, %mul3A_153 : i32
      %add3A_155 = arith.addi %mul3A_154, %add3A_70 : i32
      %dma_wait3A_156 = arith.constant 1 : i32
      %dma_wait3A_157 = arith.constant 0 : i32
      %dma_wait3A_158 = tpu.memref_slice %arg8[%dma_wait3A_156, %dma_wait3A_157] : memref<2x128xi32, #tpu.memory_space<vmem>> -> memref<1x128xi32, #tpu.memory_space<vmem>>
      %dma_wait3A_159 = tpu.memref_squeeze %dma_wait3A_158 : memref<1x128xi32, #tpu.memory_space<vmem>> -> memref<128xi32, #tpu.memory_space<vmem>>
      %dma_wait3A_160 = arith.constant 0 : i32
      %dma_wait3A_161 = tpu.memref_slice %arg4[%add3A_155, %dma_wait3A_160] : memref<1280x128xi32, #tpu.memory_space<hbm>> -> memref<1x128xi32, #tpu.memory_space<hbm>>
      %dma_wait3A_162 = tpu.memref_squeeze %dma_wait3A_161 : memref<1x128xi32, #tpu.memory_space<hbm>> -> memref<128xi32, #tpu.memory_space<hbm>>
      %dma_wait3A_163 = arith.constant 0 : i32
      %dma_wait3A_164 = tpu.memref_slice %arg8[%dma_wait3A_156, %dma_wait3A_163] : memref<2x128xi32, #tpu.memory_space<vmem>> -> memref<1x128xi32, #tpu.memory_space<vmem>>
      %dma_wait3A_165 = tpu.memref_squeeze %dma_wait3A_164 : memref<1x128xi32, #tpu.memory_space<vmem>> -> memref<128xi32, #tpu.memory_space<vmem>>
      %dma_wait3A_166 = arith.constant 0 : i32
      %dma_wait3A_167 = tpu.memref_slice %arg4[%add3A_155, %dma_wait3A_166] : memref<1280x128xi32, #tpu.memory_space<hbm>> -> memref<1x128xi32, #tpu.memory_space<hbm>>
      %dma_wait3A_168 = tpu.memref_squeeze %dma_wait3A_167 : memref<1x128xi32, #tpu.memory_space<hbm>> -> memref<128xi32, #tpu.memory_space<hbm>>
      tpu.wait_dma2 semaphore(%arg14 : memref<!tpu.dma_semaphore, #tpu.memory_space<semaphore_mem>>) src(%dma_wait3A_168 : memref<128xi32, #tpu.memory_space<hbm>>) dst(%dma_wait3A_165 : memref<128xi32, #tpu.memory_space<vmem>>)
      %mul3A_169 = arith.constant 128 : i32
      %mul3A_170 = arith.muli %add3A_70, %mul3A_169 : i32
      %add3A_171 = arith.addi %mul3A_0, %mul3A_170 : i32
      %dma_wait3A_172 = arith.constant 128 : i32
      %dma_wait3A_173 = tpu.memref_slice %arg11[%dma_wait3A_172] : memref<256xf32, #tpu.memory_space<vmem>> -> memref<128xf32, #tpu.memory_space<vmem>>
      %dma_wait3A_174 = tpu.memref_slice %arg5[%add3A_171] : memref<163840xf32, #tpu.memory_space<hbm>> -> memref<128xf32, #tpu.memory_space<hbm>>
      %dma_wait3A_175 = arith.constant 128 : i32
      %dma_wait3A_176 = tpu.memref_slice %arg11[%dma_wait3A_175] : memref<256xf32, #tpu.memory_space<vmem>> -> memref<128xf32, #tpu.memory_space<vmem>>
      %dma_wait3A_177 = tpu.memref_slice %arg5[%add3A_171] : memref<163840xf32, #tpu.memory_space<hbm>> -> memref<128xf32, #tpu.memory_space<hbm>>
      tpu.wait_dma2 semaphore(%arg14 : memref<!tpu.dma_semaphore, #tpu.memory_space<semaphore_mem>>) src(%dma_wait3A_177 : memref<128xf32, #tpu.memory_space<hbm>>) dst(%dma_wait3A_176 : memref<128xf32, #tpu.memory_space<vmem>>)
      %scan3A_178 = arith.constant 0 : i32
      %scan3A_179 = arith.constant 32 : i32
      %scan3A_180 = arith.addi %scan3A_178, %scan3A_179 : i32
      %scan3A_181 = arith.constant 1 : i32
      scf.for %scan3A_201 = %scan3A_178 to %scan3A_180 step %scan3A_181  : i32 {
        %mul3A_202 = arith.constant 4 : i32
        %mul3A_203 = arith.muli %scan3A_201, %mul3A_202 : i32
        %add3A_204 = arith.constant 0 : i32
        %add3A_205 = arith.addi %add3A_204, %mul3A_203 : i32
        %add3A_206 = arith.constant 0 : i32
        %add3A_207 = arith.addi %add3A_205, %add3A_206 : i32
        %add3A_208 = arith.constant 128 : i32
        %add3A_209 = arith.addi %add3A_208, %add3A_207 : i32
        %broadcast_in_dim3A = vector.broadcast %add3A_209 : i32 to vector<16xi32>
        %gather3A = tpu.vector_load_idx %arg11[%broadcast_in_dim3A] : memref<256xf32, #tpu.memory_space<vmem>>[vector<16xi32>], vector<16xf32>,
        %get3A = arith.index_cast %add3A_207 : i32 to index
        %get3A_210 = arith.constant 0 : index
        %get3A_211 = tpu.vector_load %arg10[%get3A, %get3A_210] {strides = array<i32>} : memref<128x128xf32, #tpu.memory_space<vmem>>, vector<16xf32>,
        %mul3A_212 = arith.mulf %get3A_211, %gather3A : vector<16xf32>
        %swap3A = arith.index_cast %add3A_207 : i32 to index
        %swap3A_213 = arith.constant 0 : index
        %swap3A_214 = tpu.vector_load %arg10[%swap3A, %swap3A_213] {strides = array<i32>} : memref<128x128xf32, #tpu.memory_space<vmem>>, vector<16xf32>,
        tpu.vector_store %arg10[%swap3A, %swap3A_213], %mul3A_212 {strides = array<i32>} : memref<128x128xf32, #tpu.memory_space<vmem>>, vector<16xf32>,
        %get3A_215 = arith.index_cast %add3A_207 : i32 to index
        %get3A_216 = arith.constant 16 : index
        %get3A_217 = tpu.vector_load %arg10[%get3A_215, %get3A_216] {strides = array<i32>} : memref<128x128xf32, #tpu.memory_space<vmem>>, vector<16xf32>,
        %mul3A_218 = arith.mulf %get3A_217, %gather3A : vector<16xf32>
        %swap3A_219 = arith.index_cast %add3A_207 : i32 to index
        %swap3A_220 = arith.constant 16 : index
        %swap3A_221 = tpu.vector_load %arg10[%swap3A_219, %swap3A_220] {strides = array<i32>} : memref<128x128xf32, #tpu.memory_space<vmem>>, vector<16xf32>,
        tpu.vector_store %arg10[%swap3A_219, %swap3A_220], %mul3A_218 {strides = array<i32>} : memref<128x128xf32, #tpu.memory_space<vmem>>, vector<16xf32>,
        %get3A_222 = arith.index_cast %add3A_207 : i32 to index
        %get3A_223 = arith.constant 32 : index
        %get3A_224 = tpu.vector_load %arg10[%get3A_222, %get3A_223] {strides = array<i32>} : memref<128x128xf32, #tpu.memory_space<vmem>>, vector<16xf32>,
        %mul3A_225 = arith.mulf %get3A_224, %gather3A : vector<16xf32>
        %swap3A_226 = arith.index_cast %add3A_207 : i32 to index
        %swap3A_227 = arith.constant 32 : index
        %swap3A_228 = tpu.vector_load %arg10[%swap3A_226, %swap3A_227] {strides = array<i32>} : memref<128x128xf32, #tpu.memory_space<vmem>>, vector<16xf32>,
        tpu.vector_store %arg10[%swap3A_226, %swap3A_227], %mul3A_225 {strides = array<i32>} : memref<128x128xf32, #tpu.memory_space<vmem>>, vector<16xf32>,
        %get3A_229 = arith.index_cast %add3A_207 : i32 to index
        %get3A_230 = arith.constant 48 : index
        %get3A_231 = tpu.vector_load %arg10[%get3A_229, %get3A_230] {strides = array<i32>} : memref<128x128xf32, #tpu.memory_space<vmem>>, vector<16xf32>,
        %mul3A_232 = arith.mulf %get3A_231, %gather3A : vector<16xf32>
        %swap3A_233 = arith.index_cast %add3A_207 : i32 to index
        %swap3A_234 = arith.constant 48 : index
        %swap3A_235 = tpu.vector_load %arg10[%swap3A_233, %swap3A_234] {strides = array<i32>} : memref<128x128xf32, #tpu.memory_space<vmem>>, vector<16xf32>,
        tpu.vector_store %arg10[%swap3A_233, %swap3A_234], %mul3A_232 {strides = array<i32>} : memref<128x128xf32, #tpu.memory_space<vmem>>, vector<16xf32>,
        %get3A_236 = arith.index_cast %add3A_207 : i32 to index
        %get3A_237 = arith.constant 64 : index
        %get3A_238 = tpu.vector_load %arg10[%get3A_236, %get3A_237] {strides = array<i32>} : memref<128x128xf32, #tpu.memory_space<vmem>>, vector<16xf32>,
        %mul3A_239 = arith.mulf %get3A_238, %gather3A : vector<16xf32>
        %swap3A_240 = arith.index_cast %add3A_207 : i32 to index
        %swap3A_241 = arith.constant 64 : index
        %swap3A_242 = tpu.vector_load %arg10[%swap3A_240, %swap3A_241] {strides = array<i32>} : memref<128x128xf32, #tpu.memory_space<vmem>>, vector<16xf32>,
        tpu.vector_store %arg10[%swap3A_240, %swap3A_241], %mul3A_239 {strides = array<i32>} : memref<128x128xf32, #tpu.memory_space<vmem>>, vector<16xf32>,
        %get3A_243 = arith.index_cast %add3A_207 : i32 to index
        %get3A_244 = arith.constant 80 : index
        %get3A_245 = tpu.vector_load %arg10[%get3A_243, %get3A_244] {strides = array<i32>} : memref<128x128xf32, #tpu.memory_space<vmem>>, vector<16xf32>,
        %mul3A_246 = arith.mulf %get3A_245, %gather3A : vector<16xf32>
        %swap3A_247 = arith.index_cast %add3A_207 : i32 to index
        %swap3A_248 = arith.constant 80 : index
        %swap3A_249 = tpu.vector_load %arg10[%swap3A_247, %swap3A_248] {strides = array<i32>} : memref<128x128xf32, #tpu.memory_space<vmem>>, vector<16xf32>,
        tpu.vector_store %arg10[%swap3A_247, %swap3A_248], %mul3A_246 {strides = array<i32>} : memref<128x128xf32, #tpu.memory_space<vmem>>, vector<16xf32>,
        %get3A_250 = arith.index_cast %add3A_207 : i32 to index
        %get3A_251 = arith.constant 96 : index
        %get3A_252 = tpu.vector_load %arg10[%get3A_250, %get3A_251] {strides = array<i32>} : memref<128x128xf32, #tpu.memory_space<vmem>>, vector<16xf32>,
        %mul3A_253 = arith.mulf %get3A_252, %gather3A : vector<16xf32>
        %swap3A_254 = arith.index_cast %add3A_207 : i32 to index
        %swap3A_255 = arith.constant 96 : index
        %swap3A_256 = tpu.vector_load %arg10[%swap3A_254, %swap3A_255] {strides = array<i32>} : memref<128x128xf32, #tpu.memory_space<vmem>>, vector<16xf32>,
        tpu.vector_store %arg10[%swap3A_254, %swap3A_255], %mul3A_253 {strides = array<i32>} : memref<128x128xf32, #tpu.memory_space<vmem>>, vector<16xf32>,
        %get3A_257 = arith.index_cast %add3A_207 : i32 to index
        %get3A_258 = arith.constant 112 : index
        %get3A_259 = tpu.vector_load %arg10[%get3A_257, %get3A_258] {strides = array<i32>} : memref<128x128xf32, #tpu.memory_space<vmem>>, vector<16xf32>,
        %mul3A_260 = arith.mulf %get3A_259, %gather3A : vector<16xf32>
        %swap3A_261 = arith.index_cast %add3A_207 : i32 to index
        %swap3A_262 = arith.constant 112 : index
        %swap3A_263 = tpu.vector_load %arg10[%swap3A_261, %swap3A_262] {strides = array<i32>} : memref<128x128xf32, #tpu.memory_space<vmem>>, vector<16xf32>,
        tpu.vector_store %arg10[%swap3A_261, %swap3A_262], %mul3A_260 {strides = array<i32>} : memref<128x128xf32, #tpu.memory_space<vmem>>, vector<16xf32>,
        %add3A_264 = arith.constant 1 : i32
        %add3A_265 = arith.addi %add3A_205, %add3A_264 : i32
        %add3A_266 = arith.constant 128 : i32
        %add3A_267 = arith.addi %add3A_266, %add3A_265 : i32
        %broadcast_in_dim3A_268 = vector.broadcast %add3A_267 : i32 to vector<16xi32>
        %gather3A_269 = tpu.vector_load_idx %arg11[%broadcast_in_dim3A_268] : memref<256xf32, #tpu.memory_space<vmem>>[vector<16xi32>], vector<16xf32>,
        %get3A_270 = arith.index_cast %add3A_265 : i32 to index
        %get3A_271 = arith.constant 0 : index
        %get3A_272 = tpu.vector_load %arg10[%get3A_270, %get3A_271] {strides = array<i32>} : memref<128x128xf32, #tpu.memory_space<vmem>>, vector<16xf32>,
        %mul3A_273 = arith.mulf %get3A_272, %gather3A_269 : vector<16xf32>
        %swap3A_274 = arith.index_cast %add3A_265 : i32 to index
        %swap3A_275 = arith.constant 0 : index
        %swap3A_276 = tpu.vector_load %arg10[%swap3A_274, %swap3A_275] {strides = array<i32>} : memref<128x128xf32, #tpu.memory_space<vmem>>, vector<16xf32>,
        tpu.vector_store %arg10[%swap3A_274, %swap3A_275], %mul3A_273 {strides = array<i32>} : memref<128x128xf32, #tpu.memory_space<vmem>>, vector<16xf32>,
        %get3A_277 = arith.index_cast %add3A_265 : i32 to index
        %get3A_278 = arith.constant 16 : index
        %get3A_279 = tpu.vector_load %arg10[%get3A_277, %get3A_278] {strides = array<i32>} : memref<128x128xf32, #tpu.memory_space<vmem>>, vector<16xf32>,
        %mul3A_280 = arith.mulf %get3A_279, %gather3A_269 : vector<16xf32>
        %swap3A_281 = arith.index_cast %add3A_265 : i32 to index
        %swap3A_282 = arith.constant 16 : index
        %swap3A_283 = tpu.vector_load %arg10[%swap3A_281, %swap3A_282] {strides = array<i32>} : memref<128x128xf32, #tpu.memory_space<vmem>>, vector<16xf32>,
        tpu.vector_store %arg10[%swap3A_281, %swap3A_282], %mul3A_280 {strides = array<i32>} : memref<128x128xf32, #tpu.memory_space<vmem>>, vector<16xf32>,
        %get3A_284 = arith.index_cast %add3A_265 : i32 to index
        %get3A_285 = arith.constant 32 : index
        %get3A_286 = tpu.vector_load %arg10[%get3A_284, %get3A_285] {strides = array<i32>} : memref<128x128xf32, #tpu.memory_space<vmem>>, vector<16xf32>,
        %mul3A_287 = arith.mulf %get3A_286, %gather3A_269 : vector<16xf32>
        %swap3A_288 = arith.index_cast %add3A_265 : i32 to index
        %swap3A_289 = arith.constant 32 : index
        %swap3A_290 = tpu.vector_load %arg10[%swap3A_288, %swap3A_289] {strides = array<i32>} : memref<128x128xf32, #tpu.memory_space<vmem>>, vector<16xf32>,
        tpu.vector_store %arg10[%swap3A_288, %swap3A_289], %mul3A_287 {strides = array<i32>} : memref<128x128xf32, #tpu.memory_space<vmem>>, vector<16xf32>,
        %get3A_291 = arith.index_cast %add3A_265 : i32 to index
        %get3A_292 = arith.constant 48 : index
        %get3A_293 = tpu.vector_load %arg10[%get3A_291, %get3A_292] {strides = array<i32>} : memref<128x128xf32, #tpu.memory_space<vmem>>, vector<16xf32>,
        %mul3A_294 = arith.mulf %get3A_293, %gather3A_269 : vector<16xf32>
        %swap3A_295 = arith.index_cast %add3A_265 : i32 to index
        %swap3A_296 = arith.constant 48 : index
        %swap3A_297 = tpu.vector_load %arg10[%swap3A_295, %swap3A_296] {strides = array<i32>} : memref<128x128xf32, #tpu.memory_space<vmem>>, vector<16xf32>,
        tpu.vector_store %arg10[%swap3A_295, %swap3A_296], %mul3A_294 {strides = array<i32>} : memref<128x128xf32, #tpu.memory_space<vmem>>, vector<16xf32>,
        %get3A_298 = arith.index_cast %add3A_265 : i32 to index
        %get3A_299 = arith.constant 64 : index
        %get3A_300 = tpu.vector_load %arg10[%get3A_298, %get3A_299] {strides = array<i32>} : memref<128x128xf32, #tpu.memory_space<vmem>>, vector<16xf32>,
        %mul3A_301 = arith.mulf %get3A_300, %gather3A_269 : vector<16xf32>
        %swap3A_302 = arith.index_cast %add3A_265 : i32 to index
        %swap3A_303 = arith.constant 64 : index
        %swap3A_304 = tpu.vector_load %arg10[%swap3A_302, %swap3A_303] {strides = array<i32>} : memref<128x128xf32, #tpu.memory_space<vmem>>, vector<16xf32>,
        tpu.vector_store %arg10[%swap3A_302, %swap3A_303], %mul3A_301 {strides = array<i32>} : memref<128x128xf32, #tpu.memory_space<vmem>>, vector<16xf32>,
        %get3A_305 = arith.index_cast %add3A_265 : i32 to index
        %get3A_306 = arith.constant 80 : index
        %get3A_307 = tpu.vector_load %arg10[%get3A_305, %get3A_306] {strides = array<i32>} : memref<128x128xf32, #tpu.memory_space<vmem>>, vector<16xf32>,
        %mul3A_308 = arith.mulf %get3A_307, %gather3A_269 : vector<16xf32>
        %swap3A_309 = arith.index_cast %add3A_265 : i32 to index
        %swap3A_310 = arith.constant 80 : index
        %swap3A_311 = tpu.vector_load %arg10[%swap3A_309, %swap3A_310] {strides = array<i32>} : memref<128x128xf32, #tpu.memory_space<vmem>>, vector<16xf32>,
        tpu.vector_store %arg10[%swap3A_309, %swap3A_310], %mul3A_308 {strides = array<i32>} : memref<128x128xf32, #tpu.memory_space<vmem>>, vector<16xf32>,
        %get3A_312 = arith.index_cast %add3A_265 : i32 to index
        %get3A_313 = arith.constant 96 : index
        %get3A_314 = tpu.vector_load %arg10[%get3A_312, %get3A_313] {strides = array<i32>} : memref<128x128xf32, #tpu.memory_space<vmem>>, vector<16xf32>,
        %mul3A_315 = arith.mulf %get3A_314, %gather3A_269 : vector<16xf32>
        %swap3A_316 = arith.index_cast %add3A_265 : i32 to index
        %swap3A_317 = arith.constant 96 : index
        %swap3A_318 = tpu.vector_load %arg10[%swap3A_316, %swap3A_317] {strides = array<i32>} : memref<128x128xf32, #tpu.memory_space<vmem>>, vector<16xf32>,
        tpu.vector_store %arg10[%swap3A_316, %swap3A_317], %mul3A_315 {strides = array<i32>} : memref<128x128xf32, #tpu.memory_space<vmem>>, vector<16xf32>,
        %get3A_319 = arith.index_cast %add3A_265 : i32 to index
        %get3A_320 = arith.constant 112 : index
        %get3A_321 = tpu.vector_load %arg10[%get3A_319, %get3A_320] {strides = array<i32>} : memref<128x128xf32, #tpu.memory_space<vmem>>, vector<16xf32>,
        %mul3A_322 = arith.mulf %get3A_321, %gather3A_269 : vector<16xf32>
        %swap3A_323 = arith.index_cast %add3A_265 : i32 to index
        %swap3A_324 = arith.constant 112 : index
        %swap3A_325 = tpu.vector_load %arg10[%swap3A_323, %swap3A_324] {strides = array<i32>} : memref<128x128xf32, #tpu.memory_space<vmem>>, vector<16xf32>,
        tpu.vector_store %arg10[%swap3A_323, %swap3A_324], %mul3A_322 {strides = array<i32>} : memref<128x128xf32, #tpu.memory_space<vmem>>, vector<16xf32>,
        %add3A_326 = arith.constant 2 : i32
        %add3A_327 = arith.addi %add3A_205, %add3A_326 : i32
        %add3A_328 = arith.constant 128 : i32
        %add3A_329 = arith.addi %add3A_328, %add3A_327 : i32
        %broadcast_in_dim3A_330 = vector.broadcast %add3A_329 : i32 to vector<16xi32>
        %gather3A_331 = tpu.vector_load_idx %arg11[%broadcast_in_dim3A_330] : memref<256xf32, #tpu.memory_space<vmem>>[vector<16xi32>], vector<16xf32>,
        %get3A_332 = arith.index_cast %add3A_327 : i32 to index
        %get3A_333 = arith.constant 0 : index
        %get3A_334 = tpu.vector_load %arg10[%get3A_332, %get3A_333] {strides = array<i32>} : memref<128x128xf32, #tpu.memory_space<vmem>>, vector<16xf32>,
        %mul3A_335 = arith.mulf %get3A_334, %gather3A_331 : vector<16xf32>
        %swap3A_336 = arith.index_cast %add3A_327 : i32 to index
        %swap3A_337 = arith.constant 0 : index
        %swap3A_338 = tpu.vector_load %arg10[%swap3A_336, %swap3A_337] {strides = array<i32>} : memref<128x128xf32, #tpu.memory_space<vmem>>, vector<16xf32>,
        tpu.vector_store %arg10[%swap3A_336, %swap3A_337], %mul3A_335 {strides = array<i32>} : memref<128x128xf32, #tpu.memory_space<vmem>>, vector<16xf32>,
        %get3A_339 = arith.index_cast %add3A_327 : i32 to index
        %get3A_340 = arith.constant 16 : index
        %get3A_341 = tpu.vector_load %arg10[%get3A_339, %get3A_340] {strides = array<i32>} : memref<128x128xf32, #tpu.memory_space<vmem>>, vector<16xf32>,
        %mul3A_342 = arith.mulf %get3A_341, %gather3A_331 : vector<16xf32>
        %swap3A_343 = arith.index_cast %add3A_327 : i32 to index
        %swap3A_344 = arith.constant 16 : index
        %swap3A_345 = tpu.vector_load %arg10[%swap3A_343, %swap3A_344] {strides = array<i32>} : memref<128x128xf32, #tpu.memory_space<vmem>>, vector<16xf32>,
        tpu.vector_store %arg10[%swap3A_343, %swap3A_344], %mul3A_342 {strides = array<i32>} : memref<128x128xf32, #tpu.memory_space<vmem>>, vector<16xf32>,
        %get3A_346 = arith.index_cast %add3A_327 : i32 to index
        %get3A_347 = arith.constant 32 : index
        %get3A_348 = tpu.vector_load %arg10[%get3A_346, %get3A_347] {strides = array<i32>} : memref<128x128xf32, #tpu.memory_space<vmem>>, vector<16xf32>,
        %mul3A_349 = arith.mulf %get3A_348, %gather3A_331 : vector<16xf32>
        %swap3A_350 = arith.index_cast %add3A_327 : i32 to index
        %swap3A_351 = arith.constant 32 : index
        %swap3A_352 = tpu.vector_load %arg10[%swap3A_350, %swap3A_351] {strides = array<i32>} : memref<128x128xf32, #tpu.memory_space<vmem>>, vector<16xf32>,
        tpu.vector_store %arg10[%swap3A_350, %swap3A_351], %mul3A_349 {strides = array<i32>} : memref<128x128xf32, #tpu.memory_space<vmem>>, vector<16xf32>,
        %get3A_353 = arith.index_cast %add3A_327 : i32 to index
        %get3A_354 = arith.constant 48 : index
        %get3A_355 = tpu.vector_load %arg10[%get3A_353, %get3A_354] {strides = array<i32>} : memref<128x128xf32, #tpu.memory_space<vmem>>, vector<16xf32>,
        %mul3A_356 = arith.mulf %get3A_355, %gather3A_331 : vector<16xf32>
        %swap3A_357 = arith.index_cast %add3A_327 : i32 to index
        %swap3A_358 = arith.constant 48 : index
        %swap3A_359 = tpu.vector_load %arg10[%swap3A_357, %swap3A_358] {strides = array<i32>} : memref<128x128xf32, #tpu.memory_space<vmem>>, vector<16xf32>,
        tpu.vector_store %arg10[%swap3A_357, %swap3A_358], %mul3A_356 {strides = array<i32>} : memref<128x128xf32, #tpu.memory_space<vmem>>, vector<16xf32>,
        %get3A_360 = arith.index_cast %add3A_327 : i32 to index
        %get3A_361 = arith.constant 64 : index
        %get3A_362 = tpu.vector_load %arg10[%get3A_360, %get3A_361] {strides = array<i32>} : memref<128x128xf32, #tpu.memory_space<vmem>>, vector<16xf32>,
        %mul3A_363 = arith.mulf %get3A_362, %gather3A_331 : vector<16xf32>
        %swap3A_364 = arith.index_cast %add3A_327 : i32 to index
        %swap3A_365 = arith.constant 64 : index
        %swap3A_366 = tpu.vector_load %arg10[%swap3A_364, %swap3A_365] {strides = array<i32>} : memref<128x128xf32, #tpu.memory_space<vmem>>, vector<16xf32>,
        tpu.vector_store %arg10[%swap3A_364, %swap3A_365], %mul3A_363 {strides = array<i32>} : memref<128x128xf32, #tpu.memory_space<vmem>>, vector<16xf32>,
        %get3A_367 = arith.index_cast %add3A_327 : i32 to index
        %get3A_368 = arith.constant 80 : index
        %get3A_369 = tpu.vector_load %arg10[%get3A_367, %get3A_368] {strides = array<i32>} : memref<128x128xf32, #tpu.memory_space<vmem>>, vector<16xf32>,
        %mul3A_370 = arith.mulf %get3A_369, %gather3A_331 : vector<16xf32>
        %swap3A_371 = arith.index_cast %add3A_327 : i32 to index
        %swap3A_372 = arith.constant 80 : index
        %swap3A_373 = tpu.vector_load %arg10[%swap3A_371, %swap3A_372] {strides = array<i32>} : memref<128x128xf32, #tpu.memory_space<vmem>>, vector<16xf32>,
        tpu.vector_store %arg10[%swap3A_371, %swap3A_372], %mul3A_370 {strides = array<i32>} : memref<128x128xf32, #tpu.memory_space<vmem>>, vector<16xf32>,
        %get3A_374 = arith.index_cast %add3A_327 : i32 to index
        %get3A_375 = arith.constant 96 : index
        %get3A_376 = tpu.vector_load %arg10[%get3A_374, %get3A_375] {strides = array<i32>} : memref<128x128xf32, #tpu.memory_space<vmem>>, vector<16xf32>,
        %mul3A_377 = arith.mulf %get3A_376, %gather3A_331 : vector<16xf32>
        %swap3A_378 = arith.index_cast %add3A_327 : i32 to index
        %swap3A_379 = arith.constant 96 : index
        %swap3A_380 = tpu.vector_load %arg10[%swap3A_378, %swap3A_379] {strides = array<i32>} : memref<128x128xf32, #tpu.memory_space<vmem>>, vector<16xf32>,
        tpu.vector_store %arg10[%swap3A_378, %swap3A_379], %mul3A_377 {strides = array<i32>} : memref<128x128xf32, #tpu.memory_space<vmem>>, vector<16xf32>,
        %get3A_381 = arith.index_cast %add3A_327 : i32 to index
        %get3A_382 = arith.constant 112 : index
        %get3A_383 = tpu.vector_load %arg10[%get3A_381, %get3A_382] {strides = array<i32>} : memref<128x128xf32, #tpu.memory_space<vmem>>, vector<16xf32>,
        %mul3A_384 = arith.mulf %get3A_383, %gather3A_331 : vector<16xf32>
        %swap3A_385 = arith.index_cast %add3A_327 : i32 to index
        %swap3A_386 = arith.constant 112 : index
        %swap3A_387 = tpu.vector_load %arg10[%swap3A_385, %swap3A_386] {strides = array<i32>} : memref<128x128xf32, #tpu.memory_space<vmem>>, vector<16xf32>,
        tpu.vector_store %arg10[%swap3A_385, %swap3A_386], %mul3A_384 {strides = array<i32>} : memref<128x128xf32, #tpu.memory_space<vmem>>, vector<16xf32>,
        %add3A_388 = arith.constant 3 : i32
        %add3A_389 = arith.addi %add3A_205, %add3A_388 : i32
        %add3A_390 = arith.constant 128 : i32
        %add3A_391 = arith.addi %add3A_390, %add3A_389 : i32
        %broadcast_in_dim3A_392 = vector.broadcast %add3A_391 : i32 to vector<16xi32>
        %gather3A_393 = tpu.vector_load_idx %arg11[%broadcast_in_dim3A_392] : memref<256xf32, #tpu.memory_space<vmem>>[vector<16xi32>], vector<16xf32>,
        %get3A_394 = arith.index_cast %add3A_389 : i32 to index
        %get3A_395 = arith.constant 0 : index
        %get3A_396 = tpu.vector_load %arg10[%get3A_394, %get3A_395] {strides = array<i32>} : memref<128x128xf32, #tpu.memory_space<vmem>>, vector<16xf32>,
        %mul3A_397 = arith.mulf %get3A_396, %gather3A_393 : vector<16xf32>
        %swap3A_398 = arith.index_cast %add3A_389 : i32 to index
        %swap3A_399 = arith.constant 0 : index
        %swap3A_400 = tpu.vector_load %arg10[%swap3A_398, %swap3A_399] {strides = array<i32>} : memref<128x128xf32, #tpu.memory_space<vmem>>, vector<16xf32>,
        tpu.vector_store %arg10[%swap3A_398, %swap3A_399], %mul3A_397 {strides = array<i32>} : memref<128x128xf32, #tpu.memory_space<vmem>>, vector<16xf32>,
        %get3A_401 = arith.index_cast %add3A_389 : i32 to index
        %get3A_402 = arith.constant 16 : index
        %get3A_403 = tpu.vector_load %arg10[%get3A_401, %get3A_402] {strides = array<i32>} : memref<128x128xf32, #tpu.memory_space<vmem>>, vector<16xf32>,
        %mul3A_404 = arith.mulf %get3A_403, %gather3A_393 : vector<16xf32>
        %swap3A_405 = arith.index_cast %add3A_389 : i32 to index
        %swap3A_406 = arith.constant 16 : index
        %swap3A_407 = tpu.vector_load %arg10[%swap3A_405, %swap3A_406] {strides = array<i32>} : memref<128x128xf32, #tpu.memory_space<vmem>>, vector<16xf32>,
        tpu.vector_store %arg10[%swap3A_405, %swap3A_406], %mul3A_404 {strides = array<i32>} : memref<128x128xf32, #tpu.memory_space<vmem>>, vector<16xf32>,
        %get3A_408 = arith.index_cast %add3A_389 : i32 to index
        %get3A_409 = arith.constant 32 : index
        %get3A_410 = tpu.vector_load %arg10[%get3A_408, %get3A_409] {strides = array<i32>} : memref<128x128xf32, #tpu.memory_space<vmem>>, vector<16xf32>,
        %mul3A_411 = arith.mulf %get3A_410, %gather3A_393 : vector<16xf32>
        %swap3A_412 = arith.index_cast %add3A_389 : i32 to index
        %swap3A_413 = arith.constant 32 : index
        %swap3A_414 = tpu.vector_load %arg10[%swap3A_412, %swap3A_413] {strides = array<i32>} : memref<128x128xf32, #tpu.memory_space<vmem>>, vector<16xf32>,
        tpu.vector_store %arg10[%swap3A_412, %swap3A_413], %mul3A_411 {strides = array<i32>} : memref<128x128xf32, #tpu.memory_space<vmem>>, vector<16xf32>,
        %get3A_415 = arith.index_cast %add3A_389 : i32 to index
        %get3A_416 = arith.constant 48 : index
        %get3A_417 = tpu.vector_load %arg10[%get3A_415, %get3A_416] {strides = array<i32>} : memref<128x128xf32, #tpu.memory_space<vmem>>, vector<16xf32>,
        %mul3A_418 = arith.mulf %get3A_417, %gather3A_393 : vector<16xf32>
        %swap3A_419 = arith.index_cast %add3A_389 : i32 to index
        %swap3A_420 = arith.constant 48 : index
        %swap3A_421 = tpu.vector_load %arg10[%swap3A_419, %swap3A_420] {strides = array<i32>} : memref<128x128xf32, #tpu.memory_space<vmem>>, vector<16xf32>,
        tpu.vector_store %arg10[%swap3A_419, %swap3A_420], %mul3A_418 {strides = array<i32>} : memref<128x128xf32, #tpu.memory_space<vmem>>, vector<16xf32>,
        %get3A_422 = arith.index_cast %add3A_389 : i32 to index
        %get3A_423 = arith.constant 64 : index
        %get3A_424 = tpu.vector_load %arg10[%get3A_422, %get3A_423] {strides = array<i32>} : memref<128x128xf32, #tpu.memory_space<vmem>>, vector<16xf32>,
        %mul3A_425 = arith.mulf %get3A_424, %gather3A_393 : vector<16xf32>
        %swap3A_426 = arith.index_cast %add3A_389 : i32 to index
        %swap3A_427 = arith.constant 64 : index
        %swap3A_428 = tpu.vector_load %arg10[%swap3A_426, %swap3A_427] {strides = array<i32>} : memref<128x128xf32, #tpu.memory_space<vmem>>, vector<16xf32>,
        tpu.vector_store %arg10[%swap3A_426, %swap3A_427], %mul3A_425 {strides = array<i32>} : memref<128x128xf32, #tpu.memory_space<vmem>>, vector<16xf32>,
        %get3A_429 = arith.index_cast %add3A_389 : i32 to index
        %get3A_430 = arith.constant 80 : index
        %get3A_431 = tpu.vector_load %arg10[%get3A_429, %get3A_430] {strides = array<i32>} : memref<128x128xf32, #tpu.memory_space<vmem>>, vector<16xf32>,
        %mul3A_432 = arith.mulf %get3A_431, %gather3A_393 : vector<16xf32>
        %swap3A_433 = arith.index_cast %add3A_389 : i32 to index
        %swap3A_434 = arith.constant 80 : index
        %swap3A_435 = tpu.vector_load %arg10[%swap3A_433, %swap3A_434] {strides = array<i32>} : memref<128x128xf32, #tpu.memory_space<vmem>>, vector<16xf32>,
        tpu.vector_store %arg10[%swap3A_433, %swap3A_434], %mul3A_432 {strides = array<i32>} : memref<128x128xf32, #tpu.memory_space<vmem>>, vector<16xf32>,
        %get3A_436 = arith.index_cast %add3A_389 : i32 to index
        %get3A_437 = arith.constant 96 : index
        %get3A_438 = tpu.vector_load %arg10[%get3A_436, %get3A_437] {strides = array<i32>} : memref<128x128xf32, #tpu.memory_space<vmem>>, vector<16xf32>,
        %mul3A_439 = arith.mulf %get3A_438, %gather3A_393 : vector<16xf32>
        %swap3A_440 = arith.index_cast %add3A_389 : i32 to index
        %swap3A_441 = arith.constant 96 : index
        %swap3A_442 = tpu.vector_load %arg10[%swap3A_440, %swap3A_441] {strides = array<i32>} : memref<128x128xf32, #tpu.memory_space<vmem>>, vector<16xf32>,
        tpu.vector_store %arg10[%swap3A_440, %swap3A_441], %mul3A_439 {strides = array<i32>} : memref<128x128xf32, #tpu.memory_space<vmem>>, vector<16xf32>,
        %get3A_443 = arith.index_cast %add3A_389 : i32 to index
        %get3A_444 = arith.constant 112 : index
        %get3A_445 = tpu.vector_load %arg10[%get3A_443, %get3A_444] {strides = array<i32>} : memref<128x128xf32, #tpu.memory_space<vmem>>, vector<16xf32>,
        %mul3A_446 = arith.mulf %get3A_445, %gather3A_393 : vector<16xf32>
        %swap3A_447 = arith.index_cast %add3A_389 : i32 to index
        %swap3A_448 = arith.constant 112 : index
        %swap3A_449 = tpu.vector_load %arg10[%swap3A_447, %swap3A_448] {strides = array<i32>} : memref<128x128xf32, #tpu.memory_space<vmem>>, vector<16xf32>,
        tpu.vector_store %arg10[%swap3A_447, %swap3A_448], %mul3A_446 {strides = array<i32>} : memref<128x128xf32, #tpu.memory_space<vmem>>, vector<16xf32>,
      }
      %scan3A_182 = arith.constant 32 : i32
      %dma_start3A_183 = arith.constant 1 : i32
      %dma_start3A_184 = arith.constant 0 : i32
      %dma_start3A_185 = tpu.memref_slice %arg8[%dma_start3A_183, %dma_start3A_184] : memref<2x128xi32, #tpu.memory_space<vmem>> -> memref<1x128xi32, #tpu.memory_space<vmem>>
      %dma_start3A_186 = tpu.memref_squeeze %dma_start3A_185 : memref<1x128xi32, #tpu.memory_space<vmem>> -> memref<128xi32, #tpu.memory_space<vmem>>
      %dma_start3A_187 = arith.constant 0 : i32
      %dma_start3A_188 = arith.constant 0 : i32
      %dma_start3A_189 = tpu.memref_slice %arg12[%dma_start3A_187, %dma_start3A_188] : memref<10240x128xf32, #tpu.memory_space<vmem_shared>> -> memref<10240x128xf32, #tpu.memory_space<vmem_shared>>
      tpu.enqueue_indirect_dma source(%arg10 : memref<128x128xf32, #tpu.memory_space<vmem>>) target(%dma_start3A_189 : memref<10240x128xf32, #tpu.memory_space<vmem_shared>>) offsets(%dma_start3A_186 : memref<128xi32, #tpu.memory_space<vmem>>) semaphore(%arg16 : memref<!tpu.dma_semaphore, #tpu.memory_space<semaphore_mem>>) {add = true}
      %dma_wait3A_190 = arith.constant 0 : i32
      %dma_wait3A_191 = arith.constant 0 : i32
      %dma_wait3A_192 = tpu.memref_slice %arg8[%dma_wait3A_190, %dma_wait3A_191] : memref<2x128xi32, #tpu.memory_space<vmem>> -> memref<1x128xi32, #tpu.memory_space<vmem>>
      %dma_wait3A_193 = tpu.memref_squeeze %dma_wait3A_192 : memref<1x128xi32, #tpu.memory_space<vmem>> -> memref<128xi32, #tpu.memory_space<vmem>>
      %dma_wait3A_194 = arith.constant 0 : i32
      %dma_wait3A_195 = arith.constant 0 : i32
      %dma_wait3A_196 = tpu.memref_slice %arg12[%dma_wait3A_194, %dma_wait3A_195] : memref<10240x128xf32, #tpu.memory_space<vmem_shared>> -> memref<10240x128xf32, #tpu.memory_space<vmem_shared>>
      tpu.wait_indirect_dma semaphore(%arg15 : memref<!tpu.dma_semaphore, #tpu.memory_space<semaphore_mem>>) src(%arg9 : memref<128x128xf32, #tpu.memory_space<vmem>>) dst(%dma_wait3A_196 : memref<10240x128xf32, #tpu.memory_space<vmem_shared>>)
      %lt3A = arith.constant 39 : i32
      %lt3A_197 = arith.cmpi slt, %add3A_66, %lt3A : i32
      %convert_element_type3A_198 = arith.extui %lt3A_197 : i1 to i32
      %cond3A_199 = arith.constant 0 : i32
      %cond3A_200 = arith.cmpi ne, %convert_element_type3A_198, %cond3A_199 : i32
      scf.if %cond3A_200 {
        %add3A_201 = arith.constant 2 : i32
        %add3A_202 = arith.addi %mul3A_68, %add3A_201 : i32
        %mul3A_203 = arith.constant 128 : i32
        %mul3A_204 = arith.muli %add3A_202, %mul3A_203 : i32
        %dma_start3A_205 = tpu.memref_slice %arg7[%mul3A_204] : memref<10240xi32, #tpu.memory_space<vmem>> -> memref<128xi32, #tpu.memory_space<vmem>>
        %dma_start3A_206 = arith.constant 0 : i32
        %dma_start3A_207 = arith.constant 0 : i32
        %dma_start3A_208 = tpu.memref_slice %arg2[%dma_start3A_206, %dma_start3A_207] : memref<20480x128xf32, #tpu.memory_space<hbm>> -> memref<20480x128xf32, #tpu.memory_space<hbm>>
        tpu.enqueue_indirect_dma source(%dma_start3A_208 : memref<20480x128xf32, #tpu.memory_space<hbm>>) target(%arg9 : memref<128x128xf32, #tpu.memory_space<vmem>>) offsets(%dma_start3A_205 : memref<128xi32, #tpu.memory_space<vmem>>) semaphore(%arg13 : memref<!tpu.dma_semaphore, #tpu.memory_space<semaphore_mem>>)
        %mul3A_209 = arith.constant 80 : i32
        %mul3A_210 = arith.muli %arg1, %mul3A_209 : i32
        %add3A_211 = arith.addi %mul3A_210, %add3A_202 : i32
        %dma_start3A_212 = arith.constant 0 : i32
        %dma_start3A_213 = arith.constant 0 : i32
        %dma_start3A_214 = tpu.memref_slice %arg8[%dma_start3A_212, %dma_start3A_213] : memref<2x128xi32, #tpu.memory_space<vmem>> -> memref<1x128xi32, #tpu.memory_space<vmem>>
        %dma_start3A_215 = tpu.memref_squeeze %dma_start3A_214 : memref<1x128xi32, #tpu.memory_space<vmem>> -> memref<128xi32, #tpu.memory_space<vmem>>
        %dma_start3A_216 = arith.constant 0 : i32
        %dma_start3A_217 = tpu.memref_slice %arg4[%add3A_211, %dma_start3A_216] : memref<1280x128xi32, #tpu.memory_space<hbm>> -> memref<1x128xi32, #tpu.memory_space<hbm>>
        %dma_start3A_218 = tpu.memref_squeeze %dma_start3A_217 : memref<1x128xi32, #tpu.memory_space<hbm>> -> memref<128xi32, #tpu.memory_space<hbm>>
        %dma_start3A_219 = arith.constant 0 : i32
        %dma_start3A_220 = tpu.memref_slice %arg8[%dma_start3A_212, %dma_start3A_219] : memref<2x128xi32, #tpu.memory_space<vmem>> -> memref<1x128xi32, #tpu.memory_space<vmem>>
        %dma_start3A_221 = tpu.memref_squeeze %dma_start3A_220 : memref<1x128xi32, #tpu.memory_space<vmem>> -> memref<128xi32, #tpu.memory_space<vmem>>
        %dma_start3A_222 = arith.constant 0 : i32
        %dma_start3A_223 = tpu.memref_slice %arg4[%add3A_211, %dma_start3A_222] : memref<1280x128xi32, #tpu.memory_space<hbm>> -> memref<1x128xi32, #tpu.memory_space<hbm>>
        %dma_start3A_224 = tpu.memref_squeeze %dma_start3A_223 : memref<1x128xi32, #tpu.memory_space<hbm>> -> memref<128xi32, #tpu.memory_space<hbm>>
        tpu.enqueue_dma source(%dma_start3A_224 : memref<128xi32, #tpu.memory_space<hbm>>) target(%dma_start3A_221 : memref<128xi32, #tpu.memory_space<vmem>>) target_semaphore(%arg13 : memref<!tpu.dma_semaphore, #tpu.memory_space<semaphore_mem>>)
        %mul3A_225 = arith.constant 128 : i32
        %mul3A_226 = arith.muli %add3A_202, %mul3A_225 : i32
        %add3A_227 = arith.addi %mul3A_0, %mul3A_226 : i32
        %dma_start3A_228 = arith.constant 0 : i32
        %dma_start3A_229 = tpu.memref_slice %arg11[%dma_start3A_228] : memref<256xf32, #tpu.memory_space<vmem>> -> memref<128xf32, #tpu.memory_space<vmem>>
        %dma_start3A_230 = tpu.memref_slice %arg5[%add3A_227] : memref<163840xf32, #tpu.memory_space<hbm>> -> memref<128xf32, #tpu.memory_space<hbm>>
        %dma_start3A_231 = arith.constant 0 : i32
        %dma_start3A_232 = tpu.memref_slice %arg11[%dma_start3A_231] : memref<256xf32, #tpu.memory_space<vmem>> -> memref<128xf32, #tpu.memory_space<vmem>>
        %dma_start3A_233 = tpu.memref_slice %arg5[%add3A_227] : memref<163840xf32, #tpu.memory_space<hbm>> -> memref<128xf32, #tpu.memory_space<hbm>>
        tpu.enqueue_dma source(%dma_start3A_233 : memref<128xf32, #tpu.memory_space<hbm>>) target(%dma_start3A_232 : memref<128xf32, #tpu.memory_space<vmem>>) target_semaphore(%arg13 : memref<!tpu.dma_semaphore, #tpu.memory_space<semaphore_mem>>)
      } else {
      }
    }
    %scan3A_49 = arith.constant 40 : i32
    %dma_wait3A = arith.constant 1 : i32
    %dma_wait3A_50 = arith.constant 0 : i32
    %dma_wait3A_51 = tpu.memref_slice %arg8[%dma_wait3A, %dma_wait3A_50] : memref<2x128xi32, #tpu.memory_space<vmem>> -> memref<1x128xi32, #tpu.memory_space<vmem>>
    %dma_wait3A_52 = tpu.memref_squeeze %dma_wait3A_51 : memref<1x128xi32, #tpu.memory_space<vmem>> -> memref<128xi32, #tpu.memory_space<vmem>>
    %dma_wait3A_53 = arith.constant 0 : i32
    %dma_wait3A_54 = arith.constant 0 : i32
    %dma_wait3A_55 = tpu.memref_slice %arg12[%dma_wait3A_53, %dma_wait3A_54] : memref<10240x128xf32, #tpu.memory_space<vmem_shared>> -> memref<10240x128xf32, #tpu.memory_space<vmem_shared>>
    tpu.wait_indirect_dma semaphore(%arg16 : memref<!tpu.dma_semaphore, #tpu.memory_space<semaphore_mem>>) src(%arg10 : memref<128x128xf32, #tpu.memory_space<vmem>>) dst(%dma_wait3A_55 : memref<10240x128xf32, #tpu.memory_space<vmem_shared>>)
    %barrier3A_56 = arith.constant 0 : index
    tpu.barrier barrier_id(%barrier3A_56)
    %scan3A_57 = arith.constant 0 : i32
    %scan3A_58 = arith.constant 5 : i32
    %scan3A_59 = arith.addi %scan3A_57, %scan3A_58 : i32
    %scan3A_60 = arith.constant 1 : i32
    scf.for %scan3A_62 = %scan3A_57 to %scan3A_59 step %scan3A_60  : i32 {
      %mul3A_63 = arith.constant 1 : i32
      %mul3A_64 = arith.muli %scan3A_62, %mul3A_63 : i32
      %add3A_65 = arith.constant 0 : i32
      %add3A_66 = arith.addi %add3A_65, %mul3A_64 : i32
      %mul3A_67 = arith.constant 640 : i32
      %mul3A_68 = arith.muli %arg1, %mul3A_67 : i32
      %mul3A_69 = arith.constant 128 : i32
      %mul3A_70 = arith.muli %add3A_66, %mul3A_69 : i32
      %add3A_71 = arith.addi %mul3A_68, %mul3A_70 : i32
      "tpu.region"() ({
        %run_scoped3A = tpu.sem_alloc : memref<!tpu.dma_semaphore, #tpu.memory_space<semaphore_mem>>
        %dma_start3A_75 = arith.constant 0 : i32
        %dma_start3A_76 = tpu.memref_slice %arg12[%add3A_71, %dma_start3A_75] : memref<10240x128xf32, #tpu.memory_space<vmem_shared>> -> memref<128x128xf32, #tpu.memory_space<vmem_shared>>
        %dma_start3A_77 = arith.constant 0 : i32
        %dma_start3A_78 = tpu.memref_slice %arg12[%add3A_71, %dma_start3A_77] : memref<10240x128xf32, #tpu.memory_space<vmem_shared>> -> memref<128x128xf32, #tpu.memory_space<vmem_shared>>
        tpu.enqueue_dma source(%dma_start3A_78 : memref<128x128xf32, #tpu.memory_space<vmem_shared>>) target(%arg9 : memref<128x128xf32, #tpu.memory_space<vmem>>) target_semaphore(%run_scoped3A : memref<!tpu.dma_semaphore, #tpu.memory_space<semaphore_mem>>)
        %dma_wait3A_79 = arith.constant 0 : i32
        %dma_wait3A_80 = tpu.memref_slice %arg12[%add3A_71, %dma_wait3A_79] : memref<10240x128xf32, #tpu.memory_space<vmem_shared>> -> memref<128x128xf32, #tpu.memory_space<vmem_shared>>
        %dma_wait3A_81 = arith.constant 0 : i32
        %dma_wait3A_82 = tpu.memref_slice %arg12[%add3A_71, %dma_wait3A_81] : memref<10240x128xf32, #tpu.memory_space<vmem_shared>> -> memref<128x128xf32, #tpu.memory_space<vmem_shared>>
        tpu.wait_dma2 semaphore(%run_scoped3A : memref<!tpu.dma_semaphore, #tpu.memory_space<semaphore_mem>>) src(%dma_wait3A_82 : memref<128x128xf32, #tpu.memory_space<vmem_shared>>) dst(%arg9 : memref<128x128xf32, #tpu.memory_space<vmem>>)
        tpu.yield
      }) : () -> ()
      %mul3A_72 = arith.constant 10240 : i32
      %mul3A_73 = arith.muli %arg0, %mul3A_72 : i32
      %add3A_74 = arith.addi %mul3A_73, %add3A_71 : i32
      "tpu.region"() ({
        %run_scoped3A = tpu.sem_alloc : memref<!tpu.dma_semaphore, #tpu.memory_space<semaphore_mem>>
        %dma_start3A_75 = arith.constant 0 : i32
        %dma_start3A_76 = tpu.memref_slice %arg6[%add3A_74, %dma_start3A_75] : memref<20480x128xf32, #tpu.memory_space<hbm>> -> memref<128x128xf32, #tpu.memory_space<hbm>>
        %dma_start3A_77 = arith.constant 0 : i32
        %dma_start3A_78 = tpu.memref_slice %arg6[%add3A_74, %dma_start3A_77] : memref<20480x128xf32, #tpu.memory_space<hbm>> -> memref<128x128xf32, #tpu.memory_space<hbm>>
        tpu.enqueue_dma source(%arg9 : memref<128x128xf32, #tpu.memory_space<vmem>>) target(%dma_start3A_78 : memref<128x128xf32, #tpu.memory_space<hbm>>) target_semaphore(%run_scoped3A : memref<!tpu.dma_semaphore, #tpu.memory_space<semaphore_mem>>)
        %dma_wait3A_79 = arith.constant 0 : i32
        %dma_wait3A_80 = tpu.memref_slice %arg6[%add3A_74, %dma_wait3A_79] : memref<20480x128xf32, #tpu.memory_space<hbm>> -> memref<128x128xf32, #tpu.memory_space<hbm>>
        %dma_wait3A_81 = arith.constant 0 : i32
        %dma_wait3A_82 = tpu.memref_slice %arg6[%add3A_74, %dma_wait3A_81] : memref<20480x128xf32, #tpu.memory_space<hbm>> -> memref<128x128xf32, #tpu.memory_space<hbm>>
        tpu.wait_dma2 semaphore(%run_scoped3A : memref<!tpu.dma_semaphore, #tpu.memory_space<semaphore_mem>>) src(%arg9 : memref<128x128xf32, #tpu.memory_space<vmem>>) dst(%dma_wait3A_82 : memref<128x128xf32, #tpu.memory_space<hbm>>)
        tpu.yield
      }) : () -> ()
    }
    %scan3A_61 = arith.constant 5 : i32
    return
  }
}

#map = affine_map<(d0, d1) -> (0, 0, 0)>
#map1 = affine_map<(d0, d1) -> (0)>
#map2 = affine_map<(d0, d1) -> (0, 0)>
module attributes {stable_mosaic.version = 14 : i64} {
  func.func @_edge_w_body(%arg0: i32, %arg1: i32, %arg2: memref<10240x2x128xbf16, #tpu.memory_space<hbm>>, %arg3: memref<163840xi32, #tpu.memory_space<hbm>>, %arg4: memref<163840xi32, #tpu.memory_space<hbm>>, %arg5: memref<163840xf32, #tpu.memory_space<hbm>>, %arg6: memref<32x10240xf32, #tpu.memory_space<hbm>>, %arg7: memref<5120xi32, #tpu.memory_space<vmem>>, %arg8: memref<5120xi32, #tpu.memory_space<vmem>>, %arg9: memref<32x2x128xbf16, #tpu.memory_space<vmem>>, %arg10: memref<32x2x128xbf16, #tpu.memory_space<vmem>>, %arg11: memref<32x2x128xbf16, #tpu.memory_space<vmem>>, %arg12: memref<32x2x128xbf16, #tpu.memory_space<vmem>>, %arg13: memref<5120xf32, #tpu.memory_space<vmem>>, %arg14: memref<10240xf32, #tpu.memory_space<vmem>>, %arg15: memref<16xf32, #tpu.memory_space<vmem>>, %arg16: memref<10240x2x128xbf16, #tpu.memory_space<vmem_shared>>, %arg17: memref<!tpu.dma_semaphore, #tpu.memory_space<semaphore_mem>>, %arg18: memref<!tpu.dma_semaphore, #tpu.memory_space<semaphore_mem>>) attributes {dimension_semantics = [#tpu.dimension_semantics<core_parallel>, #tpu.dimension_semantics<subcore_parallel>], iteration_bounds = array<i64: 2, 16>, scalar_prefetch = 0 : i64, scratch_operands = 12 : i64, tpu.core_type = #tpu.core_type<sc_vector_subcore>, window_params = [{transform_indices = #map}, {transform_indices = #map1}, {transform_indices = #map1}, {transform_indices = #map1}, {transform_indices = #map2}]} {
    %mul3A = arith.constant 16 : i32
    %mul3A_0 = arith.muli %arg0, %mul3A : i32
    %add3A = arith.addi %mul3A_0, %arg1 : i32
    %iota3A = tpu.iota {dimensions = array<i32: 0>} : vector<16xi32>
    %mul3A_1 = arith.constant 5120 : i32
    %mul3A_2 = arith.muli %add3A, %mul3A_1 : i32
    "tpu.region"() ({
      %run_scoped3A = tpu.sem_alloc : memref<!tpu.dma_semaphore, #tpu.memory_space<semaphore_mem>>
      %dma_start3A_38 = tpu.memref_slice %arg3[%mul3A_2] : memref<163840xi32, #tpu.memory_space<hbm>> -> memref<5120xi32, #tpu.memory_space<hbm>>
      %dma_start3A_39 = tpu.memref_slice %arg3[%mul3A_2] : memref<163840xi32, #tpu.memory_space<hbm>> -> memref<5120xi32, #tpu.memory_space<hbm>>
      tpu.enqueue_dma source(%dma_start3A_39 : memref<5120xi32, #tpu.memory_space<hbm>>) target(%arg7 : memref<5120xi32, #tpu.memory_space<vmem>>) target_semaphore(%run_scoped3A : memref<!tpu.dma_semaphore, #tpu.memory_space<semaphore_mem>>)
      %dma_wait3A = tpu.memref_slice %arg3[%mul3A_2] : memref<163840xi32, #tpu.memory_space<hbm>> -> memref<5120xi32, #tpu.memory_space<hbm>>
      %dma_wait3A_40 = tpu.memref_slice %arg3[%mul3A_2] : memref<163840xi32, #tpu.memory_space<hbm>> -> memref<5120xi32, #tpu.memory_space<hbm>>
      tpu.wait_dma2 semaphore(%run_scoped3A : memref<!tpu.dma_semaphore, #tpu.memory_space<semaphore_mem>>) src(%dma_wait3A_40 : memref<5120xi32, #tpu.memory_space<hbm>>) dst(%arg7 : memref<5120xi32, #tpu.memory_space<vmem>>)
      tpu.yield
    }) : () -> ()
    "tpu.region"() ({
      %run_scoped3A = tpu.sem_alloc : memref<!tpu.dma_semaphore, #tpu.memory_space<semaphore_mem>>
      %dma_start3A_38 = tpu.memref_slice %arg4[%mul3A_2] : memref<163840xi32, #tpu.memory_space<hbm>> -> memref<5120xi32, #tpu.memory_space<hbm>>
      %dma_start3A_39 = tpu.memref_slice %arg4[%mul3A_2] : memref<163840xi32, #tpu.memory_space<hbm>> -> memref<5120xi32, #tpu.memory_space<hbm>>
      tpu.enqueue_dma source(%dma_start3A_39 : memref<5120xi32, #tpu.memory_space<hbm>>) target(%arg8 : memref<5120xi32, #tpu.memory_space<vmem>>) target_semaphore(%run_scoped3A : memref<!tpu.dma_semaphore, #tpu.memory_space<semaphore_mem>>)
      %dma_wait3A = tpu.memref_slice %arg4[%mul3A_2] : memref<163840xi32, #tpu.memory_space<hbm>> -> memref<5120xi32, #tpu.memory_space<hbm>>
      %dma_wait3A_40 = tpu.memref_slice %arg4[%mul3A_2] : memref<163840xi32, #tpu.memory_space<hbm>> -> memref<5120xi32, #tpu.memory_space<hbm>>
      tpu.wait_dma2 semaphore(%run_scoped3A : memref<!tpu.dma_semaphore, #tpu.memory_space<semaphore_mem>>) src(%dma_wait3A_40 : memref<5120xi32, #tpu.memory_space<hbm>>) dst(%arg8 : memref<5120xi32, #tpu.memory_space<vmem>>)
      tpu.yield
    }) : () -> ()
    %scan3A = arith.constant 0 : i32
    %scan3A_3 = arith.constant 640 : i32
    %scan3A_4 = arith.addi %scan3A, %scan3A_3 : i32
    %scan3A_5 = arith.constant 1 : i32
    scf.for %scan3A_38 = %scan3A to %scan3A_4 step %scan3A_5  : i32 {
      %mul3A_39 = arith.constant 1 : i32
      %mul3A_40 = arith.muli %scan3A_38, %mul3A_39 : i32
      %add3A_41 = arith.constant 0 : i32
      %add3A_42 = arith.addi %add3A_41, %mul3A_40 : i32
      %broadcast_in_dim3A = arith.constant 0.000000e+00 : f32
      %broadcast_in_dim3A_43 = vector.broadcast %broadcast_in_dim3A : f32 to vector<16xf32>
      %mul3A_44 = arith.constant 16 : i32
      %mul3A_45 = arith.muli %add3A_42, %mul3A_44 : i32
      %swap3A = arith.index_cast %mul3A_45 : i32 to index
      %swap3A_46 = tpu.vector_load %arg14[%swap3A] {strides = array<i32>} : memref<10240xf32, #tpu.memory_space<vmem>>, vector<16xf32>,
      tpu.vector_store %arg14[%swap3A], %broadcast_in_dim3A_43 {strides = array<i32>} : memref<10240xf32, #tpu.memory_space<vmem>>, vector<16xf32>,
    }
    %scan3A_6 = arith.constant 640 : i32
    %mul3A_7 = arith.constant 640 : i32
    %mul3A_8 = arith.muli %arg1, %mul3A_7 : i32
    %add3A_9 = arith.constant 0 : i32
    %add3A_10 = arith.addi %mul3A_8, %add3A_9 : i32
    %dma_start3A = arith.constant 0 : i32
    %dma_start3A_11 = arith.constant 0 : i32
    %dma_start3A_12 = tpu.memref_slice %arg2[%add3A_10, %dma_start3A, %dma_start3A_11] : memref<10240x2x128xbf16, #tpu.memory_space<hbm>> -> memref<32x2x128xbf16, #tpu.memory_space<hbm>>
    %dma_start3A_13 = arith.constant 0 : i32
    %dma_start3A_14 = arith.constant 0 : i32
    %dma_start3A_15 = tpu.memref_slice %arg2[%add3A_10, %dma_start3A_13, %dma_start3A_14] : memref<10240x2x128xbf16, #tpu.memory_space<hbm>> -> memref<32x2x128xbf16, #tpu.memory_space<hbm>>
    tpu.enqueue_dma source(%dma_start3A_15 : memref<32x2x128xbf16, #tpu.memory_space<hbm>>) target(%arg9 : memref<32x2x128xbf16, #tpu.memory_space<vmem>>) target_semaphore(%arg17 : memref<!tpu.dma_semaphore, #tpu.memory_space<semaphore_mem>>)
    %scan3A_16 = arith.constant 0 : i32
    %scan3A_17 = arith.constant 10 : i32
    %scan3A_18 = arith.addi %scan3A_16, %scan3A_17 : i32
    %scan3A_19 = arith.constant 1 : i32
    scf.for %scan3A_38 = %scan3A_16 to %scan3A_18 step %scan3A_19  : i32 {
      %mul3A_39 = arith.constant 1 : i32
      %mul3A_40 = arith.muli %scan3A_38, %mul3A_39 : i32
      %add3A_41 = arith.constant 0 : i32
      %add3A_42 = arith.addi %add3A_41, %mul3A_40 : i32
      %mul3A_43 = arith.constant 2 : i32
      %mul3A_44 = arith.muli %add3A_42, %mul3A_43 : i32
      %add3A_45 = arith.constant 1 : i32
      %add3A_46 = arith.addi %mul3A_44, %add3A_45 : i32
      %mul3A_47 = arith.constant 32 : i32
      %mul3A_48 = arith.muli %add3A_46, %mul3A_47 : i32
      %add3A_49 = arith.addi %mul3A_8, %mul3A_48 : i32
      %dma_start3A_50 = arith.constant 0 : i32
      %dma_start3A_51 = arith.constant 0 : i32
      %dma_start3A_52 = tpu.memref_slice %arg2[%add3A_49, %dma_start3A_50, %dma_start3A_51] : memref<10240x2x128xbf16, #tpu.memory_space<hbm>> -> memref<32x2x128xbf16, #tpu.memory_space<hbm>>
      %dma_start3A_53 = arith.constant 0 : i32
      %dma_start3A_54 = arith.constant 0 : i32
      %dma_start3A_55 = tpu.memref_slice %arg2[%add3A_49, %dma_start3A_53, %dma_start3A_54] : memref<10240x2x128xbf16, #tpu.memory_space<hbm>> -> memref<32x2x128xbf16, #tpu.memory_space<hbm>>
      tpu.enqueue_dma source(%dma_start3A_55 : memref<32x2x128xbf16, #tpu.memory_space<hbm>>) target(%arg10 : memref<32x2x128xbf16, #tpu.memory_space<vmem>>) target_semaphore(%arg18 : memref<!tpu.dma_semaphore, #tpu.memory_space<semaphore_mem>>)
      %mul3A_56 = arith.constant 32 : i32
      %mul3A_57 = arith.muli %mul3A_44, %mul3A_56 : i32
      %add3A_58 = arith.addi %mul3A_8, %mul3A_57 : i32
      %dma_wait3A = arith.constant 0 : i32
      %dma_wait3A_59 = arith.constant 0 : i32
      %dma_wait3A_60 = tpu.memref_slice %arg2[%add3A_58, %dma_wait3A, %dma_wait3A_59] : memref<10240x2x128xbf16, #tpu.memory_space<hbm>> -> memref<32x2x128xbf16, #tpu.memory_space<hbm>>
      %dma_wait3A_61 = arith.constant 0 : i32
      %dma_wait3A_62 = arith.constant 0 : i32
      %dma_wait3A_63 = tpu.memref_slice %arg2[%add3A_58, %dma_wait3A_61, %dma_wait3A_62] : memref<10240x2x128xbf16, #tpu.memory_space<hbm>> -> memref<32x2x128xbf16, #tpu.memory_space<hbm>>
      tpu.wait_dma2 semaphore(%arg17 : memref<!tpu.dma_semaphore, #tpu.memory_space<semaphore_mem>>) src(%dma_wait3A_63 : memref<32x2x128xbf16, #tpu.memory_space<hbm>>) dst(%arg9 : memref<32x2x128xbf16, #tpu.memory_space<vmem>>)
      %mul3A_64 = arith.constant 32 : i32
      %mul3A_65 = arith.muli %mul3A_44, %mul3A_64 : i32
      %add3A_66 = arith.addi %mul3A_8, %mul3A_65 : i32
      "tpu.region"() ({
        %run_scoped3A = tpu.sem_alloc : memref<!tpu.dma_semaphore, #tpu.memory_space<semaphore_mem>>
        %dma_start3A_83 = arith.constant 0 : i32
        %dma_start3A_84 = arith.constant 0 : i32
        %dma_start3A_85 = tpu.memref_slice %arg16[%add3A_66, %dma_start3A_83, %dma_start3A_84] : memref<10240x2x128xbf16, #tpu.memory_space<vmem_shared>> -> memref<32x2x128xbf16, #tpu.memory_space<vmem_shared>>
        %dma_start3A_86 = arith.constant 0 : i32
        %dma_start3A_87 = arith.constant 0 : i32
        %dma_start3A_88 = tpu.memref_slice %arg16[%add3A_66, %dma_start3A_86, %dma_start3A_87] : memref<10240x2x128xbf16, #tpu.memory_space<vmem_shared>> -> memref<32x2x128xbf16, #tpu.memory_space<vmem_shared>>
        tpu.enqueue_dma source(%arg9 : memref<32x2x128xbf16, #tpu.memory_space<vmem>>) target(%dma_start3A_88 : memref<32x2x128xbf16, #tpu.memory_space<vmem_shared>>) target_semaphore(%run_scoped3A : memref<!tpu.dma_semaphore, #tpu.memory_space<semaphore_mem>>)
        %dma_wait3A_89 = arith.constant 0 : i32
        %dma_wait3A_90 = arith.constant 0 : i32
        %dma_wait3A_91 = tpu.memref_slice %arg16[%add3A_66, %dma_wait3A_89, %dma_wait3A_90] : memref<10240x2x128xbf16, #tpu.memory_space<vmem_shared>> -> memref<32x2x128xbf16, #tpu.memory_space<vmem_shared>>
        %dma_wait3A_92 = arith.constant 0 : i32
        %dma_wait3A_93 = arith.constant 0 : i32
        %dma_wait3A_94 = tpu.memref_slice %arg16[%add3A_66, %dma_wait3A_92, %dma_wait3A_93] : memref<10240x2x128xbf16, #tpu.memory_space<vmem_shared>> -> memref<32x2x128xbf16, #tpu.memory_space<vmem_shared>>
        tpu.wait_dma2 semaphore(%run_scoped3A : memref<!tpu.dma_semaphore, #tpu.memory_space<semaphore_mem>>) src(%arg9 : memref<32x2x128xbf16, #tpu.memory_space<vmem>>) dst(%dma_wait3A_94 : memref<32x2x128xbf16, #tpu.memory_space<vmem_shared>>)
        tpu.yield
      }) : () -> ()
      %lt3A = arith.constant 9 : i32
      %lt3A_67 = arith.cmpi slt, %add3A_42, %lt3A : i32
      %convert_element_type3A = arith.extui %lt3A_67 : i1 to i32
      %cond3A = arith.constant 0 : i32
      %cond3A_68 = arith.cmpi ne, %convert_element_type3A, %cond3A : i32
      scf.if %cond3A_68 {
        %add3A_83 = arith.constant 2 : i32
        %add3A_84 = arith.addi %mul3A_44, %add3A_83 : i32
        %mul3A_85 = arith.constant 32 : i32
        %mul3A_86 = arith.muli %add3A_84, %mul3A_85 : i32
        %add3A_87 = arith.addi %mul3A_8, %mul3A_86 : i32
        %dma_start3A_88 = arith.constant 0 : i32
        %dma_start3A_89 = arith.constant 0 : i32
        %dma_start3A_90 = tpu.memref_slice %arg2[%add3A_87, %dma_start3A_88, %dma_start3A_89] : memref<10240x2x128xbf16, #tpu.memory_space<hbm>> -> memref<32x2x128xbf16, #tpu.memory_space<hbm>>
        %dma_start3A_91 = arith.constant 0 : i32
        %dma_start3A_92 = arith.constant 0 : i32
        %dma_start3A_93 = tpu.memref_slice %arg2[%add3A_87, %dma_start3A_91, %dma_start3A_92] : memref<10240x2x128xbf16, #tpu.memory_space<hbm>> -> memref<32x2x128xbf16, #tpu.memory_space<hbm>>
        tpu.enqueue_dma source(%dma_start3A_93 : memref<32x2x128xbf16, #tpu.memory_space<hbm>>) target(%arg9 : memref<32x2x128xbf16, #tpu.memory_space<vmem>>) target_semaphore(%arg17 : memref<!tpu.dma_semaphore, #tpu.memory_space<semaphore_mem>>)
      } else {
      }
      %add3A_69 = arith.constant 1 : i32
      %add3A_70 = arith.addi %mul3A_44, %add3A_69 : i32
      %mul3A_71 = arith.constant 32 : i32
      %mul3A_72 = arith.muli %add3A_70, %mul3A_71 : i32
      %add3A_73 = arith.addi %mul3A_8, %mul3A_72 : i32
      %dma_wait3A_74 = arith.constant 0 : i32
      %dma_wait3A_75 = arith.constant 0 : i32
      %dma_wait3A_76 = tpu.memref_slice %arg2[%add3A_73, %dma_wait3A_74, %dma_wait3A_75] : memref<10240x2x128xbf16, #tpu.memory_space<hbm>> -> memref<32x2x128xbf16, #tpu.memory_space<hbm>>
      %dma_wait3A_77 = arith.constant 0 : i32
      %dma_wait3A_78 = arith.constant 0 : i32
      %dma_wait3A_79 = tpu.memref_slice %arg2[%add3A_73, %dma_wait3A_77, %dma_wait3A_78] : memref<10240x2x128xbf16, #tpu.memory_space<hbm>> -> memref<32x2x128xbf16, #tpu.memory_space<hbm>>
      tpu.wait_dma2 semaphore(%arg18 : memref<!tpu.dma_semaphore, #tpu.memory_space<semaphore_mem>>) src(%dma_wait3A_79 : memref<32x2x128xbf16, #tpu.memory_space<hbm>>) dst(%arg10 : memref<32x2x128xbf16, #tpu.memory_space<vmem>>)
      %mul3A_80 = arith.constant 32 : i32
      %mul3A_81 = arith.muli %add3A_70, %mul3A_80 : i32
      %add3A_82 = arith.addi %mul3A_8, %mul3A_81 : i32
      "tpu.region"() ({
        %run_scoped3A = tpu.sem_alloc : memref<!tpu.dma_semaphore, #tpu.memory_space<semaphore_mem>>
        %dma_start3A_83 = arith.constant 0 : i32
        %dma_start3A_84 = arith.constant 0 : i32
        %dma_start3A_85 = tpu.memref_slice %arg16[%add3A_82, %dma_start3A_83, %dma_start3A_84] : memref<10240x2x128xbf16, #tpu.memory_space<vmem_shared>> -> memref<32x2x128xbf16, #tpu.memory_space<vmem_shared>>
        %dma_start3A_86 = arith.constant 0 : i32
        %dma_start3A_87 = arith.constant 0 : i32
        %dma_start3A_88 = tpu.memref_slice %arg16[%add3A_82, %dma_start3A_86, %dma_start3A_87] : memref<10240x2x128xbf16, #tpu.memory_space<vmem_shared>> -> memref<32x2x128xbf16, #tpu.memory_space<vmem_shared>>
        tpu.enqueue_dma source(%arg10 : memref<32x2x128xbf16, #tpu.memory_space<vmem>>) target(%dma_start3A_88 : memref<32x2x128xbf16, #tpu.memory_space<vmem_shared>>) target_semaphore(%run_scoped3A : memref<!tpu.dma_semaphore, #tpu.memory_space<semaphore_mem>>)
        %dma_wait3A_89 = arith.constant 0 : i32
        %dma_wait3A_90 = arith.constant 0 : i32
        %dma_wait3A_91 = tpu.memref_slice %arg16[%add3A_82, %dma_wait3A_89, %dma_wait3A_90] : memref<10240x2x128xbf16, #tpu.memory_space<vmem_shared>> -> memref<32x2x128xbf16, #tpu.memory_space<vmem_shared>>
        %dma_wait3A_92 = arith.constant 0 : i32
        %dma_wait3A_93 = arith.constant 0 : i32
        %dma_wait3A_94 = tpu.memref_slice %arg16[%add3A_82, %dma_wait3A_92, %dma_wait3A_93] : memref<10240x2x128xbf16, #tpu.memory_space<vmem_shared>> -> memref<32x2x128xbf16, #tpu.memory_space<vmem_shared>>
        tpu.wait_dma2 semaphore(%run_scoped3A : memref<!tpu.dma_semaphore, #tpu.memory_space<semaphore_mem>>) src(%arg10 : memref<32x2x128xbf16, #tpu.memory_space<vmem>>) dst(%dma_wait3A_94 : memref<32x2x128xbf16, #tpu.memory_space<vmem_shared>>)
        tpu.yield
      }) : () -> ()
    }
    %scan3A_20 = arith.constant 10 : i32
    %barrier3A = arith.constant 0 : index
    tpu.barrier barrier_id(%barrier3A)
    %dma_start3A_21 = arith.constant 0 : i32
    %dma_start3A_22 = tpu.memref_slice %arg7[%dma_start3A_21] : memref<5120xi32, #tpu.memory_space<vmem>> -> memref<32xi32, #tpu.memory_space<vmem>>
    %dma_start3A_23 = arith.constant 0 : i32
    %dma_start3A_24 = arith.constant 0 : i32
    %dma_start3A_25 = arith.constant 0 : i32
    %dma_start3A_26 = tpu.memref_slice %arg16[%dma_start3A_23, %dma_start3A_24, %dma_start3A_25] : memref<10240x2x128xbf16, #tpu.memory_space<vmem_shared>> -> memref<10240x2x128xbf16, #tpu.memory_space<vmem_shared>>
    tpu.enqueue_indirect_dma source(%dma_start3A_26 : memref<10240x2x128xbf16, #tpu.memory_space<vmem_shared>>) target(%arg9 : memref<32x2x128xbf16, #tpu.memory_space<vmem>>) offsets(%dma_start3A_22 : memref<32xi32, #tpu.memory_space<vmem>>) semaphore(%arg17 : memref<!tpu.dma_semaphore, #tpu.memory_space<semaphore_mem>>)
    %dma_start3A_27 = arith.constant 0 : i32
    %dma_start3A_28 = tpu.memref_slice %arg8[%dma_start3A_27] : memref<5120xi32, #tpu.memory_space<vmem>> -> memref<32xi32, #tpu.memory_space<vmem>>
    %dma_start3A_29 = arith.constant 0 : i32
    %dma_start3A_30 = arith.constant 0 : i32
    %dma_start3A_31 = arith.constant 0 : i32
    %dma_start3A_32 = tpu.memref_slice %arg16[%dma_start3A_29, %dma_start3A_30, %dma_start3A_31] : memref<10240x2x128xbf16, #tpu.memory_space<vmem_shared>> -> memref<10240x2x128xbf16, #tpu.memory_space<vmem_shared>>
    tpu.enqueue_indirect_dma source(%dma_start3A_32 : memref<10240x2x128xbf16, #tpu.memory_space<vmem_shared>>) target(%arg11 : memref<32x2x128xbf16, #tpu.memory_space<vmem>>) offsets(%dma_start3A_28 : memref<32xi32, #tpu.memory_space<vmem>>) semaphore(%arg17 : memref<!tpu.dma_semaphore, #tpu.memory_space<semaphore_mem>>)
    %scan3A_33 = arith.constant 0 : i32
    %scan3A_34 = arith.constant 80 : i32
    %scan3A_35 = arith.addi %scan3A_33, %scan3A_34 : i32
    %scan3A_36 = arith.constant 1 : i32
    scf.for %scan3A_38 = %scan3A_33 to %scan3A_35 step %scan3A_36  : i32 {
      %mul3A_39 = arith.constant 1 : i32
      %mul3A_40 = arith.muli %scan3A_38, %mul3A_39 : i32
      %add3A_41 = arith.constant 0 : i32
      %add3A_42 = arith.addi %add3A_41, %mul3A_40 : i32
      %mul3A_43 = arith.constant 2 : i32
      %mul3A_44 = arith.muli %add3A_42, %mul3A_43 : i32
      %add3A_45 = arith.constant 1 : i32
      %add3A_46 = arith.addi %mul3A_44, %add3A_45 : i32
      %mul3A_47 = arith.constant 32 : i32
      %mul3A_48 = arith.muli %add3A_46, %mul3A_47 : i32
      %dma_start3A_49 = tpu.memref_slice %arg7[%mul3A_48] : memref<5120xi32, #tpu.memory_space<vmem>> -> memref<32xi32, #tpu.memory_space<vmem>>
      %dma_start3A_50 = arith.constant 0 : i32
      %dma_start3A_51 = arith.constant 0 : i32
      %dma_start3A_52 = arith.constant 0 : i32
      %dma_start3A_53 = tpu.memref_slice %arg16[%dma_start3A_50, %dma_start3A_51, %dma_start3A_52] : memref<10240x2x128xbf16, #tpu.memory_space<vmem_shared>> -> memref<10240x2x128xbf16, #tpu.memory_space<vmem_shared>>
      tpu.enqueue_indirect_dma source(%dma_start3A_53 : memref<10240x2x128xbf16, #tpu.memory_space<vmem_shared>>) target(%arg10 : memref<32x2x128xbf16, #tpu.memory_space<vmem>>) offsets(%dma_start3A_49 : memref<32xi32, #tpu.memory_space<vmem>>) semaphore(%arg18 : memref<!tpu.dma_semaphore, #tpu.memory_space<semaphore_mem>>)
      %dma_start3A_54 = tpu.memref_slice %arg8[%mul3A_48] : memref<5120xi32, #tpu.memory_space<vmem>> -> memref<32xi32, #tpu.memory_space<vmem>>
      %dma_start3A_55 = arith.constant 0 : i32
      %dma_start3A_56 = arith.constant 0 : i32
      %dma_start3A_57 = arith.constant 0 : i32
      %dma_start3A_58 = tpu.memref_slice %arg16[%dma_start3A_55, %dma_start3A_56, %dma_start3A_57] : memref<10240x2x128xbf16, #tpu.memory_space<vmem_shared>> -> memref<10240x2x128xbf16, #tpu.memory_space<vmem_shared>>
      tpu.enqueue_indirect_dma source(%dma_start3A_58 : memref<10240x2x128xbf16, #tpu.memory_space<vmem_shared>>) target(%arg12 : memref<32x2x128xbf16, #tpu.memory_space<vmem>>) offsets(%dma_start3A_54 : memref<32xi32, #tpu.memory_space<vmem>>) semaphore(%arg18 : memref<!tpu.dma_semaphore, #tpu.memory_space<semaphore_mem>>)
      %mul3A_59 = arith.constant 32 : i32
      %mul3A_60 = arith.muli %mul3A_44, %mul3A_59 : i32
      %dma_wait3A = tpu.memref_slice %arg7[%mul3A_60] : memref<5120xi32, #tpu.memory_space<vmem>> -> memref<32xi32, #tpu.memory_space<vmem>>
      %dma_wait3A_61 = arith.constant 0 : i32
      %dma_wait3A_62 = arith.constant 0 : i32
      %dma_wait3A_63 = arith.constant 0 : i32
      %dma_wait3A_64 = tpu.memref_slice %arg16[%dma_wait3A_61, %dma_wait3A_62, %dma_wait3A_63] : memref<10240x2x128xbf16, #tpu.memory_space<vmem_shared>> -> memref<10240x2x128xbf16, #tpu.memory_space<vmem_shared>>
      tpu.wait_indirect_dma semaphore(%arg17 : memref<!tpu.dma_semaphore, #tpu.memory_space<semaphore_mem>>) src(%dma_wait3A_64 : memref<10240x2x128xbf16, #tpu.memory_space<vmem_shared>>) dst(%arg9 : memref<32x2x128xbf16, #tpu.memory_space<vmem>>)
      %dma_wait3A_65 = tpu.memref_slice %arg8[%mul3A_60] : memref<5120xi32, #tpu.memory_space<vmem>> -> memref<32xi32, #tpu.memory_space<vmem>>
      %dma_wait3A_66 = arith.constant 0 : i32
      %dma_wait3A_67 = arith.constant 0 : i32
      %dma_wait3A_68 = arith.constant 0 : i32
      %dma_wait3A_69 = tpu.memref_slice %arg16[%dma_wait3A_66, %dma_wait3A_67, %dma_wait3A_68] : memref<10240x2x128xbf16, #tpu.memory_space<vmem_shared>> -> memref<10240x2x128xbf16, #tpu.memory_space<vmem_shared>>
      tpu.wait_indirect_dma semaphore(%arg17 : memref<!tpu.dma_semaphore, #tpu.memory_space<semaphore_mem>>) src(%dma_wait3A_69 : memref<10240x2x128xbf16, #tpu.memory_space<vmem_shared>>) dst(%arg11 : memref<32x2x128xbf16, #tpu.memory_space<vmem>>)
      %scan3A_70 = arith.constant 0 : i32
      %scan3A_71 = arith.constant 2 : i32
      %scan3A_72 = arith.addi %scan3A_70, %scan3A_71 : i32
      %scan3A_73 = arith.constant 1 : i32
      scf.for %scan3A_94 = %scan3A_70 to %scan3A_72 step %scan3A_73  : i32 {
        %mul3A_95 = arith.constant 1 : i32
        %mul3A_96 = arith.muli %scan3A_94, %mul3A_95 : i32
        %add3A_97 = arith.constant 0 : i32
        %add3A_98 = arith.addi %add3A_97, %mul3A_96 : i32
        %scan3A_99 = arith.constant 0 : i32
        %scan3A_100 = arith.constant 16 : i32
        %scan3A_101 = arith.addi %scan3A_99, %scan3A_100 : i32
        %scan3A_102 = arith.constant 1 : i32
        scf.for %scan3A_113 = %scan3A_99 to %scan3A_101 step %scan3A_102  : i32 {
          %mul3A_114 = arith.constant 1 : i32
          %mul3A_115 = arith.muli %scan3A_113, %mul3A_114 : i32
          %add3A_116 = arith.constant 0 : i32
          %add3A_117 = arith.addi %add3A_116, %mul3A_115 : i32
          %mul3A_118 = arith.constant 16 : i32
          %mul3A_119 = arith.muli %add3A_98, %mul3A_118 : i32
          %add3A_120 = arith.addi %mul3A_119, %add3A_117 : i32
          %broadcast_in_dim3A = arith.constant 0.000000e+00 : f32
          %broadcast_in_dim3A_121 = vector.broadcast %broadcast_in_dim3A : f32 to vector<16xf32>
          %get3A_122 = arith.constant 0 : i32
          %get3A_123 = arith.index_cast %add3A_120 : i32 to index
          %get3A_124 = arith.index_cast %get3A_122 : i32 to index
          %get3A_125 = arith.constant 0 : index
          %get3A_126 = tpu.vector_load %arg9[%get3A_123, %get3A_124, %get3A_125] {strides = array<i32>} : memref<32x2x128xbf16, #tpu.memory_space<vmem>>, vector<32xbf16>,
          %unpack3A = tpu.unpack_subelements %get3A_126, 0 {pack_format = #tpu.pack_format<interleaved>} : vector<32xbf16> -> vector<16xf32>
          %unpack3A_127 = tpu.unpack_subelements %get3A_126, 1 {pack_format = #tpu.pack_format<interleaved>} : vector<32xbf16> -> vector<16xf32>
          %get3A_128 = arith.constant 0 : i32
          %get3A_129 = arith.index_cast %add3A_120 : i32 to index
          %get3A_130 = arith.index_cast %get3A_128 : i32 to index
          %get3A_131 = arith.constant 0 : index
          %get3A_132 = tpu.vector_load %arg11[%get3A_129, %get3A_130, %get3A_131] {strides = array<i32>} : memref<32x2x128xbf16, #tpu.memory_space<vmem>>, vector<32xbf16>,
          %unpack3A_133 = tpu.unpack_subelements %get3A_132, 0 {pack_format = #tpu.pack_format<interleaved>} : vector<32xbf16> -> vector<16xf32>
          %unpack3A_134 = tpu.unpack_subelements %get3A_132, 1 {pack_format = #tpu.pack_format<interleaved>} : vector<32xbf16> -> vector<16xf32>
          %mul3A_135 = arith.mulf %unpack3A, %unpack3A_133 : vector<16xf32>
          %add3A_136 = arith.addf %broadcast_in_dim3A_121, %mul3A_135 : vector<16xf32>
          %mul3A_137 = arith.mulf %unpack3A_127, %unpack3A_134 : vector<16xf32>
          %add3A_138 = arith.addf %add3A_136, %mul3A_137 : vector<16xf32>
          %get3A_139 = arith.constant 0 : i32
          %get3A_140 = arith.index_cast %add3A_120 : i32 to index
          %get3A_141 = arith.index_cast %get3A_139 : i32 to index
          %get3A_142 = arith.constant 32 : index
          %get3A_143 = tpu.vector_load %arg9[%get3A_140, %get3A_141, %get3A_142] {strides = array<i32>} : memref<32x2x128xbf16, #tpu.memory_space<vmem>>, vector<32xbf16>,
          %unpack3A_144 = tpu.unpack_subelements %get3A_143, 0 {pack_format = #tpu.pack_format<interleaved>} : vector<32xbf16> -> vector<16xf32>
          %unpack3A_145 = tpu.unpack_subelements %get3A_143, 1 {pack_format = #tpu.pack_format<interleaved>} : vector<32xbf16> -> vector<16xf32>
          %get3A_146 = arith.constant 0 : i32
          %get3A_147 = arith.index_cast %add3A_120 : i32 to index
          %get3A_148 = arith.index_cast %get3A_146 : i32 to index
          %get3A_149 = arith.constant 32 : index
          %get3A_150 = tpu.vector_load %arg11[%get3A_147, %get3A_148, %get3A_149] {strides = array<i32>} : memref<32x2x128xbf16, #tpu.memory_space<vmem>>, vector<32xbf16>,
          %unpack3A_151 = tpu.unpack_subelements %get3A_150, 0 {pack_format = #tpu.pack_format<interleaved>} : vector<32xbf16> -> vector<16xf32>
          %unpack3A_152 = tpu.unpack_subelements %get3A_150, 1 {pack_format = #tpu.pack_format<interleaved>} : vector<32xbf16> -> vector<16xf32>
          %mul3A_153 = arith.mulf %unpack3A_144, %unpack3A_151 : vector<16xf32>
          %add3A_154 = arith.addf %add3A_138, %mul3A_153 : vector<16xf32>
          %mul3A_155 = arith.mulf %unpack3A_145, %unpack3A_152 : vector<16xf32>
          %add3A_156 = arith.addf %add3A_154, %mul3A_155 : vector<16xf32>
          %get3A_157 = arith.constant 0 : i32
          %get3A_158 = arith.index_cast %add3A_120 : i32 to index
          %get3A_159 = arith.index_cast %get3A_157 : i32 to index
          %get3A_160 = arith.constant 64 : index
          %get3A_161 = tpu.vector_load %arg9[%get3A_158, %get3A_159, %get3A_160] {strides = array<i32>} : memref<32x2x128xbf16, #tpu.memory_space<vmem>>, vector<32xbf16>,
          %unpack3A_162 = tpu.unpack_subelements %get3A_161, 0 {pack_format = #tpu.pack_format<interleaved>} : vector<32xbf16> -> vector<16xf32>
          %unpack3A_163 = tpu.unpack_subelements %get3A_161, 1 {pack_format = #tpu.pack_format<interleaved>} : vector<32xbf16> -> vector<16xf32>
          %get3A_164 = arith.constant 0 : i32
          %get3A_165 = arith.index_cast %add3A_120 : i32 to index
          %get3A_166 = arith.index_cast %get3A_164 : i32 to index
          %get3A_167 = arith.constant 64 : index
          %get3A_168 = tpu.vector_load %arg11[%get3A_165, %get3A_166, %get3A_167] {strides = array<i32>} : memref<32x2x128xbf16, #tpu.memory_space<vmem>>, vector<32xbf16>,
          %unpack3A_169 = tpu.unpack_subelements %get3A_168, 0 {pack_format = #tpu.pack_format<interleaved>} : vector<32xbf16> -> vector<16xf32>
          %unpack3A_170 = tpu.unpack_subelements %get3A_168, 1 {pack_format = #tpu.pack_format<interleaved>} : vector<32xbf16> -> vector<16xf32>
          %mul3A_171 = arith.mulf %unpack3A_162, %unpack3A_169 : vector<16xf32>
          %add3A_172 = arith.addf %add3A_156, %mul3A_171 : vector<16xf32>
          %mul3A_173 = arith.mulf %unpack3A_163, %unpack3A_170 : vector<16xf32>
          %add3A_174 = arith.addf %add3A_172, %mul3A_173 : vector<16xf32>
          %get3A_175 = arith.constant 0 : i32
          %get3A_176 = arith.index_cast %add3A_120 : i32 to index
          %get3A_177 = arith.index_cast %get3A_175 : i32 to index
          %get3A_178 = arith.constant 96 : index
          %get3A_179 = tpu.vector_load %arg9[%get3A_176, %get3A_177, %get3A_178] {strides = array<i32>} : memref<32x2x128xbf16, #tpu.memory_space<vmem>>, vector<32xbf16>,
          %unpack3A_180 = tpu.unpack_subelements %get3A_179, 0 {pack_format = #tpu.pack_format<interleaved>} : vector<32xbf16> -> vector<16xf32>
          %unpack3A_181 = tpu.unpack_subelements %get3A_179, 1 {pack_format = #tpu.pack_format<interleaved>} : vector<32xbf16> -> vector<16xf32>
          %get3A_182 = arith.constant 0 : i32
          %get3A_183 = arith.index_cast %add3A_120 : i32 to index
          %get3A_184 = arith.index_cast %get3A_182 : i32 to index
          %get3A_185 = arith.constant 96 : index
          %get3A_186 = tpu.vector_load %arg11[%get3A_183, %get3A_184, %get3A_185] {strides = array<i32>} : memref<32x2x128xbf16, #tpu.memory_space<vmem>>, vector<32xbf16>,
          %unpack3A_187 = tpu.unpack_subelements %get3A_186, 0 {pack_format = #tpu.pack_format<interleaved>} : vector<32xbf16> -> vector<16xf32>
          %unpack3A_188 = tpu.unpack_subelements %get3A_186, 1 {pack_format = #tpu.pack_format<interleaved>} : vector<32xbf16> -> vector<16xf32>
          %mul3A_189 = arith.mulf %unpack3A_180, %unpack3A_187 : vector<16xf32>
          %add3A_190 = arith.addf %add3A_174, %mul3A_189 : vector<16xf32>
          %mul3A_191 = arith.mulf %unpack3A_181, %unpack3A_188 : vector<16xf32>
          %add3A_192 = arith.addf %add3A_190, %mul3A_191 : vector<16xf32>
          %get3A_193 = arith.constant 1 : i32
          %get3A_194 = arith.index_cast %add3A_120 : i32 to index
          %get3A_195 = arith.index_cast %get3A_193 : i32 to index
          %get3A_196 = arith.constant 0 : index
          %get3A_197 = tpu.vector_load %arg9[%get3A_194, %get3A_195, %get3A_196] {strides = array<i32>} : memref<32x2x128xbf16, #tpu.memory_space<vmem>>, vector<32xbf16>,
          %unpack3A_198 = tpu.unpack_subelements %get3A_197, 0 {pack_format = #tpu.pack_format<interleaved>} : vector<32xbf16> -> vector<16xf32>
          %unpack3A_199 = tpu.unpack_subelements %get3A_197, 1 {pack_format = #tpu.pack_format<interleaved>} : vector<32xbf16> -> vector<16xf32>
          %get3A_200 = arith.constant 1 : i32
          %get3A_201 = arith.index_cast %add3A_120 : i32 to index
          %get3A_202 = arith.index_cast %get3A_200 : i32 to index
          %get3A_203 = arith.constant 0 : index
          %get3A_204 = tpu.vector_load %arg11[%get3A_201, %get3A_202, %get3A_203] {strides = array<i32>} : memref<32x2x128xbf16, #tpu.memory_space<vmem>>, vector<32xbf16>,
          %unpack3A_205 = tpu.unpack_subelements %get3A_204, 0 {pack_format = #tpu.pack_format<interleaved>} : vector<32xbf16> -> vector<16xf32>
          %unpack3A_206 = tpu.unpack_subelements %get3A_204, 1 {pack_format = #tpu.pack_format<interleaved>} : vector<32xbf16> -> vector<16xf32>
          %mul3A_207 = arith.mulf %unpack3A_198, %unpack3A_205 : vector<16xf32>
          %add3A_208 = arith.addf %add3A_192, %mul3A_207 : vector<16xf32>
          %mul3A_209 = arith.mulf %unpack3A_199, %unpack3A_206 : vector<16xf32>
          %add3A_210 = arith.addf %add3A_208, %mul3A_209 : vector<16xf32>
          %get3A_211 = arith.constant 1 : i32
          %get3A_212 = arith.index_cast %add3A_120 : i32 to index
          %get3A_213 = arith.index_cast %get3A_211 : i32 to index
          %get3A_214 = arith.constant 32 : index
          %get3A_215 = tpu.vector_load %arg9[%get3A_212, %get3A_213, %get3A_214] {strides = array<i32>} : memref<32x2x128xbf16, #tpu.memory_space<vmem>>, vector<32xbf16>,
          %unpack3A_216 = tpu.unpack_subelements %get3A_215, 0 {pack_format = #tpu.pack_format<interleaved>} : vector<32xbf16> -> vector<16xf32>
          %unpack3A_217 = tpu.unpack_subelements %get3A_215, 1 {pack_format = #tpu.pack_format<interleaved>} : vector<32xbf16> -> vector<16xf32>
          %get3A_218 = arith.constant 1 : i32
          %get3A_219 = arith.index_cast %add3A_120 : i32 to index
          %get3A_220 = arith.index_cast %get3A_218 : i32 to index
          %get3A_221 = arith.constant 32 : index
          %get3A_222 = tpu.vector_load %arg11[%get3A_219, %get3A_220, %get3A_221] {strides = array<i32>} : memref<32x2x128xbf16, #tpu.memory_space<vmem>>, vector<32xbf16>,
          %unpack3A_223 = tpu.unpack_subelements %get3A_222, 0 {pack_format = #tpu.pack_format<interleaved>} : vector<32xbf16> -> vector<16xf32>
          %unpack3A_224 = tpu.unpack_subelements %get3A_222, 1 {pack_format = #tpu.pack_format<interleaved>} : vector<32xbf16> -> vector<16xf32>
          %mul3A_225 = arith.mulf %unpack3A_216, %unpack3A_223 : vector<16xf32>
          %add3A_226 = arith.addf %add3A_210, %mul3A_225 : vector<16xf32>
          %mul3A_227 = arith.mulf %unpack3A_217, %unpack3A_224 : vector<16xf32>
          %add3A_228 = arith.addf %add3A_226, %mul3A_227 : vector<16xf32>
          %get3A_229 = arith.constant 1 : i32
          %get3A_230 = arith.index_cast %add3A_120 : i32 to index
          %get3A_231 = arith.index_cast %get3A_229 : i32 to index
          %get3A_232 = arith.constant 64 : index
          %get3A_233 = tpu.vector_load %arg9[%get3A_230, %get3A_231, %get3A_232] {strides = array<i32>} : memref<32x2x128xbf16, #tpu.memory_space<vmem>>, vector<32xbf16>,
          %unpack3A_234 = tpu.unpack_subelements %get3A_233, 0 {pack_format = #tpu.pack_format<interleaved>} : vector<32xbf16> -> vector<16xf32>
          %unpack3A_235 = tpu.unpack_subelements %get3A_233, 1 {pack_format = #tpu.pack_format<interleaved>} : vector<32xbf16> -> vector<16xf32>
          %get3A_236 = arith.constant 1 : i32
          %get3A_237 = arith.index_cast %add3A_120 : i32 to index
          %get3A_238 = arith.index_cast %get3A_236 : i32 to index
          %get3A_239 = arith.constant 64 : index
          %get3A_240 = tpu.vector_load %arg11[%get3A_237, %get3A_238, %get3A_239] {strides = array<i32>} : memref<32x2x128xbf16, #tpu.memory_space<vmem>>, vector<32xbf16>,
          %unpack3A_241 = tpu.unpack_subelements %get3A_240, 0 {pack_format = #tpu.pack_format<interleaved>} : vector<32xbf16> -> vector<16xf32>
          %unpack3A_242 = tpu.unpack_subelements %get3A_240, 1 {pack_format = #tpu.pack_format<interleaved>} : vector<32xbf16> -> vector<16xf32>
          %mul3A_243 = arith.mulf %unpack3A_234, %unpack3A_241 : vector<16xf32>
          %add3A_244 = arith.addf %add3A_228, %mul3A_243 : vector<16xf32>
          %mul3A_245 = arith.mulf %unpack3A_235, %unpack3A_242 : vector<16xf32>
          %add3A_246 = arith.addf %add3A_244, %mul3A_245 : vector<16xf32>
          %get3A_247 = arith.constant 1 : i32
          %get3A_248 = arith.index_cast %add3A_120 : i32 to index
          %get3A_249 = arith.index_cast %get3A_247 : i32 to index
          %get3A_250 = arith.constant 96 : index
          %get3A_251 = tpu.vector_load %arg9[%get3A_248, %get3A_249, %get3A_250] {strides = array<i32>} : memref<32x2x128xbf16, #tpu.memory_space<vmem>>, vector<32xbf16>,
          %unpack3A_252 = tpu.unpack_subelements %get3A_251, 0 {pack_format = #tpu.pack_format<interleaved>} : vector<32xbf16> -> vector<16xf32>
          %unpack3A_253 = tpu.unpack_subelements %get3A_251, 1 {pack_format = #tpu.pack_format<interleaved>} : vector<32xbf16> -> vector<16xf32>
          %get3A_254 = arith.constant 1 : i32
          %get3A_255 = arith.index_cast %add3A_120 : i32 to index
          %get3A_256 = arith.index_cast %get3A_254 : i32 to index
          %get3A_257 = arith.constant 96 : index
          %get3A_258 = tpu.vector_load %arg11[%get3A_255, %get3A_256, %get3A_257] {strides = array<i32>} : memref<32x2x128xbf16, #tpu.memory_space<vmem>>, vector<32xbf16>,
          %unpack3A_259 = tpu.unpack_subelements %get3A_258, 0 {pack_format = #tpu.pack_format<interleaved>} : vector<32xbf16> -> vector<16xf32>
          %unpack3A_260 = tpu.unpack_subelements %get3A_258, 1 {pack_format = #tpu.pack_format<interleaved>} : vector<32xbf16> -> vector<16xf32>
          %mul3A_261 = arith.mulf %unpack3A_252, %unpack3A_259 : vector<16xf32>
          %add3A_262 = arith.addf %add3A_246, %mul3A_261 : vector<16xf32>
          %mul3A_263 = arith.mulf %unpack3A_253, %unpack3A_260 : vector<16xf32>
          %add3A_264 = arith.addf %add3A_262, %mul3A_263 : vector<16xf32>
          %reduce_sum3A = arith.constant true
          %reduce_sum3A_265 = vector.broadcast %reduce_sum3A : i1 to vector<16xi1>
          %reduce_sum3A_266 = tpu.scan <sum>, %add3A_264 masked %reduce_sum3A_265 : vector<16xf32>, vector<16xi1> -> vector<16xf32>
          %reduce_sum3A_267 = vector.extract %reduce_sum3A_266[15] : f32 from vector<16xf32>
          %eq3A = vector.broadcast %add3A_117 : i32 to vector<16xi32>
          %eq3A_268 = arith.cmpi eq, %iota3A, %eq3A : vector<16xi32>
          %broadcast_in_dim3A_269 = vector.broadcast %reduce_sum3A_267 : f32 to vector<16xf32>
          %get3A_270 = arith.constant 0 : index
          %get3A_271 = tpu.vector_load %arg15[%get3A_270] {strides = array<i32>} : memref<16xf32, #tpu.memory_space<vmem>>, vector<16xf32>,
          %select_n3A = arith.select %eq3A_268, %broadcast_in_dim3A_269, %get3A_271 : vector<16xi1>, vector<16xf32>
          %swap3A_272 = arith.constant 0 : index
          %swap3A_273 = tpu.vector_load %arg15[%swap3A_272] {strides = array<i32>} : memref<16xf32, #tpu.memory_space<vmem>>, vector<16xf32>,
          tpu.vector_store %arg15[%swap3A_272], %select_n3A {strides = array<i32>} : memref<16xf32, #tpu.memory_space<vmem>>, vector<16xf32>,
        }
        %scan3A_103 = arith.constant 16 : i32
        %get3A = arith.constant 0 : index
        %get3A_104 = tpu.vector_load %arg15[%get3A] {strides = array<i32>} : memref<16xf32, #tpu.memory_space<vmem>>, vector<16xf32>,
        %exp3A = math.exp %get3A_104 : vector<16xf32>
        %mul3A_105 = arith.constant 32 : i32
        %mul3A_106 = arith.muli %mul3A_44, %mul3A_105 : i32
        %mul3A_107 = arith.constant 16 : i32
        %mul3A_108 = arith.muli %add3A_98, %mul3A_107 : i32
        %add3A_109 = arith.addi %mul3A_106, %mul3A_108 : i32
        %swap3A = arith.index_cast %add3A_109 : i32 to index
        %swap3A_110 = tpu.vector_load %arg13[%swap3A] {strides = array<i32>} : memref<5120xf32, #tpu.memory_space<vmem>>, vector<16xf32>,
        tpu.vector_store %arg13[%swap3A], %exp3A {strides = array<i32>} : memref<5120xf32, #tpu.memory_space<vmem>>, vector<16xf32>,
        %get3A_111 = arith.index_cast %add3A_109 : i32 to index
        %get3A_112 = tpu.vector_load %arg8[%get3A_111] {strides = array<i32>} : memref<5120xi32, #tpu.memory_space<vmem>>, vector<16xi32>,
        tpu.vector_store_idx %arg14[%get3A_112], %exp3A {add = true} : memref<10240xf32, #tpu.memory_space<vmem>>[vector<16xi32>], vector<16xf32>,
      }
      %scan3A_74 = arith.constant 2 : i32
      %lt3A = arith.constant 79 : i32
      %lt3A_75 = arith.cmpi slt, %add3A_42, %lt3A : i32
      %convert_element_type3A = arith.extui %lt3A_75 : i1 to i32
      %cond3A = arith.constant 0 : i32
      %cond3A_76 = arith.cmpi ne, %convert_element_type3A, %cond3A : i32
      scf.if %cond3A_76 {
        %add3A_94 = arith.constant 2 : i32
        %add3A_95 = arith.addi %mul3A_44, %add3A_94 : i32
        %mul3A_96 = arith.constant 32 : i32
        %mul3A_97 = arith.muli %add3A_95, %mul3A_96 : i32
        %dma_start3A_98 = tpu.memref_slice %arg7[%mul3A_97] : memref<5120xi32, #tpu.memory_space<vmem>> -> memref<32xi32, #tpu.memory_space<vmem>>
        %dma_start3A_99 = arith.constant 0 : i32
        %dma_start3A_100 = arith.constant 0 : i32
        %dma_start3A_101 = arith.constant 0 : i32
        %dma_start3A_102 = tpu.memref_slice %arg16[%dma_start3A_99, %dma_start3A_100, %dma_start3A_101] : memref<10240x2x128xbf16, #tpu.memory_space<vmem_shared>> -> memref<10240x2x128xbf16, #tpu.memory_space<vmem_shared>>
        tpu.enqueue_indirect_dma source(%dma_start3A_102 : memref<10240x2x128xbf16, #tpu.memory_space<vmem_shared>>) target(%arg9 : memref<32x2x128xbf16, #tpu.memory_space<vmem>>) offsets(%dma_start3A_98 : memref<32xi32, #tpu.memory_space<vmem>>) semaphore(%arg17 : memref<!tpu.dma_semaphore, #tpu.memory_space<semaphore_mem>>)
        %dma_start3A_103 = tpu.memref_slice %arg8[%mul3A_97] : memref<5120xi32, #tpu.memory_space<vmem>> -> memref<32xi32, #tpu.memory_space<vmem>>
        %dma_start3A_104 = arith.constant 0 : i32
        %dma_start3A_105 = arith.constant 0 : i32
        %dma_start3A_106 = arith.constant 0 : i32
        %dma_start3A_107 = tpu.memref_slice %arg16[%dma_start3A_104, %dma_start3A_105, %dma_start3A_106] : memref<10240x2x128xbf16, #tpu.memory_space<vmem_shared>> -> memref<10240x2x128xbf16, #tpu.memory_space<vmem_shared>>
        tpu.enqueue_indirect_dma source(%dma_start3A_107 : memref<10240x2x128xbf16, #tpu.memory_space<vmem_shared>>) target(%arg11 : memref<32x2x128xbf16, #tpu.memory_space<vmem>>) offsets(%dma_start3A_103 : memref<32xi32, #tpu.memory_space<vmem>>) semaphore(%arg17 : memref<!tpu.dma_semaphore, #tpu.memory_space<semaphore_mem>>)
      } else {
      }
      %mul3A_77 = arith.constant 32 : i32
      %mul3A_78 = arith.muli %add3A_46, %mul3A_77 : i32
      %dma_wait3A_79 = tpu.memref_slice %arg7[%mul3A_78] : memref<5120xi32, #tpu.memory_space<vmem>> -> memref<32xi32, #tpu.memory_space<vmem>>
      %dma_wait3A_80 = arith.constant 0 : i32
      %dma_wait3A_81 = arith.constant 0 : i32
      %dma_wait3A_82 = arith.constant 0 : i32
      %dma_wait3A_83 = tpu.memref_slice %arg16[%dma_wait3A_80, %dma_wait3A_81, %dma_wait3A_82] : memref<10240x2x128xbf16, #tpu.memory_space<vmem_shared>> -> memref<10240x2x128xbf16, #tpu.memory_space<vmem_shared>>
      tpu.wait_indirect_dma semaphore(%arg18 : memref<!tpu.dma_semaphore, #tpu.memory_space<semaphore_mem>>) src(%dma_wait3A_83 : memref<10240x2x128xbf16, #tpu.memory_space<vmem_shared>>) dst(%arg10 : memref<32x2x128xbf16, #tpu.memory_space<vmem>>)
      %dma_wait3A_84 = tpu.memref_slice %arg8[%mul3A_78] : memref<5120xi32, #tpu.memory_space<vmem>> -> memref<32xi32, #tpu.memory_space<vmem>>
      %dma_wait3A_85 = arith.constant 0 : i32
      %dma_wait3A_86 = arith.constant 0 : i32
      %dma_wait3A_87 = arith.constant 0 : i32
      %dma_wait3A_88 = tpu.memref_slice %arg16[%dma_wait3A_85, %dma_wait3A_86, %dma_wait3A_87] : memref<10240x2x128xbf16, #tpu.memory_space<vmem_shared>> -> memref<10240x2x128xbf16, #tpu.memory_space<vmem_shared>>
      tpu.wait_indirect_dma semaphore(%arg18 : memref<!tpu.dma_semaphore, #tpu.memory_space<semaphore_mem>>) src(%dma_wait3A_88 : memref<10240x2x128xbf16, #tpu.memory_space<vmem_shared>>) dst(%arg12 : memref<32x2x128xbf16, #tpu.memory_space<vmem>>)
      %scan3A_89 = arith.constant 0 : i32
      %scan3A_90 = arith.constant 2 : i32
      %scan3A_91 = arith.addi %scan3A_89, %scan3A_90 : i32
      %scan3A_92 = arith.constant 1 : i32
      scf.for %scan3A_94 = %scan3A_89 to %scan3A_91 step %scan3A_92  : i32 {
        %mul3A_95 = arith.constant 1 : i32
        %mul3A_96 = arith.muli %scan3A_94, %mul3A_95 : i32
        %add3A_97 = arith.constant 0 : i32
        %add3A_98 = arith.addi %add3A_97, %mul3A_96 : i32
        %scan3A_99 = arith.constant 0 : i32
        %scan3A_100 = arith.constant 16 : i32
        %scan3A_101 = arith.addi %scan3A_99, %scan3A_100 : i32
        %scan3A_102 = arith.constant 1 : i32
        scf.for %scan3A_113 = %scan3A_99 to %scan3A_101 step %scan3A_102  : i32 {
          %mul3A_114 = arith.constant 1 : i32
          %mul3A_115 = arith.muli %scan3A_113, %mul3A_114 : i32
          %add3A_116 = arith.constant 0 : i32
          %add3A_117 = arith.addi %add3A_116, %mul3A_115 : i32
          %mul3A_118 = arith.constant 16 : i32
          %mul3A_119 = arith.muli %add3A_98, %mul3A_118 : i32
          %add3A_120 = arith.addi %mul3A_119, %add3A_117 : i32
          %broadcast_in_dim3A = arith.constant 0.000000e+00 : f32
          %broadcast_in_dim3A_121 = vector.broadcast %broadcast_in_dim3A : f32 to vector<16xf32>
          %get3A_122 = arith.constant 0 : i32
          %get3A_123 = arith.index_cast %add3A_120 : i32 to index
          %get3A_124 = arith.index_cast %get3A_122 : i32 to index
          %get3A_125 = arith.constant 0 : index
          %get3A_126 = tpu.vector_load %arg10[%get3A_123, %get3A_124, %get3A_125] {strides = array<i32>} : memref<32x2x128xbf16, #tpu.memory_space<vmem>>, vector<32xbf16>,
          %unpack3A = tpu.unpack_subelements %get3A_126, 0 {pack_format = #tpu.pack_format<interleaved>} : vector<32xbf16> -> vector<16xf32>
          %unpack3A_127 = tpu.unpack_subelements %get3A_126, 1 {pack_format = #tpu.pack_format<interleaved>} : vector<32xbf16> -> vector<16xf32>
          %get3A_128 = arith.constant 0 : i32
          %get3A_129 = arith.index_cast %add3A_120 : i32 to index
          %get3A_130 = arith.index_cast %get3A_128 : i32 to index
          %get3A_131 = arith.constant 0 : index
          %get3A_132 = tpu.vector_load %arg12[%get3A_129, %get3A_130, %get3A_131] {strides = array<i32>} : memref<32x2x128xbf16, #tpu.memory_space<vmem>>, vector<32xbf16>,
          %unpack3A_133 = tpu.unpack_subelements %get3A_132, 0 {pack_format = #tpu.pack_format<interleaved>} : vector<32xbf16> -> vector<16xf32>
          %unpack3A_134 = tpu.unpack_subelements %get3A_132, 1 {pack_format = #tpu.pack_format<interleaved>} : vector<32xbf16> -> vector<16xf32>
          %mul3A_135 = arith.mulf %unpack3A, %unpack3A_133 : vector<16xf32>
          %add3A_136 = arith.addf %broadcast_in_dim3A_121, %mul3A_135 : vector<16xf32>
          %mul3A_137 = arith.mulf %unpack3A_127, %unpack3A_134 : vector<16xf32>
          %add3A_138 = arith.addf %add3A_136, %mul3A_137 : vector<16xf32>
          %get3A_139 = arith.constant 0 : i32
          %get3A_140 = arith.index_cast %add3A_120 : i32 to index
          %get3A_141 = arith.index_cast %get3A_139 : i32 to index
          %get3A_142 = arith.constant 32 : index
          %get3A_143 = tpu.vector_load %arg10[%get3A_140, %get3A_141, %get3A_142] {strides = array<i32>} : memref<32x2x128xbf16, #tpu.memory_space<vmem>>, vector<32xbf16>,
          %unpack3A_144 = tpu.unpack_subelements %get3A_143, 0 {pack_format = #tpu.pack_format<interleaved>} : vector<32xbf16> -> vector<16xf32>
          %unpack3A_145 = tpu.unpack_subelements %get3A_143, 1 {pack_format = #tpu.pack_format<interleaved>} : vector<32xbf16> -> vector<16xf32>
          %get3A_146 = arith.constant 0 : i32
          %get3A_147 = arith.index_cast %add3A_120 : i32 to index
          %get3A_148 = arith.index_cast %get3A_146 : i32 to index
          %get3A_149 = arith.constant 32 : index
          %get3A_150 = tpu.vector_load %arg12[%get3A_147, %get3A_148, %get3A_149] {strides = array<i32>} : memref<32x2x128xbf16, #tpu.memory_space<vmem>>, vector<32xbf16>,
          %unpack3A_151 = tpu.unpack_subelements %get3A_150, 0 {pack_format = #tpu.pack_format<interleaved>} : vector<32xbf16> -> vector<16xf32>
          %unpack3A_152 = tpu.unpack_subelements %get3A_150, 1 {pack_format = #tpu.pack_format<interleaved>} : vector<32xbf16> -> vector<16xf32>
          %mul3A_153 = arith.mulf %unpack3A_144, %unpack3A_151 : vector<16xf32>
          %add3A_154 = arith.addf %add3A_138, %mul3A_153 : vector<16xf32>
          %mul3A_155 = arith.mulf %unpack3A_145, %unpack3A_152 : vector<16xf32>
          %add3A_156 = arith.addf %add3A_154, %mul3A_155 : vector<16xf32>
          %get3A_157 = arith.constant 0 : i32
          %get3A_158 = arith.index_cast %add3A_120 : i32 to index
          %get3A_159 = arith.index_cast %get3A_157 : i32 to index
          %get3A_160 = arith.constant 64 : index
          %get3A_161 = tpu.vector_load %arg10[%get3A_158, %get3A_159, %get3A_160] {strides = array<i32>} : memref<32x2x128xbf16, #tpu.memory_space<vmem>>, vector<32xbf16>,
          %unpack3A_162 = tpu.unpack_subelements %get3A_161, 0 {pack_format = #tpu.pack_format<interleaved>} : vector<32xbf16> -> vector<16xf32>
          %unpack3A_163 = tpu.unpack_subelements %get3A_161, 1 {pack_format = #tpu.pack_format<interleaved>} : vector<32xbf16> -> vector<16xf32>
          %get3A_164 = arith.constant 0 : i32
          %get3A_165 = arith.index_cast %add3A_120 : i32 to index
          %get3A_166 = arith.index_cast %get3A_164 : i32 to index
          %get3A_167 = arith.constant 64 : index
          %get3A_168 = tpu.vector_load %arg12[%get3A_165, %get3A_166, %get3A_167] {strides = array<i32>} : memref<32x2x128xbf16, #tpu.memory_space<vmem>>, vector<32xbf16>,
          %unpack3A_169 = tpu.unpack_subelements %get3A_168, 0 {pack_format = #tpu.pack_format<interleaved>} : vector<32xbf16> -> vector<16xf32>
          %unpack3A_170 = tpu.unpack_subelements %get3A_168, 1 {pack_format = #tpu.pack_format<interleaved>} : vector<32xbf16> -> vector<16xf32>
          %mul3A_171 = arith.mulf %unpack3A_162, %unpack3A_169 : vector<16xf32>
          %add3A_172 = arith.addf %add3A_156, %mul3A_171 : vector<16xf32>
          %mul3A_173 = arith.mulf %unpack3A_163, %unpack3A_170 : vector<16xf32>
          %add3A_174 = arith.addf %add3A_172, %mul3A_173 : vector<16xf32>
          %get3A_175 = arith.constant 0 : i32
          %get3A_176 = arith.index_cast %add3A_120 : i32 to index
          %get3A_177 = arith.index_cast %get3A_175 : i32 to index
          %get3A_178 = arith.constant 96 : index
          %get3A_179 = tpu.vector_load %arg10[%get3A_176, %get3A_177, %get3A_178] {strides = array<i32>} : memref<32x2x128xbf16, #tpu.memory_space<vmem>>, vector<32xbf16>,
          %unpack3A_180 = tpu.unpack_subelements %get3A_179, 0 {pack_format = #tpu.pack_format<interleaved>} : vector<32xbf16> -> vector<16xf32>
          %unpack3A_181 = tpu.unpack_subelements %get3A_179, 1 {pack_format = #tpu.pack_format<interleaved>} : vector<32xbf16> -> vector<16xf32>
          %get3A_182 = arith.constant 0 : i32
          %get3A_183 = arith.index_cast %add3A_120 : i32 to index
          %get3A_184 = arith.index_cast %get3A_182 : i32 to index
          %get3A_185 = arith.constant 96 : index
          %get3A_186 = tpu.vector_load %arg12[%get3A_183, %get3A_184, %get3A_185] {strides = array<i32>} : memref<32x2x128xbf16, #tpu.memory_space<vmem>>, vector<32xbf16>,
          %unpack3A_187 = tpu.unpack_subelements %get3A_186, 0 {pack_format = #tpu.pack_format<interleaved>} : vector<32xbf16> -> vector<16xf32>
          %unpack3A_188 = tpu.unpack_subelements %get3A_186, 1 {pack_format = #tpu.pack_format<interleaved>} : vector<32xbf16> -> vector<16xf32>
          %mul3A_189 = arith.mulf %unpack3A_180, %unpack3A_187 : vector<16xf32>
          %add3A_190 = arith.addf %add3A_174, %mul3A_189 : vector<16xf32>
          %mul3A_191 = arith.mulf %unpack3A_181, %unpack3A_188 : vector<16xf32>
          %add3A_192 = arith.addf %add3A_190, %mul3A_191 : vector<16xf32>
          %get3A_193 = arith.constant 1 : i32
          %get3A_194 = arith.index_cast %add3A_120 : i32 to index
          %get3A_195 = arith.index_cast %get3A_193 : i32 to index
          %get3A_196 = arith.constant 0 : index
          %get3A_197 = tpu.vector_load %arg10[%get3A_194, %get3A_195, %get3A_196] {strides = array<i32>} : memref<32x2x128xbf16, #tpu.memory_space<vmem>>, vector<32xbf16>,
          %unpack3A_198 = tpu.unpack_subelements %get3A_197, 0 {pack_format = #tpu.pack_format<interleaved>} : vector<32xbf16> -> vector<16xf32>
          %unpack3A_199 = tpu.unpack_subelements %get3A_197, 1 {pack_format = #tpu.pack_format<interleaved>} : vector<32xbf16> -> vector<16xf32>
          %get3A_200 = arith.constant 1 : i32
          %get3A_201 = arith.index_cast %add3A_120 : i32 to index
          %get3A_202 = arith.index_cast %get3A_200 : i32 to index
          %get3A_203 = arith.constant 0 : index
          %get3A_204 = tpu.vector_load %arg12[%get3A_201, %get3A_202, %get3A_203] {strides = array<i32>} : memref<32x2x128xbf16, #tpu.memory_space<vmem>>, vector<32xbf16>,
          %unpack3A_205 = tpu.unpack_subelements %get3A_204, 0 {pack_format = #tpu.pack_format<interleaved>} : vector<32xbf16> -> vector<16xf32>
          %unpack3A_206 = tpu.unpack_subelements %get3A_204, 1 {pack_format = #tpu.pack_format<interleaved>} : vector<32xbf16> -> vector<16xf32>
          %mul3A_207 = arith.mulf %unpack3A_198, %unpack3A_205 : vector<16xf32>
          %add3A_208 = arith.addf %add3A_192, %mul3A_207 : vector<16xf32>
          %mul3A_209 = arith.mulf %unpack3A_199, %unpack3A_206 : vector<16xf32>
          %add3A_210 = arith.addf %add3A_208, %mul3A_209 : vector<16xf32>
          %get3A_211 = arith.constant 1 : i32
          %get3A_212 = arith.index_cast %add3A_120 : i32 to index
          %get3A_213 = arith.index_cast %get3A_211 : i32 to index
          %get3A_214 = arith.constant 32 : index
          %get3A_215 = tpu.vector_load %arg10[%get3A_212, %get3A_213, %get3A_214] {strides = array<i32>} : memref<32x2x128xbf16, #tpu.memory_space<vmem>>, vector<32xbf16>,
          %unpack3A_216 = tpu.unpack_subelements %get3A_215, 0 {pack_format = #tpu.pack_format<interleaved>} : vector<32xbf16> -> vector<16xf32>
          %unpack3A_217 = tpu.unpack_subelements %get3A_215, 1 {pack_format = #tpu.pack_format<interleaved>} : vector<32xbf16> -> vector<16xf32>
          %get3A_218 = arith.constant 1 : i32
          %get3A_219 = arith.index_cast %add3A_120 : i32 to index
          %get3A_220 = arith.index_cast %get3A_218 : i32 to index
          %get3A_221 = arith.constant 32 : index
          %get3A_222 = tpu.vector_load %arg12[%get3A_219, %get3A_220, %get3A_221] {strides = array<i32>} : memref<32x2x128xbf16, #tpu.memory_space<vmem>>, vector<32xbf16>,
          %unpack3A_223 = tpu.unpack_subelements %get3A_222, 0 {pack_format = #tpu.pack_format<interleaved>} : vector<32xbf16> -> vector<16xf32>
          %unpack3A_224 = tpu.unpack_subelements %get3A_222, 1 {pack_format = #tpu.pack_format<interleaved>} : vector<32xbf16> -> vector<16xf32>
          %mul3A_225 = arith.mulf %unpack3A_216, %unpack3A_223 : vector<16xf32>
          %add3A_226 = arith.addf %add3A_210, %mul3A_225 : vector<16xf32>
          %mul3A_227 = arith.mulf %unpack3A_217, %unpack3A_224 : vector<16xf32>
          %add3A_228 = arith.addf %add3A_226, %mul3A_227 : vector<16xf32>
          %get3A_229 = arith.constant 1 : i32
          %get3A_230 = arith.index_cast %add3A_120 : i32 to index
          %get3A_231 = arith.index_cast %get3A_229 : i32 to index
          %get3A_232 = arith.constant 64 : index
          %get3A_233 = tpu.vector_load %arg10[%get3A_230, %get3A_231, %get3A_232] {strides = array<i32>} : memref<32x2x128xbf16, #tpu.memory_space<vmem>>, vector<32xbf16>,
          %unpack3A_234 = tpu.unpack_subelements %get3A_233, 0 {pack_format = #tpu.pack_format<interleaved>} : vector<32xbf16> -> vector<16xf32>
          %unpack3A_235 = tpu.unpack_subelements %get3A_233, 1 {pack_format = #tpu.pack_format<interleaved>} : vector<32xbf16> -> vector<16xf32>
          %get3A_236 = arith.constant 1 : i32
          %get3A_237 = arith.index_cast %add3A_120 : i32 to index
          %get3A_238 = arith.index_cast %get3A_236 : i32 to index
          %get3A_239 = arith.constant 64 : index
          %get3A_240 = tpu.vector_load %arg12[%get3A_237, %get3A_238, %get3A_239] {strides = array<i32>} : memref<32x2x128xbf16, #tpu.memory_space<vmem>>, vector<32xbf16>,
          %unpack3A_241 = tpu.unpack_subelements %get3A_240, 0 {pack_format = #tpu.pack_format<interleaved>} : vector<32xbf16> -> vector<16xf32>
          %unpack3A_242 = tpu.unpack_subelements %get3A_240, 1 {pack_format = #tpu.pack_format<interleaved>} : vector<32xbf16> -> vector<16xf32>
          %mul3A_243 = arith.mulf %unpack3A_234, %unpack3A_241 : vector<16xf32>
          %add3A_244 = arith.addf %add3A_228, %mul3A_243 : vector<16xf32>
          %mul3A_245 = arith.mulf %unpack3A_235, %unpack3A_242 : vector<16xf32>
          %add3A_246 = arith.addf %add3A_244, %mul3A_245 : vector<16xf32>
          %get3A_247 = arith.constant 1 : i32
          %get3A_248 = arith.index_cast %add3A_120 : i32 to index
          %get3A_249 = arith.index_cast %get3A_247 : i32 to index
          %get3A_250 = arith.constant 96 : index
          %get3A_251 = tpu.vector_load %arg10[%get3A_248, %get3A_249, %get3A_250] {strides = array<i32>} : memref<32x2x128xbf16, #tpu.memory_space<vmem>>, vector<32xbf16>,
          %unpack3A_252 = tpu.unpack_subelements %get3A_251, 0 {pack_format = #tpu.pack_format<interleaved>} : vector<32xbf16> -> vector<16xf32>
          %unpack3A_253 = tpu.unpack_subelements %get3A_251, 1 {pack_format = #tpu.pack_format<interleaved>} : vector<32xbf16> -> vector<16xf32>
          %get3A_254 = arith.constant 1 : i32
          %get3A_255 = arith.index_cast %add3A_120 : i32 to index
          %get3A_256 = arith.index_cast %get3A_254 : i32 to index
          %get3A_257 = arith.constant 96 : index
          %get3A_258 = tpu.vector_load %arg12[%get3A_255, %get3A_256, %get3A_257] {strides = array<i32>} : memref<32x2x128xbf16, #tpu.memory_space<vmem>>, vector<32xbf16>,
          %unpack3A_259 = tpu.unpack_subelements %get3A_258, 0 {pack_format = #tpu.pack_format<interleaved>} : vector<32xbf16> -> vector<16xf32>
          %unpack3A_260 = tpu.unpack_subelements %get3A_258, 1 {pack_format = #tpu.pack_format<interleaved>} : vector<32xbf16> -> vector<16xf32>
          %mul3A_261 = arith.mulf %unpack3A_252, %unpack3A_259 : vector<16xf32>
          %add3A_262 = arith.addf %add3A_246, %mul3A_261 : vector<16xf32>
          %mul3A_263 = arith.mulf %unpack3A_253, %unpack3A_260 : vector<16xf32>
          %add3A_264 = arith.addf %add3A_262, %mul3A_263 : vector<16xf32>
          %reduce_sum3A = arith.constant true
          %reduce_sum3A_265 = vector.broadcast %reduce_sum3A : i1 to vector<16xi1>
          %reduce_sum3A_266 = tpu.scan <sum>, %add3A_264 masked %reduce_sum3A_265 : vector<16xf32>, vector<16xi1> -> vector<16xf32>
          %reduce_sum3A_267 = vector.extract %reduce_sum3A_266[15] : f32 from vector<16xf32>
          %eq3A = vector.broadcast %add3A_117 : i32 to vector<16xi32>
          %eq3A_268 = arith.cmpi eq, %iota3A, %eq3A : vector<16xi32>
          %broadcast_in_dim3A_269 = vector.broadcast %reduce_sum3A_267 : f32 to vector<16xf32>
          %get3A_270 = arith.constant 0 : index
          %get3A_271 = tpu.vector_load %arg15[%get3A_270] {strides = array<i32>} : memref<16xf32, #tpu.memory_space<vmem>>, vector<16xf32>,
          %select_n3A = arith.select %eq3A_268, %broadcast_in_dim3A_269, %get3A_271 : vector<16xi1>, vector<16xf32>
          %swap3A_272 = arith.constant 0 : index
          %swap3A_273 = tpu.vector_load %arg15[%swap3A_272] {strides = array<i32>} : memref<16xf32, #tpu.memory_space<vmem>>, vector<16xf32>,
          tpu.vector_store %arg15[%swap3A_272], %select_n3A {strides = array<i32>} : memref<16xf32, #tpu.memory_space<vmem>>, vector<16xf32>,
        }
        %scan3A_103 = arith.constant 16 : i32
        %get3A = arith.constant 0 : index
        %get3A_104 = tpu.vector_load %arg15[%get3A] {strides = array<i32>} : memref<16xf32, #tpu.memory_space<vmem>>, vector<16xf32>,
        %exp3A = math.exp %get3A_104 : vector<16xf32>
        %mul3A_105 = arith.constant 32 : i32
        %mul3A_106 = arith.muli %add3A_46, %mul3A_105 : i32
        %mul3A_107 = arith.constant 16 : i32
        %mul3A_108 = arith.muli %add3A_98, %mul3A_107 : i32
        %add3A_109 = arith.addi %mul3A_106, %mul3A_108 : i32
        %swap3A = arith.index_cast %add3A_109 : i32 to index
        %swap3A_110 = tpu.vector_load %arg13[%swap3A] {strides = array<i32>} : memref<5120xf32, #tpu.memory_space<vmem>>, vector<16xf32>,
        tpu.vector_store %arg13[%swap3A], %exp3A {strides = array<i32>} : memref<5120xf32, #tpu.memory_space<vmem>>, vector<16xf32>,
        %get3A_111 = arith.index_cast %add3A_109 : i32 to index
        %get3A_112 = tpu.vector_load %arg8[%get3A_111] {strides = array<i32>} : memref<5120xi32, #tpu.memory_space<vmem>>, vector<16xi32>,
        tpu.vector_store_idx %arg14[%get3A_112], %exp3A {add = true} : memref<10240xf32, #tpu.memory_space<vmem>>[vector<16xi32>], vector<16xf32>,
      }
      %scan3A_93 = arith.constant 2 : i32
    }
    %scan3A_37 = arith.constant 80 : i32
    "tpu.region"() ({
      %run_scoped3A = tpu.sem_alloc : memref<!tpu.dma_semaphore, #tpu.memory_space<semaphore_mem>>
      %dma_start3A_38 = tpu.memref_slice %arg5[%mul3A_2] : memref<163840xf32, #tpu.memory_space<hbm>> -> memref<5120xf32, #tpu.memory_space<hbm>>
      %dma_start3A_39 = tpu.memref_slice %arg5[%mul3A_2] : memref<163840xf32, #tpu.memory_space<hbm>> -> memref<5120xf32, #tpu.memory_space<hbm>>
      tpu.enqueue_dma source(%arg13 : memref<5120xf32, #tpu.memory_space<vmem>>) target(%dma_start3A_39 : memref<5120xf32, #tpu.memory_space<hbm>>) target_semaphore(%run_scoped3A : memref<!tpu.dma_semaphore, #tpu.memory_space<semaphore_mem>>)
      %dma_wait3A = tpu.memref_slice %arg5[%mul3A_2] : memref<163840xf32, #tpu.memory_space<hbm>> -> memref<5120xf32, #tpu.memory_space<hbm>>
      %dma_wait3A_40 = tpu.memref_slice %arg5[%mul3A_2] : memref<163840xf32, #tpu.memory_space<hbm>> -> memref<5120xf32, #tpu.memory_space<hbm>>
      tpu.wait_dma2 semaphore(%run_scoped3A : memref<!tpu.dma_semaphore, #tpu.memory_space<semaphore_mem>>) src(%arg13 : memref<5120xf32, #tpu.memory_space<vmem>>) dst(%dma_wait3A_40 : memref<5120xf32, #tpu.memory_space<hbm>>)
      tpu.yield
    }) : () -> ()
    "tpu.region"() ({
      %run_scoped3A = tpu.sem_alloc : memref<!tpu.dma_semaphore, #tpu.memory_space<semaphore_mem>>
      %dma_start3A_38 = arith.constant 0 : i32
      %dma_start3A_39 = tpu.memref_slice %arg6[%add3A, %dma_start3A_38] : memref<32x10240xf32, #tpu.memory_space<hbm>> -> memref<1x10240xf32, #tpu.memory_space<hbm>>
      %dma_start3A_40 = tpu.memref_squeeze %dma_start3A_39 : memref<1x10240xf32, #tpu.memory_space<hbm>> -> memref<10240xf32, #tpu.memory_space<hbm>>
      %dma_start3A_41 = arith.constant 0 : i32
      %dma_start3A_42 = tpu.memref_slice %arg6[%add3A, %dma_start3A_41] : memref<32x10240xf32, #tpu.memory_space<hbm>> -> memref<1x10240xf32, #tpu.memory_space<hbm>>
      %dma_start3A_43 = tpu.memref_squeeze %dma_start3A_42 : memref<1x10240xf32, #tpu.memory_space<hbm>> -> memref<10240xf32, #tpu.memory_space<hbm>>
      tpu.enqueue_dma source(%arg14 : memref<10240xf32, #tpu.memory_space<vmem>>) target(%dma_start3A_43 : memref<10240xf32, #tpu.memory_space<hbm>>) target_semaphore(%run_scoped3A : memref<!tpu.dma_semaphore, #tpu.memory_space<semaphore_mem>>)
      %dma_wait3A = arith.constant 0 : i32
      %dma_wait3A_44 = tpu.memref_slice %arg6[%add3A, %dma_wait3A] : memref<32x10240xf32, #tpu.memory_space<hbm>> -> memref<1x10240xf32, #tpu.memory_space<hbm>>
      %dma_wait3A_45 = tpu.memref_squeeze %dma_wait3A_44 : memref<1x10240xf32, #tpu.memory_space<hbm>> -> memref<10240xf32, #tpu.memory_space<hbm>>
      %dma_wait3A_46 = arith.constant 0 : i32
      %dma_wait3A_47 = tpu.memref_slice %arg6[%add3A, %dma_wait3A_46] : memref<32x10240xf32, #tpu.memory_space<hbm>> -> memref<1x10240xf32, #tpu.memory_space<hbm>>
      %dma_wait3A_48 = tpu.memref_squeeze %dma_wait3A_47 : memref<1x10240xf32, #tpu.memory_space<hbm>> -> memref<10240xf32, #tpu.memory_space<hbm>>
      tpu.wait_dma2 semaphore(%run_scoped3A : memref<!tpu.dma_semaphore, #tpu.memory_space<semaphore_mem>>) src(%arg14 : memref<10240xf32, #tpu.memory_space<vmem>>) dst(%dma_wait3A_48 : memref<10240xf32, #tpu.memory_space<hbm>>)
      tpu.yield
    }) : () -> ()
    return
  }
}

module attributes {stable_mosaic.version = 14 : i64} {
  func.func @_proj_body(%arg0: i32, %arg1: memref<256x256xf32, #tpu.memory_space<vmem>>, %arg2: memref<256x256xf32, #tpu.memory_space<vmem>>, %arg3: memref<1x256xf32, #tpu.memory_space<vmem>>, %arg4: memref<256x2x128xbf16, #tpu.memory_space<vmem>>, %arg5: memref<2x256x128xf32, #tpu.memory_space<vmem>>) attributes {dimension_semantics = [#tpu.dimension_semantics<arbitrary>], iteration_bounds = array<i64: 40>, scalar_prefetch = 0 : i64, scratch_operands = 0 : i64, tpu.core_type = #tpu.core_type<tc>, window_params = [{transform_indices = @transform_0, window_bounds = array<i64: 256, 256>}, {pipeline_mode = #tpu.pipeline_mode<synchronous>, transform_indices = @transform_1, window_bounds = array<i64: 256, 256>}, {pipeline_mode = #tpu.pipeline_mode<synchronous>, transform_indices = @transform_2, window_bounds = array<i64: 1, 256>}, {transform_indices = @transform_3, window_bounds = array<i64: 256, 2, 128>}, {transform_indices = @transform_4, window_bounds = array<i64: 2, 256, 128>}]} {
    %get3A = arith.constant 0 : index
    %get3A_0 = arith.constant 0 : index
    %get3A_1 = vector.load %arg1[%get3A, %get3A_0] : memref<256x256xf32, #tpu.memory_space<vmem>>, vector<256x256xf32>
    %get3A_2 = arith.constant 0 : index
    %get3A_3 = arith.constant 0 : index
    %get3A_4 = vector.load %arg2[%get3A_2, %get3A_3] : memref<256x256xf32, #tpu.memory_space<vmem>>, vector<256x256xf32>
    %dot_general3A = arith.constant dense<0.000000e+00> : vector<256x256xf32>
    %dot_general3A_5 = tpu.matmul %get3A_1, %get3A_4, %dot_general3A {dimension_numbers = #tpu.dot_dimension_numbers<[1], [1], [0], [0], [0, 0, 1, 0], [], []>, precision = #tpu.contract_precision<fp32>, transpose_lhs_hint = false} : vector<256x256xf32>, vector<256x256xf32>, vector<256x256xf32> -> vector<256x256xf32>
    %get3A_6 = arith.constant 0 : index
    %get3A_7 = arith.constant 0 : index
    %get3A_8 = vector.load %arg3[%get3A_6, %get3A_7] : memref<1x256xf32, #tpu.memory_space<vmem>>, vector<1x256xf32>
    %add3A = vector.broadcast %get3A_8 : vector<1x256xf32> to vector<256x256xf32>
    %add3A_9 = arith.addf %dot_general3A_5, %add3A : vector<256x256xf32>
    %mul3A = arith.mulf %add3A_9, %add3A_9 : vector<256x256xf32>
    %reduce_sum3A = arith.constant dense<0.000000e+00> : vector<256xf32>
    %reduce_sum3A_10 = vector.multi_reduction <add>, %mul3A, %reduce_sum3A [1] : vector<256x256xf32> to vector<256xf32>
    %broadcast_in_dim3A = vector.shape_cast %reduce_sum3A_10 : vector<256xf32> to vector<256x1xf32>
    %sqrt3A = math.sqrt %broadcast_in_dim3A : vector<256x1xf32>
    %max3A = arith.constant 9.99999996E-13 : f32
    %max3A_11 = vector.broadcast %max3A : f32 to vector<256x1xf32>
    %max3A_12 = arith.maximumf %sqrt3A, %max3A_11 : vector<256x1xf32>
    %div3A = vector.broadcast %max3A_12 : vector<256x1xf32> to vector<256x256xf32>
    %div3A_13 = arith.divf %add3A_9, %div3A : vector<256x256xf32>
    %convert_element_type3A = arith.truncf %div3A_13 : vector<256x256xf32> to vector<256x256xbf16>
    %reshape3A = vector.shape_cast %convert_element_type3A : vector<256x256xbf16> to vector<256x2x128xbf16>
    %swap3A = arith.constant 0 : index
    %swap3A_14 = arith.constant 0 : index
    %swap3A_15 = arith.constant 0 : index
    %swap3A_16 = vector.load %arg4[%swap3A, %swap3A_14, %swap3A_15] : memref<256x2x128xbf16, #tpu.memory_space<vmem>>, vector<256x2x128xbf16>
    tpu.vector_store %arg4[%swap3A, %swap3A_14, %swap3A_15], %reshape3A {strides = array<i32>} : memref<256x2x128xbf16, #tpu.memory_space<vmem>>, vector<256x2x128xbf16>,
    %slice3A = vector.extract_strided_slice %add3A_9 {offsets = [0, 0], sizes = [256, 128], strides = [1, 1]} : vector<256x256xf32> to vector<256x128xf32>
    %swap3A_17 = arith.constant 0 : index
    %swap3A_18 = arith.constant 0 : index
    %swap3A_19 = arith.constant 0 : index
    %swap3A_20 = vector.load %arg5[%swap3A_17, %swap3A_18, %swap3A_19] : memref<2x256x128xf32, #tpu.memory_space<vmem>>, vector<1x256x128xf32>
    %swap3A_21 = vector.shape_cast %swap3A_20 : vector<1x256x128xf32> to vector<256x128xf32>
    %swap3A_22 = vector.shape_cast %slice3A : vector<256x128xf32> to vector<1x256x128xf32>
    tpu.vector_store %arg5[%swap3A_17, %swap3A_18, %swap3A_19], %swap3A_22 {strides = array<i32>} : memref<2x256x128xf32, #tpu.memory_space<vmem>>, vector<1x256x128xf32>,
    %slice3A_23 = vector.extract_strided_slice %add3A_9 {offsets = [0, 128], sizes = [256, 128], strides = [1, 1]} : vector<256x256xf32> to vector<256x128xf32>
    %swap3A_24 = arith.constant 1 : index
    %swap3A_25 = arith.constant 0 : index
    %swap3A_26 = arith.constant 0 : index
    %swap3A_27 = vector.load %arg5[%swap3A_24, %swap3A_25, %swap3A_26] : memref<2x256x128xf32, #tpu.memory_space<vmem>>, vector<1x256x128xf32>
    %swap3A_28 = vector.shape_cast %swap3A_27 : vector<1x256x128xf32> to vector<256x128xf32>
    %swap3A_29 = vector.shape_cast %slice3A_23 : vector<256x128xf32> to vector<1x256x128xf32>
    tpu.vector_store %arg5[%swap3A_24, %swap3A_25, %swap3A_26], %swap3A_29 {strides = array<i32>} : memref<2x256x128xf32, #tpu.memory_space<vmem>>, vector<1x256x128xf32>,
    return
  }
  func.func @transform_0(%arg0: i32) -> (i32, i32) {
    %c0_i32 = arith.constant 0 : i32
    %c0_i32_0 = arith.constant 0 : i32
    return %arg0, %c0_i32 : i32, i32
  }
  func.func @transform_1(%arg0: i32) -> (i32, i32) {
    %c0_i32 = arith.constant 0 : i32
    %c0_i32_0 = arith.constant 0 : i32
    %c0_i32_1 = arith.constant 0 : i32
    return %c0_i32, %c0_i32_0 : i32, i32
  }
  func.func @transform_2(%arg0: i32) -> (i32, i32) {
    %c0_i32 = arith.constant 0 : i32
    %c0_i32_0 = arith.constant 0 : i32
    %c0_i32_1 = arith.constant 0 : i32
    return %c0_i32, %c0_i32_0 : i32, i32
  }
  func.func @transform_3(%arg0: i32) -> (i32, i32, i32) {
    %c0_i32 = arith.constant 0 : i32
    %c0_i32_0 = arith.constant 0 : i32
    %c0_i32_1 = arith.constant 0 : i32
    return %arg0, %c0_i32, %c0_i32_0 : i32, i32, i32
  }
  func.func @transform_4(%arg0: i32) -> (i32, i32, i32) {
    %c0_i32 = arith.constant 0 : i32
    %c0_i32_0 = arith.constant 0 : i32
    %c0_i32_1 = arith.constant 0 : i32
    return %c0_i32, %arg0, %c0_i32_0 : i32, i32, i32
  }
}

module attributes {stable_mosaic.version = 14 : i64} {
  func.func @_final_body(%arg0: i32, %arg1: memref<256x128xf32, #tpu.memory_space<vmem>>, %arg2: memref<256x128xf32, #tpu.memory_space<vmem>>, %arg3: memref<32x256xf32, #tpu.memory_space<vmem>>, %arg4: memref<256x256xf32, #tpu.memory_space<vmem>>) attributes {dimension_semantics = [#tpu.dimension_semantics<arbitrary>], iteration_bounds = array<i64: 40>, scalar_prefetch = 0 : i64, scratch_operands = 0 : i64, tpu.core_type = #tpu.core_type<tc>, window_params = [{transform_indices = @transform_0, window_bounds = array<i64: 256, 128>}, {transform_indices = @transform_1, window_bounds = array<i64: 256, 128>}, {transform_indices = @transform_2, window_bounds = array<i64: 32, 256>}, {transform_indices = @transform_3, window_bounds = array<i64: 256, 256>}]} {
    %get3A = arith.constant 0 : index
    %get3A_0 = arith.constant 0 : index
    %get3A_1 = vector.load %arg3[%get3A, %get3A_0] : memref<32x256xf32, #tpu.memory_space<vmem>>, vector<32x256xf32>
    %reduce_sum3A = arith.constant dense<0.000000e+00> : vector<256xf32>
    %reduce_sum3A_2 = vector.multi_reduction <add>, %get3A_1, %reduce_sum3A [0] : vector<32x256xf32> to vector<256xf32>
    %max3A = arith.constant 9.99999935E-39 : f32
    %max3A_3 = vector.broadcast %max3A : f32 to vector<256xf32>
    %max3A_4 = arith.maximumf %reduce_sum3A_2, %max3A_3 : vector<256xf32>
    %get3A_5 = arith.constant 0 : index
    %get3A_6 = arith.constant 0 : index
    %get3A_7 = vector.load %arg1[%get3A_5, %get3A_6] : memref<256x128xf32, #tpu.memory_space<vmem>>, vector<256x128xf32>
    %get3A_8 = arith.constant 0 : index
    %get3A_9 = arith.constant 0 : index
    %get3A_10 = vector.load %arg2[%get3A_8, %get3A_9] : memref<256x128xf32, #tpu.memory_space<vmem>>, vector<256x128xf32>
    %concatenate3A = tpu.concatenate %get3A_7, %get3A_10 in 1 : vector<256x128xf32>, vector<256x128xf32> -> vector<256x256xf32>
    %broadcast_in_dim3A = vector.shape_cast %max3A_4 : vector<256xf32> to vector<256x1xf32>
    %div3A = vector.broadcast %broadcast_in_dim3A : vector<256x1xf32> to vector<256x256xf32>
    %div3A_11 = arith.divf %concatenate3A, %div3A : vector<256x256xf32>
    %swap3A = arith.constant 0 : index
    %swap3A_12 = arith.constant 0 : index
    %swap3A_13 = vector.load %arg4[%swap3A, %swap3A_12] : memref<256x256xf32, #tpu.memory_space<vmem>>, vector<256x256xf32>
    tpu.vector_store %arg4[%swap3A, %swap3A_12], %div3A_11 {strides = array<i32>} : memref<256x256xf32, #tpu.memory_space<vmem>>, vector<256x256xf32>,
    return
  }
  func.func @transform_0(%arg0: i32) -> (i32, i32) {
    %c0_i32 = arith.constant 0 : i32
    %c0_i32_0 = arith.constant 0 : i32
    return %arg0, %c0_i32 : i32, i32
  }
  func.func @transform_1(%arg0: i32) -> (i32, i32) {
    %add3A = arith.constant 40 : i32
    %add3A_0 = arith.addi %add3A, %arg0 : i32
    %c0_i32 = arith.constant 0 : i32
    %c0_i32_1 = arith.constant 0 : i32
    return %add3A_0, %c0_i32 : i32, i32
  }
  func.func @transform_2(%arg0: i32) -> (i32, i32) {
    %c0_i32 = arith.constant 0 : i32
    %c0_i32_0 = arith.constant 0 : i32
    return %c0_i32, %arg0 : i32, i32
  }
  func.func @transform_3(%arg0: i32) -> (i32, i32) {
    %c0_i32 = arith.constant 0 : i32
    %c0_i32_0 = arith.constant 0 : i32
    return %arg0, %c0_i32 : i32, i32
  }
}

</mosaic_0001>

<sc_bundles>
// kernel: kernel.6.cloned.1.call-start
scs
__scs_entry_jumppad:
0x0: {  	(pc) =	sbr.rel $0x88, $3  }
0x1: {  	(tag) =	ssettag $0x0;
	lr =	simm.s32 $0x1  }
0x2: {  	[smem:$0x3F9D] =	sst lr;
	_ =	strace $0xD0000000  }
0x3: {  	_ = 	snop  }
0x4: {  	_ = 	snop  }
0x5: {  	_ = 	snop  }
0x6: {  	_ = 	snop  }
0x7: {  	_ = 	snop  }
__scs_overlays_trampoline_lowered:
0x8: {  	[smem:$0x3FAC] =	sst s0  }
0x9: {  	[smem:$0x3FAD] =	sst s1  }
0xa: {  	[smem:$0x3FAE] =	sst s2  }
0xb: {  	[smem:$0x3FAF] =	sst s3  }
0xc: {  	[smem:$0x3FB0] =	sst s4  }
0xd: {  	[smem:$0x3FB1] =	sst s5  }
0xe: {  	[smem:$0x3FB2] =	sst s6  }
0xf: {  	[smem:$0x3FB3] =	sst s7  }
0x10: {  	[smem:$0x3FB4] =	sst s8  }
0x11: {  	[smem:$0x3FB5] =	sst s9;
	s0 =	simm.s32 @!p0 $0x0  }
0x12: {  	s1 =	sld [smem:$0x3F9B];
	s0 =	simm.s32 @p0 $0x1  }
0x13: {  	[smem:$0x3FB6] =	sst s0;
	s0 =	simm.s32 @!p1 $0x0  }
0x14: {  	s2 =	sld [smem:$0x3F9A];
	s0 =	simm.s32 @p1 $0x1  }
0x15: {  	[smem:$0x3FB7] =	sst s0;
	s0 =	simm.s32 @!p2 $0x0  }
0x16: {  	s3 =	sld [smem:$0x3FDB];
	s0 =	simm.s32 @p2 $0x1  }
0x17: {  	s4 =	simm.s32 $0x1BF5;
	[smem:$0x3FB9] =	sst s0  }
0x18: {  	s0 =	sld [smem:$0x3F9C];
	_ =	swait.ge [sflag:s4], $0x0  }
0x19: {  	s7 =	sld [smem:$0x3F9D]  }
0x1a: {  	s8 =	sadd.s32 $0xFFFFE003, lr  }
0x1b: {  	s9 =	sadd.s32 $0xFFFFFEF7, lr;
	s5 =	simm.s32 $0xFFFFFFFF;
	p2 =	slt.u32 s8, $0xFFFFF086  }
0x1c: {  	p1 =	slt.u32 s9, $0xF7A;
	s5 =	simm.s32 @!p2 $0x0  }
0x1d: {  	s5 =	simm.s32 @p1 $0x1;
	p0 =	seq.s32 s7, s2  }
0x1e: {  	s7 =	smul.u32 @!p0 $0xF7A, s2;
	p2 =	seq.s32 @!p0 s5, $0x0  }
0x1f: {  	s9 =	smul.u32 $0xF7A, s1;
	s8 =	simm.s32 @!p0 $0x1BF5;
	p2 =	por !p2, p0  }
0x20: {  	[sflag:s8] =	ssyncset.s32 @!p0 $0xFFFFF086;
	s6 =	sadd.s32 @!p0 s3, s7;
	s7 =	simm.s32 @!p0 $0x108  }
0x21: {  	s3 =	sadd.s32 s3, s9;
	s6 =	sadd.s32 @!p0 $0x88, s6;
	s7 =	simm.s32 @p2 $0x1082  }
0x22: {  	[simem:s7], [sflag:s8] =	dma.local @!p0 [hbm:s6], $0xF7A  }
0x23: {  	s9 =	sor.u32 $0xD0000000, s2;
	s6 =	simm.s32 $0x108;
	_ =	swait.ge @!p0 [sflag:s8], $0x0  }
0x24: {  	s3 =	sadd.s32 $0x88, s3;
	s6 =	simm.s32 @!p1 $0x1082;
	[sflag:s4] =	ssyncset.s32 $0xFFFFF086  }
0x25: {  	[simem:s6], [sflag:s4] =	dma.local [hbm:s3], $0xF7A  }
0x26: {  	[smem:$0x3F9D] =	sst s1;
	(tag) =	ssettag s2;
	_ =	strace s9  }
0x27: {  	s1 =	sld [smem:$0x3FAD]  }
0x28: {  	s2 =	sld [smem:$0x3FAE]  }
0x29: {  	s4 =	sld [smem:$0x3FB0]  }
0x2a: {  	p0 =	seq.s32 s5, $0x0;
	s5 =	sld [smem:$0x3FB1]  }
0x2b: {  	s6 =	sld [smem:$0x3FB2]  }
0x2c: {  	s7 =	sld [smem:$0x3FB3]  }
0x2d: {  	s3 =	simm.s32 $0x108;
	s8 =	sld [smem:$0x3FB4]  }
0x2e: {  	s3 =	simm.s32 @!p0 $0x1082;
	s9 =	sld [smem:$0x3FB5]  }
0x2f: {  	lr =	sadd.s32 s0, s3;
	s0 =	sld [smem:$0x3FAC]  }
0x30: {  	s3 =	sld [smem:$0x3FAF]  }
0x31: {  	[smem:$0x3FB8] =	sst s10  }
0x32: {  	s10 =	sld [smem:$0x3FB6];
	_ =	sdelay $0x3  }
0x33: {  	p0 =	seq.s32 s10, $0x1;
	s10 =	sld [smem:$0x3FB8];
	_ =	sdelay $0x3  }
0x34: {  	[smem:$0x3FB8] =	sst s10  }
0x35: {  	s10 =	sld [smem:$0x3FB7];
	_ =	sdelay $0x3  }
0x36: {  	p1 =	seq.s32 s10, $0x1;
	s10 =	sld [smem:$0x3FB8];
	_ =	sdelay $0x3  }
0x37: {  	[smem:$0x3FB8] =	sst s10  }
0x38: {  	s10 =	sld [smem:$0x3FB9]  }
0x39: {  	_ = 	snop;
	(pc) =	sbr.ind lr, $3  }
0x3a: {  	_ = 	snop  }
0x3b: {  	_ = 	snop  }
0x3c: {  	p2 =	seq.s32 s10, $0x1;
	s10 =	sld [smem:$0x3FB8]  }
0x3d: {  	_ =	shalt  }
0x3e: {  	_ =	shalt  }
0x3f: {  	_ =	shalt  }
0x40: {  	_ =	shalt  }
0x41: {  	_ =	shalt  }
0x42: {  	_ =	shalt  }
0x43: {  	_ =	shalt  }
0x44: {  	_ =	shalt  }
0x45: {  	_ =	shalt  }
0x46: {  	_ =	shalt  }
0x47: {  	_ =	shalt  }
0x48: {  	_ =	shalt  }
0x49: {  	_ =	shalt  }
0x4a: {  	_ =	shalt  }
0x4b: {  	_ =	shalt  }
0x4c: {  	_ =	shalt  }
0x4d: {  	_ =	shalt  }
0x4e: {  	_ =	shalt  }
0x4f: {  	_ =	shalt  }
0x50: {  	_ =	shalt  }
0x51: {  	_ =	shalt  }
0x52: {  	_ =	shalt  }
0x53: {  	_ =	shalt  }
0x54: {  	_ =	shalt  }
0x55: {  	_ =	shalt  }
0x56: {  	_ =	shalt  }
0x57: {  	_ =	shalt  }
0x58: {  	_ =	shalt  }
0x59: {  	_ =	shalt  }
0x5a: {  	_ =	shalt  }
0x5b: {  	_ =	shalt  }
0x5c: {  	_ =	shalt  }
0x5d: {  	_ =	shalt  }
0x5e: {  	_ =	shalt  }
0x5f: {  	_ =	shalt  }
0x60: {  	_ =	shalt  }
0x61: {  	_ =	shalt  }
0x62: {  	_ =	shalt  }
0x63: {  	_ =	shalt  }
0x64: {  	_ =	shalt  }
0x65: {  	_ =	shalt  }
0x66: {  	_ =	shalt  }
0x67: {  	_ =	shalt  }
0x68: {  	_ =	shalt  }
0x69: {  	_ =	shalt  }
0x6a: {  	_ =	shalt  }
0x6b: {  	_ =	shalt  }
0x6c: {  	_ =	shalt  }
0x6d: {  	_ =	shalt  }
0x6e: {  	_ =	shalt  }
0x6f: {  	_ =	shalt  }
0x70: {  	_ =	shalt  }
0x71: {  	_ =	shalt  }
0x72: {  	_ =	shalt  }
0x73: {  	_ =	shalt  }
0x74: {  	_ =	shalt  }
0x75: {  	_ =	shalt  }
0x76: {  	_ =	shalt  }
0x77: {  	_ =	shalt  }
0x78: {  	_ =	shalt  }
0x79: {  	_ =	shalt  }
0x7a: {  	_ =	shalt  }
0x7b: {  	_ =	shalt  }
0x7c: {  	_ =	shalt  }
0x7d: {  	_ =	shalt  }
0x7e: {  	_ =	shalt  }
0x7f: {  	_ =	shalt  }
0x80: {  	_ =	shalt  }
0x81: {  	_ =	shalt  }
0x82: {  	_ =	shalt  }
0x83: {  	_ =	shalt  }
0x84: {  	_ =	shalt  }
0x85: {  	_ =	shalt  }
0x86: {  	_ =	shalt  }
0x87: {  	_ =	shalt  }
.Lfunc_end0:
.L_simem_size_0:
called_computation_lowered:
.L_overlay_start_0:
0x88: {  	s2 =	sld [smem:$0x3FD9]  }
0x89: {  	s3 =	sld [smem:$0x3FFE];
	_ =	sdelay $0x1  }
0x8a: {  	s1 =	srdreg.scid  }
0x8b: {  	s0 =	sand.u32 $0x1, s1  }
0x8c: {  	s17 =	sshll.u32 s0, $0xA;
	s2 =	sadd.s32 s3, s2  }
0x8d: {  	s2 =	sadd.s32 s2, s17  }
0x8e: {  	[smem:$0x3FC4] =	sst s2  }
0x8f: {  	_ = 	snop  }
0x90: {  	s2 =	sld [smem:$0x3FD0];
	(tm) =	ssettm $0x1  }
0x91: {  	s18 =	sld [smem:$0x3FFB];
	_ =	sdelay $0x3  }
0x92: {  	_ =	strace s18  }
0x93: {  	s3 =	sld [smem:$0x3FFC];
	_ =	sdelay $0x3  }
0x94: {  	_ =	strace s3  }
0x95: {  	s3 =	sld [smem:$0x3FFD];
	_ =	sdelay $0x3  }
0x96: {  	_ =	strace s3  }
0x97: {  	_ =	strace $0x8FFFFFFF  }
0x98: {  	s19 =	sld [smem:$0x3FDB];
	_ =	sdelay $0x1  }
0x99: {  	s4 =	simm.s32 $_scs_section_size  }
0x9a: {  	s5 =	simm.s32 $_size__tile_overlayer_lowered;
	s6 =	simm.s32 $_tile_overlayer_lowered  }
0x9b: {  	s22 =	simm.s32 $0x1BFF;
	s21 =	sshll.u32 s6, $0x1;
	s3 =	sadd.s32 s4, s19  }
0x9c: {  	s7 =	simm.s32 $0x0;
	s20 =	sshll.u32 s5, $0x1;
	s5 =	sadd.s32 s21, s3  }
0x9d: {  	[timem:s7], [sflag:s22] =	dma.local [hbm:s5], s20  }
0x9e: {  	_ =	swait.ge [sflag:s22], s20  }
0x9f: {  	s4 =	ssub.s32 $0x0, s20;
	[sflag:s22] =	ssyncset.done $0x0  }
0xa0: {  	[sflag:s22] =	ssyncadd.s32 s4;
	_ =	sdelay $0x1  }
0xa1: {  	s23 =	simm.s32 $0x1B8B  }
0xa2: {  	_ =	swait.ge [sflag:s23], $0x1  }
0xa3: {  	[sflag:s23] =	ssyncset.done $0x0  }
0xa4: {  	s25 =	simm.s32 $0x1B8E;
	s24 =	sld [smem:$0x3FFE];
	[sflag:s23] =	ssyncadd.s32 $0xFFFFFFFF  }
0xa5: {  	s26 =	simm.s32 $execute0_lowered;
	[smem:$0x3FD2] =	sst s25  }
0xa6: {  	s5 =	sshll.u32 s26, $0x1;
	_ =	strace $0x80000046;
	[dreg:$0x1] =	wrdreg $0xFFFFFFFF  }
0xa7: {  	s28 =	simm.s32 $_size_execute0_lowered;
	s3 =	sadd.s32 s3, s5;
	[dreg:$0x0] =	wrdreg $0x0  }
0xa8: {  	s5 =	sshll.u32 s28, $0x1;
	[dreg:$0x2] =	wrdreg s3  }
0xa9: {  	[dreg:$0x3] =	wrdreg s5  }
0xaa: {  	[dreg:$0x4] =	wrdreg $0xC0  }
0xab: {  	_ =	task [dreg:s7], $0x5FFFF  }
0xac: {  	[dreg:$0x1] =	wrdreg $0xFFFFFFFF  }
0xad: {  	[dreg:$0x0] =	wrdreg $0x60  }
0xae: {  	[dreg:$0x2] =	wrdreg s2  }
0xaf: {  	[dreg:$0x3] =	wrdreg s24  }
0xb0: {  	[dreg:$0x4] =	wrdreg $0xA4100  }
0xb1: {  	[dreg:$0x5] =	wrdreg $0x9  }
0xb2: {  	_ =	task.clear_ibuf [dreg:s7], $0x6FFFF;
	_ =	strace $0x90000046  }
0xb3: {  	s29 =	simm.s32 $0x9;
	_ =	strace $0x80000048  }
0xb4: {  	_ =	swait.ge [sflag:s29], $0x1  }
0xb5: {  	[sflag:s29] =	ssyncadd.s32 $0xFFFFFFFF  }
0xb6: {  	_ =	strace $0x90000048  }
0xb7: {  	_ =	sfence  }
0xb8: {  	s30 =	sld [smem:$0x0];
	_ =	sdelay $0x2  }
0xb9: {  	s31 =	sshll.u32 s1, $0xD;
	s1 =	sshrl.u32 s1, $0x2  }
0xba: {  	s3 =	sand.u32 $0x4000, s31;
	s1 =	sadd.s32 s1, s30  }
0xbb: {  	s0 =	sor.u32 s3, s0;
	s1 =	sshll.u32 s1, $0x11  }
0xbc: {  	s0 =	sor.u32 s1, s0  }
0xbd: {  	s0 =	sadd.s32 $0x8F2B, s0  }
0xbe: {  	[sflag:s0] =	ssyncadd.remote.s32 $0x1  }
0xbf: {  	_ =	sfence.sel $0xFFFF  }
0xc0: {  	[dreg:$0x0] =	wrdreg $0xFFFFFFFF;
	(pc) =	sbr.abs _section_cstart, $3  }
0xc1: {  	[dreg:$0x1] =	wrdreg $0xFFFFFFFF  }
0xc2: {  	_ =	task.clear_ibuf [dreg:s7], $0x2FFFF;
	_ =	strace $0x9FFFFFFF  }
0xc3: {  	(tm) =	ssettm $0x7FFFFFFF  }
tec
execute0_lowered:
.L_overlay_start_1:
0x0: {  	(tag) =	ssettag $0x1  }
0x1: {  	s0 =	srdreg.scid;
	s1 =	rddreg [dreg:$0x0]  }
0x2: {  	s4 =	rddreg [dreg:$0x1];
	s11 =	stileid.u32  }
0x3: {  	s2 =	rddreg [dreg:$0x2];
	s15 =	simm.s32 $0x3;
	s16 =	simm.s32 $0x1400  }
0x4: {  	s17 =	simm.s32 $0x2800;
	s18 =	simm.s32 $0x3800;
	s19 =	simm.s32 $0x1  }
0x5: {  	s20 =	simm.s32 $0x2;
	s21 =	simm.s32 $0x20;
	s23 =	simm.s32 $0x5800  }
0x6: {  	s24 =	simm.s32 $0x7C00;
	s0 =	sand.u32 $0x1, s0;
	s8 =	smul.u32 $0x280, s11  }
0x7: {  	s26 =	simm.s32 $0x0;
	s7 =	smul.u32 $0x50000, s11;
	s3 =	sshll.u32 s0, $0x4  }
0x8: {  	s29 =	smul.u32 $0x2800, s11;
	s0 =	ssub.s32 $0x2, s0;
	s5 =	sor.u32 s11, s3  }
0x9: {  	s3 =	simm.s32 $0x0;
	s28 =	sshrl.u32 s0, $0x1;
	s7 =	sshrl.u32 s7, $0x2  }
0xa: {  	s12 =	sadd.s32 $0x260, s8;
	s6 =	smul.u32 $0x280, s5;
	[smem:$0x7FF] =	sst s3  }
0xb: {  	s5 =	smul.u32 $0x500, s5;
	s0 =	ssub.s32 s0, s28;
	s7 =	sadd.s32 s7, s2  }
0xc: {  	s30 =	sshll.u32 s12, $0x4;
	s31 =	sshll.u32 s12, $0x7;
	_ =	strace $0x80000047  }
0xd: {  	s11 =	sadd.s32 s1, s30;
	s12 =	sadd.s32 $0x12000, s7;
	s13 =	sadd.s32 s31, s2  }
0xe: {  	s9 =	sadd.s32 s6, s4;
	s10 =	sadd.s32 s5, s4;
	s6 =	sadd.s32 s1, s29  }
0xf: {  	s4 =	sadd.s32 $0x1000, s9;
	s5 =	sadd.s32 $0x6000, s9;
	s8 =	sadd.s32 $0x65000, s9  }
0x10: {  	v0 =	vimm.f32 $0.0e+00;
	v1 =	vlaneseq.u32;
	s9 =	sadd.s32 $0x5B000, s10;
	s10 =	smax.u32 s0, $0x1;
	s14 =	sadd.s32 $0x400, s6  }
.LBB2_1:
0x11: {  	[tilespmem:s3], [sflag:$0x3] =	stream.linear.gather [hbm4b:s4+s3], $0x1400, $0x38;
	[tilespmem:$0x1E410] =	vst v63  }
0x12: {  	_ =	swait.ge [sflag:s15], $0x1400  }
0x13: {  	[sflag:s15] =	ssyncset.done $0x0  }
0x14: {  	[sflag:s15] =	ssyncadd.s32 $0xFFFFEC00  }
0x15: {  	[tilespmem:s16], [sflag:$0x3] =	stream.linear.gather [hbm4b:s5+s3], $0x1400, $0x38;
	[tilespmem:$0x1E410] =	vst v63  }
0x16: {  	_ =	swait.ge [sflag:s15], $0x1400  }
0x17: {  	[sflag:s15] =	ssyncset.done $0x0  }
0x18: {  	s0 =	simm.s32 $0x40;
	s1 =	simm.s32 $0x0;
	[sflag:s15] =	ssyncadd.s32 $0xFFFFEC00  }
.LBB2_2:
0x19: {  	p0 =	sne.s32 s0, $0x9FC0;
	[tilespmem:s1+$0x7C00] =	vst v0;
	s1 =	smov.u32 s0;
	s0 =	sadd.s32 $0x40, s0  }
.Ltmp0:
0x1a: {  	(pc) =	sbr.rel @p0 .LBB2_2-.Ltmp0, $2  }
0x1b: {  	_ =	sdelay $0x2  }
0x1c: {  	s1 =	sshra.s32 s1, $0x2  }
0x1d: {  	[tilespmem:s1+$0x7C00] =	vst v0;
	s0 =	simm.s32 $0x0  }
0x1e: {  	[tilespmem:s17], [sflag:$0x1] =	stream.linear.gather [hbm4b:s6+s0], $0x1000, $0x38;
	[tilespmem:$0x1E410] =	vst v63  }
0x1f: {  	s30 =	sadd.s32 $0xFFFFFE00, s14  }
0x20: {  	[tilespmem:s18], [sflag:$0x2] =	stream.linear.gather [hbm4b:s30+s3], $0x1000, $0x38;
	[tilespmem:$0x1E410] =	vst v63  }
0x21: {  	_ =	swait.ge [sflag:s19], $0x1000  }
0x22: {  	[sflag:s19] =	ssyncset.done $0x0  }
0x23: {  	s31 =	sadd.s32 $0x0, s7;
	[sflag:s19] =	ssyncadd.s32 $0xFFFFF000  }
0x24: {  	[spmem:s31] =	stream.linear.scatter [tilespmem:s17], [sflag:$0x3], $0x1000, $0x38;
	[tilespmem:$0x1E410] =	vst v63  }
0x25: {  	_ =	swait.ge [sflag:s15], $0x1000  }
0x26: {  	[sflag:s15] =	ssyncset.done $0x0  }
0x27: {  	[sflag:s15] =	ssyncadd.s32 $0xFFFFF000  }
0x28: {  	[tilespmem:s17], [sflag:$0x1] =	stream.linear.gather [hbm4b:s14+s3], $0x1000, $0x38;
	[tilespmem:$0x1E410] =	vst v63  }
0x29: {  	_ =	swait.ge [sflag:s20], $0x1000  }
0x2a: {  	[sflag:s20] =	ssyncset.done $0x0  }
0x2b: {  	s0 =	sadd.s32 $0x1000, s31;
	[sflag:s20] =	ssyncadd.s32 $0xFFFFF000  }
0x2c: {  	[spmem:s0] =	stream.linear.scatter [tilespmem:s18], [sflag:$0x3], $0x1000, $0x38;
	[tilespmem:$0x1E410] =	vst v63  }
0x2d: {  	s1 =	simm.s32 $0x8000;
	_ =	swait.ge [sflag:s15], $0x1000  }
0x2e: {  	s22 =	simm.s32 $0x10000;
	s0 =	sadd.s32 $0x400, s14;
	[sflag:s15] =	ssyncset.done $0x0  }
.LBB2_4:
0x2f: {  	p0 =	sne.s32 s22, $0x40000;
	s25 =	sadd.s32 $0xFFFFFE00, s0;
	[sflag:s15] =	ssyncadd.s32 $0xFFFFF000  }
0x30: {  	[tilespmem:s18], [sflag:$0x2] =	stream.linear.gather [hbm4b:s25+s3], $0x1000, $0x38;
	[tilespmem:$0x1E410] =	vst v63  }
0x31: {  	s25 =	smov.u32 s22;
	s22 =	sadd.s32 $0x8000, s22;
	_ =	swait.ge [sflag:s19], $0x1000  }
0x32: {  	s28 =	sshra.s32 s1, $0x2;
	s1 =	smov.u32 s25;
	[sflag:s19] =	ssyncset.done $0x0  }
0x33: {  	s25 =	sadd.s32 s28, s7;
	[sflag:s19] =	ssyncadd.s32 $0xFFFFF000  }
0x34: {  	[spmem:s25] =	stream.linear.scatter [tilespmem:s17], [sflag:$0x3], $0x1000, $0x38;
	[tilespmem:$0x1E410] =	vst v63  }
0x35: {  	_ =	swait.ge [sflag:s15], $0x1000  }
0x36: {  	[sflag:s15] =	ssyncset.done $0x0  }
0x37: {  	[sflag:s15] =	ssyncadd.s32 $0xFFFFF000  }
0x38: {  	[tilespmem:s17], [sflag:$0x1] =	stream.linear.gather [hbm4b:s0+s3], $0x1000, $0x38;
	[tilespmem:$0x1E410] =	vst v63  }
0x39: {  	_ =	swait.ge [sflag:s20], $0x1000  }
.Ltmp1:
0x3a: {  	[sflag:s20] =	ssyncset.done $0x0;
	(pc) =	sbr.rel @p0 .LBB2_4-.Ltmp1, $4  }
0x3b: {  	s25 =	sadd.s32 $0x1000, s25;
	[sflag:s20] =	ssyncadd.s32 $0xFFFFF000  }
0x3c: {  	[spmem:s25] =	stream.linear.scatter [tilespmem:s18], [sflag:$0x3], $0x1000, $0x38;
	[tilespmem:$0x1E410] =	vst v63  }
0x3d: {  	_ =	swait.ge [sflag:s15], $0x1000  }
0x3e: {  	s0 =	sadd.s32 $0x400, s0;
	[sflag:s15] =	ssyncset.done $0x0  }
0x3f: {  	s22 =	sadd.s32 $0xFFFFFE00, s0;
	[sflag:s15] =	ssyncadd.s32 $0xFFFFF000  }
0x40: {  	[tilespmem:s18], [sflag:$0x2] =	stream.linear.gather [hbm4b:s22+s3], $0x1000, $0x38;
	[tilespmem:$0x1E410] =	vst v63  }
0x41: {  	_ =	swait.ge [sflag:s19], $0x1000  }
0x42: {  	s1 =	sshra.s32 s1, $0x2;
	[sflag:s19] =	ssyncset.done $0x0  }
0x43: {  	s1 =	sadd.s32 s1, s7;
	[sflag:s19] =	ssyncadd.s32 $0xFFFFF000  }
0x44: {  	[spmem:s1] =	stream.linear.scatter [tilespmem:s17], [sflag:$0x3], $0x1000, $0x38;
	[tilespmem:$0x1E410] =	vst v63  }
0x45: {  	_ =	swait.ge [sflag:s15], $0x1000  }
0x46: {  	[sflag:s15] =	ssyncset.done $0x0  }
0x47: {  	[sflag:s15] =	ssyncadd.s32 $0xFFFFF000  }
0x48: {  	[tilespmem:s17], [sflag:$0x1] =	stream.linear.gather [hbm4b:s0+s3], $0x1000, $0x38;
	[tilespmem:$0x1E410] =	vst v63  }
0x49: {  	_ =	swait.ge [sflag:s20], $0x1000  }
0x4a: {  	[sflag:s20] =	ssyncset.done $0x0  }
0x4b: {  	s30 =	sadd.s32 $0x1000, s1;
	[sflag:s20] =	ssyncadd.s32 $0xFFFFF000  }
0x4c: {  	[spmem:s30] =	stream.linear.scatter [tilespmem:s18], [sflag:$0x3], $0x1000, $0x38;
	[tilespmem:$0x1E410] =	vst v63  }
0x4d: {  	_ =	swait.ge [sflag:s15], $0x1000  }
0x4e: {  	[sflag:s15] =	ssyncset.done $0x0  }
0x4f: {  	s28 =	simm.s32 $0x0;
	[sflag:s15] =	ssyncadd.s32 $0xFFFFF000  }
0x50: {  	[tilespmem:s18], [sflag:$0x2] =	stream.linear.gather [hbm4b:s11+s28], $0x1000, $0x38;
	[tilespmem:$0x1E410] =	vst v63  }
0x51: {  	_ =	swait.ge [sflag:s19], $0x1000  }
0x52: {  	[sflag:s19] =	ssyncset.done $0x0  }
0x53: {  	[sflag:s19] =	ssyncadd.s32 $0xFFFFF000  }
0x54: {  	[spmem:s12] =	stream.linear.scatter [tilespmem:s17], [sflag:$0x3], $0x1000, $0x38;
	[tilespmem:$0x1E410] =	vst v63  }
0x55: {  	_ =	swait.ge [sflag:s15], $0x1000  }
0x56: {  	[sflag:s15] =	ssyncset.done $0x0  }
0x57: {  	[sflag:s15] =	ssyncadd.s32 $0xFFFFF000  }
0x58: {  	_ =	swait.ge [sflag:s20], $0x1000  }
0x59: {  	[sflag:s20] =	ssyncset.done $0x0  }
0x5a: {  	[sflag:s20] =	ssyncadd.s32 $0xFFFFF000  }
0x5b: {  	[spmem:s13] =	stream.linear.scatter [tilespmem:s18], [sflag:$0x3], $0x1000, $0x38;
	[tilespmem:$0x1E410] =	vst v63  }
0x5c: {  	_ =	swait.ge [sflag:s15], $0x1000  }
0x5d: {  	[sflag:s15] =	ssyncset.done $0x0  }
0x5e: {  	[sflag:s15] =	ssyncadd.s32 $0xFFFFF000  }
0x5f: {  	[bflag:$0x0] =	sbarrier.arrive $0xFFFF  }
0x60: {  	[tilespmem:s17], [sflag:$0x1] =	stream.indirect.gather [spmem:s2], $0x80, s28, s21, $0xb8;
	[tilespmem:$0x1E410] =	vst v63  }
0x61: {  	s31 =	simm.s32 $0x4800  }
0x62: {  	[tilespmem:s31], [sflag:$0x1] =	stream.indirect.gather [spmem:s2], $0x80, s16, s21, $0xb8;
	[tilespmem:$0x1E410] =	vst v63  }
.LBB2_6:
0x63: {  	s30 =	sshll.u32 s28, $0x6  }
0x64: {  	s29 =	sor.u32 $0x20, s30  }
0x65: {  	[tilespmem:s18], [sflag:$0x2] =	stream.indirect.gather [spmem:s2], $0x80, s29, s21, $0xb8;
	[tilespmem:$0x1E410] =	vst v63  }
0x66: {  	s0 =	sadd.s32 $0x1420, s30  }
0x67: {  	[tilespmem:s23], [sflag:$0x2] =	stream.indirect.gather [spmem:s2], $0x80, s0, s21, $0xb8;
	[tilespmem:$0x1E410] =	vst v63  }
0x68: {  	_ =	swait.ge [sflag:s19], $0x1000  }
0x69: {  	[sflag:s19] =	ssyncset.done $0x0  }
0x6a: {  	[sflag:s19] =	ssyncadd.s32 $0xFFFFF000  }
0x6b: {  	_ =	swait.ge [sflag:s19], $0x1000  }
0x6c: {  	[sflag:s19] =	ssyncset.done $0x0  }
0x6d: {  	p1 =	por $0x1, $0x1;
	s31 =	simm.s32 $0x0;
	[sflag:s19] =	ssyncadd.s32 $0xFFFFF000  }
.LBB2_7:
0x6e: {  	s0 =	sshll.u32 s31, $0xB  }
0x6f: {  	s0 =	sand.u32 $0x3FFFF800, s0  }
0x70: {  	s22 =	sadd.s32 $0x2840, s0  }
0x71: {  	s0 =	sadd.s32 $0x4840, s0;
	v2 =	vld [tilespmem:s22+$0xFFFFFFC0]  }
0x72: {  	p0 =	por p1, p1;
	s1 =	simm.s32 $0x0;
	s25 =	simm.s32 $0x1;
	v3 =	vld [tilespmem:s0+$0xFFFFFFC0]  }
.LBB2_8:
0x73: {  	p1 =	sne.s32 s25, $0xF;
	_ =	sdelay $0x1  }
0x74: {  	v4 =	vld [tilespmem:s22+$0xFFFFFFD0]  }
0x75: {  	v5 =	vld [tilespmem:s0+$0xFFFFFFD0]  }
0x76: {  	v6 =	vunpack.i.l.bf16.f32 v2;
	v7 =	vunpack.i.l.bf16.f32 v3  }
0x77: {  	v6 =	vmul.f32 v7, v6  }
0x78: {  	v2 =	vunpack.i.u.bf16.f32 v2;
	v3 =	vunpack.i.u.bf16.f32 v3;
	v7 =	vld [tilespmem:s22+$0xFFFFFFE0]  }
0x79: {  	v2 =	vmul.f32 v3, v2;
	v6 =	vadd.f32 $0.0e+00, v6;
	v3 =	vld [tilespmem:s0+$0xFFFFFFE0]  }
0x7a: {  	v8 =	vunpack.i.l.bf16.f32 v4;
	v9 =	vunpack.i.l.bf16.f32 v5  }
0x7b: {  	v2 =	vadd.f32 v6, v2;
	v6 =	vmul.f32 v9, v8  }
0x7c: {  	v4 =	vunpack.i.u.bf16.f32 v4;
	v5 =	vunpack.i.u.bf16.f32 v5;
	v8 =	vld [tilespmem:s22+$0xFFFFFFF0]  }
0x7d: {  	v4 =	vmul.f32 v5, v4;
	v2 =	vadd.f32 v6, v2;
	v5 =	vld [tilespmem:s0+$0xFFFFFFF0]  }
0x7e: {  	v6 =	vunpack.i.l.bf16.f32 v7;
	v9 =	vunpack.i.l.bf16.f32 v3  }
0x7f: {  	v2 =	vadd.f32 v2, v4;
	v4 =	vmul.f32 v9, v6  }
0x80: {  	v3 =	vunpack.i.u.bf16.f32 v3;
	v6 =	vunpack.i.u.bf16.f32 v7;
	v7 =	vld [tilespmem:s22+$0x0]  }
0x81: {  	v3 =	vmul.f32 v3, v6;
	v2 =	vadd.f32 v4, v2;
	v4 =	vld [tilespmem:s0+$0x0]  }
0x82: {  	v6 =	vunpack.i.l.bf16.f32 v8;
	v9 =	vunpack.i.l.bf16.f32 v5  }
0x83: {  	v2 =	vadd.f32 v2, v3;
	v3 =	vmul.f32 v9, v6  }
0x84: {  	v5 =	vunpack.i.u.bf16.f32 v5;
	v6 =	vunpack.i.u.bf16.f32 v8;
	v8 =	vld [tilespmem:s22+$0x10]  }
0x85: {  	v2 =	vadd.f32 v3, v2;
	v3 =	vmul.f32 v5, v6;
	v5 =	vld [tilespmem:s0+$0x10]  }
0x86: {  	v6 =	vunpack.i.l.bf16.f32 v7;
	v9 =	vunpack.i.l.bf16.f32 v4  }
0x87: {  	v2 =	vadd.f32 v2, v3;
	v3 =	vmul.f32 v9, v6  }
0x88: {  	v4 =	vunpack.i.u.bf16.f32 v4;
	v6 =	vunpack.i.u.bf16.f32 v7;
	v7 =	vld [tilespmem:s22+$0x20]  }
0x89: {  	v2 =	vadd.f32 v3, v2;
	v3 =	vmul.f32 v4, v6;
	v4 =	vld [tilespmem:s0+$0x20]  }
0x8a: {  	v6 =	vunpack.i.l.bf16.f32 v8;
	v9 =	vunpack.i.l.bf16.f32 v5  }
0x8b: {  	v2 =	vadd.f32 v2, v3;
	v3 =	vmul.f32 v9, v6  }
0x8c: {  	v5 =	vunpack.i.u.bf16.f32 v5;
	v6 =	vunpack.i.u.bf16.f32 v8;
	v8 =	vld [tilespmem:s22+$0x30]  }
0x8d: {  	v2 =	vadd.f32 v3, v2;
	v3 =	vmul.f32 v5, v6;
	v5 =	vld [tilespmem:s0+$0x30]  }
0x8e: {  	v6 =	vunpack.i.l.bf16.f32 v7;
	v9 =	vunpack.i.l.bf16.f32 v4  }
0x8f: {  	v2 =	vadd.f32 v2, v3;
	v3 =	vmul.f32 v9, v6  }
0x90: {  	v4 =	vunpack.i.u.bf16.f32 v4;
	v6 =	vunpack.i.u.bf16.f32 v7  }
0x91: {  	v2 =	vadd.f32 v3, v2;
	v3 =	vmul.f32 v4, v6  }
0x92: {  	v4 =	vunpack.i.l.bf16.f32 v8;
	v6 =	vunpack.i.l.bf16.f32 v5  }
0x93: {  	v2 =	vadd.f32 v2, v3;
	v3 =	vmul.f32 v6, v4  }
0x94: {  	v5 =	vunpack.i.u.bf16.f32 v5;
	v4 =	vunpack.i.u.bf16.f32 v8  }
0x95: {  	v2 =	vadd.f32 v3, v2;
	v3 =	vmul.f32 v5, v4;
	_ =	sdelay $0x1  }
0x96: {  	v2 =	vadd.f32 v2, v3;
	_ =	sdelay $0x1  }
0x97: {  	(xrf2) =	vadd.scan.msk.f32 $0xffff, v2;
	_ =	sdelay $0x7  }
0x98: {  	v2 =	vld [tilespmem:$0xA400];
	_ =	sdelay $0x1  }
0x99: {  	v3, _, _ =	vpop (xrf2)  }
0x9a: {  	v4 =	vmov s1;
	s1 =	smov.u32 s25;
	v3 =	vbroadcast v3, $0xF  }
.Ltmp2:
0x9b: {  	vm0 =	veq.s32 v4, v1;
	(pc) =	sbr.rel @p1 .LBB2_8-.Ltmp2, $4  }
0x9c: {  	v2 =	vsel vm0, v3, v2  }
0x9d: {  	s22 =	sadd.s32 $0x80, s22;
	[tilespmem:$0xA400] =	vst v2  }
0x9e: {  	s0 =	sadd.s32 $0x80, s0;
	v2 =	vld [tilespmem:s22+$0xFFFFFFC0]  }
0x9f: {  	s25 =	sadd.s32 $0x1, s25;
	v3 =	vld [tilespmem:s0+$0xFFFFFFC0]  }
0xa0: {  	_ =	sdelay $0x1  }
0xa1: {  	v4 =	vld [tilespmem:s22+$0xFFFFFFD0]  }
0xa2: {  	v5 =	vld [tilespmem:s0+$0xFFFFFFD0]  }
0xa3: {  	v6 =	vunpack.i.l.bf16.f32 v2;
	v7 =	vunpack.i.l.bf16.f32 v3  }
0xa4: {  	v6 =	vmul.f32 v7, v6  }
0xa5: {  	v32 =	vld [tilespmem:s22+$0xFFFFFFE0];
	v2 =	vunpack.i.u.bf16.f32 v2;
	v3 =	vunpack.i.u.bf16.f32 v3  }
0xa6: {  	v2 =	vmul.f32 v3, v2;
	v3 =	vld [tilespmem:s0+$0xFFFFFFE0];
	v6 =	vadd.f32 $0.0e+00, v6  }
0xa7: {  	v8 =	vunpack.i.l.bf16.f32 v4;
	v9 =	vunpack.i.l.bf16.f32 v5  }
0xa8: {  	v33 =	vmul.f32 v9, v8;
	v2 =	vadd.f32 v6, v2  }
0xa9: {  	v34 =	vld [tilespmem:s22+$0xFFFFFFF0];
	v4 =	vunpack.i.u.bf16.f32 v4;
	v5 =	vunpack.i.u.bf16.f32 v5  }
0xaa: {  	v35 =	vld [tilespmem:s0+$0xFFFFFFF0];
	v4 =	vmul.f32 v5, v4;
	v2 =	vadd.f32 v33, v2  }
0xab: {  	v36 =	vunpack.i.l.bf16.f32 v32;
	v37 =	vunpack.i.l.bf16.f32 v3  }
0xac: {  	v38 =	vmul.f32 v37, v36;
	v2 =	vadd.f32 v2, v4  }
0xad: {  	v40 =	vld [tilespmem:s22+$0x0];
	v39 =	vunpack.i.u.bf16.f32 v32;
	v3 =	vunpack.i.u.bf16.f32 v3  }
0xae: {  	v41 =	vld [tilespmem:s0+$0x0];
	v3 =	vmul.f32 v3, v39;
	v2 =	vadd.f32 v38, v2  }
0xaf: {  	v42 =	vunpack.i.l.bf16.f32 v34;
	v43 =	vunpack.i.l.bf16.f32 v35  }
0xb0: {  	v2 =	vadd.f32 v2, v3;
	v3 =	vmul.f32 v43, v42  }
0xb1: {  	v45 =	vld [tilespmem:s22+$0x10];
	v44 =	vunpack.i.u.bf16.f32 v34;
	v5 =	vunpack.i.u.bf16.f32 v35  }
0xb2: {  	v46 =	vld [tilespmem:s0+$0x10];
	v2 =	vadd.f32 v3, v2;
	v3 =	vmul.f32 v5, v44  }
0xb3: {  	v47 =	vunpack.i.l.bf16.f32 v40;
	v48 =	vunpack.i.l.bf16.f32 v41  }
0xb4: {  	v2 =	vadd.f32 v2, v3;
	v3 =	vmul.f32 v48, v47  }
0xb5: {  	v50 =	vld [tilespmem:s22+$0x20];
	v49 =	vunpack.i.u.bf16.f32 v40;
	v4 =	vunpack.i.u.bf16.f32 v41  }
0xb6: {  	v51 =	vld [tilespmem:s0+$0x20];
	v2 =	vadd.f32 v3, v2;
	v3 =	vmul.f32 v4, v49  }
0xb7: {  	v52 =	vunpack.i.l.bf16.f32 v45;
	v53 =	vunpack.i.l.bf16.f32 v46  }
0xb8: {  	v2 =	vadd.f32 v2, v3;
	v3 =	vmul.f32 v53, v52  }
0xb9: {  	v55 =	vld [tilespmem:s22+$0x30];
	v54 =	vunpack.i.u.bf16.f32 v45;
	v5 =	vunpack.i.u.bf16.f32 v46  }
0xba: {  	v56 =	vld [tilespmem:s0+$0x30];
	v2 =	vadd.f32 v3, v2;
	v3 =	vmul.f32 v5, v54  }
0xbb: {  	v57 =	vunpack.i.l.bf16.f32 v50;
	v58 =	vunpack.i.l.bf16.f32 v51  }
0xbc: {  	v2 =	vadd.f32 v2, v3;
	v3 =	vmul.f32 v58, v57  }
0xbd: {  	v59 =	vunpack.i.u.bf16.f32 v50;
	v4 =	vunpack.i.u.bf16.f32 v51  }
0xbe: {  	v2 =	vadd.f32 v3, v2;
	v3 =	vmul.f32 v4, v59  }
0xbf: {  	v60 =	vunpack.i.l.bf16.f32 v55;
	v61 =	vunpack.i.l.bf16.f32 v56  }
0xc0: {  	v2 =	vadd.f32 v2, v3;
	v3 =	vmul.f32 v61, v60  }
0xc1: {  	v62 =	vunpack.i.u.bf16.f32 v55;
	v5 =	vunpack.i.u.bf16.f32 v56  }
0xc2: {  	v2 =	vadd.f32 v3, v2;
	v3 =	vmul.f32 v5, v62;
	_ =	sdelay $0x1  }
0xc3: {  	v2 =	vadd.f32 v2, v3;
	_ =	sdelay $0x1  }
0xc4: {  	(xrf2) =	vadd.scan.msk.f32 $0xffff, v2;
	_ =	sdelay $0x7  }
0xc5: {  	v2 =	vld [tilespmem:$0xA400];
	_ =	sdelay $0x1  }
0xc6: {  	v3, _, _ =	vpop (xrf2)  }
0xc7: {  	v63 =	vmov s1;
	v3 =	vbroadcast v3, $0xF  }
0xc8: {  	vm0 =	veq.s32 v63, v1  }
0xc9: {  	v2 =	vsel vm0, v3, v2  }
0xca: {  	v3 =	vmul.f32 $1.442695020e+00, v2;
	_ =	sdelay $0x1  }
0xcb: {  	(erf) = vpow2.f32 v3  }
0xcc: {  	s25 =	sshll.u32 s31, $0x4  }
0xcd: {  	s0 =	sor.u32 s30, s25;
	[tilespmem:$0xA400] =	vst v2  }
0xce: {  	v2 =	vld [tilespmem:s0+$0x1400];
	_ =	sdelay $0x3  }
.Ltmp3:
0xcf: {  	_ = 	snop;
	(pc) =	sbr.rel @p0 .LBB2_7-.Ltmp3, $4  }
0xd0: {  	_ = 	snop  }
0xd1: {  	v3 =	vpop (erf)  }
0xd2: {  	[tilespmem:s0+$0x6800] =	vst v3  }
0xd3: {  	s31 =	simm.s32 $0x1;
	p1 =	por $0x0, $0x0;
	[tilespmem:v2+s24+$0x0] =	vst.idx.add.f32.msk $0xffff, v3  }
0xd4: {  	p0 =	seq.s32 s28, $0x4F  }
0xd5: {  	s0 =	sadd.s32 @!p0 $0x40, s30;
	s1 =	simm.s32 @!p0 $0x20;
	s22 =	simm.s32 @!p0 $0x2800  }
0xd6: {  	[tilespmem:s22], [sflag:$0x1] =	stream.indirect.gather @!p0 [spmem:s2], $0x80, s0, s1, $0xb8;
	[tilespmem:$0x1E410] =	vst v63  }
0xd7: {  	s0 =	sadd.s32 @!p0 $0x1440, s30;
	s22 =	simm.s32 @!p0 $0x4800  }
0xd8: {  	[tilespmem:s22], [sflag:$0x1] =	stream.indirect.gather @!p0 [spmem:s2], $0x80, s0, s1, $0xb8;
	[tilespmem:$0x1E410] =	vst v63  }
0xd9: {  	_ =	swait.ge [sflag:s20], $0x1000  }
0xda: {  	[sflag:s20] =	ssyncset.done $0x0  }
0xdb: {  	[sflag:s20] =	ssyncadd.s32 $0xFFFFF000  }
0xdc: {  	_ =	swait.ge [sflag:s20], $0x1000  }
0xdd: {  	[sflag:s20] =	ssyncset.done $0x0  }
0xde: {  	p1 =	por $0x1, $0x1;
	s30 =	simm.s32 $0x0;
	[sflag:s20] =	ssyncadd.s32 $0xFFFFF000  }
.LBB2_11:
0xdf: {  	s0 =	sshll.u32 s30, $0xB  }
0xe0: {  	s0 =	sand.u32 $0x3FFFF800, s0  }
0xe1: {  	s22 =	sadd.s32 $0x3840, s0  }
0xe2: {  	s0 =	sadd.s32 $0x5840, s0;
	v2 =	vld [tilespmem:s22+$0xFFFFFFC0]  }
0xe3: {  	p0 =	por p1, p1;
	s31 =	simm.s32 $0x1;
	s1 =	simm.s32 $0x0;
	v3 =	vld [tilespmem:s0+$0xFFFFFFC0]  }
.LBB2_12:
0xe4: {  	p1 =	sne.s32 s31, $0xF;
	_ =	sdelay $0x1  }
0xe5: {  	v4 =	vld [tilespmem:s22+$0xFFFFFFD0]  }
0xe6: {  	v5 =	vld [tilespmem:s0+$0xFFFFFFD0]  }
0xe7: {  	v6 =	vunpack.i.l.bf16.f32 v2;
	v7 =	vunpack.i.l.bf16.f32 v3  }
0xe8: {  	v6 =	vmul.f32 v7, v6  }
0xe9: {  	v2 =	vunpack.i.u.bf16.f32 v2;
	v3 =	vunpack.i.u.bf16.f32 v3;
	v7 =	vld [tilespmem:s22+$0xFFFFFFE0]  }
0xea: {  	v2 =	vmul.f32 v3, v2;
	v6 =	vadd.f32 $0.0e+00, v6;
	v3 =	vld [tilespmem:s0+$0xFFFFFFE0]  }
0xeb: {  	v8 =	vunpack.i.l.bf16.f32 v4;
	v9 =	vunpack.i.l.bf16.f32 v5  }
0xec: {  	v2 =	vadd.f32 v6, v2;
	v6 =	vmul.f32 v9, v8  }
0xed: {  	v4 =	vunpack.i.u.bf16.f32 v4;
	v5 =	vunpack.i.u.bf16.f32 v5;
	v8 =	vld [tilespmem:s22+$0xFFFFFFF0]  }
0xee: {  	v4 =	vmul.f32 v5, v4;
	v2 =	vadd.f32 v6, v2;
	v5 =	vld [tilespmem:s0+$0xFFFFFFF0]  }
0xef: {  	v6 =	vunpack.i.l.bf16.f32 v7;
	v9 =	vunpack.i.l.bf16.f32 v3  }
0xf0: {  	v2 =	vadd.f32 v2, v4;
	v4 =	vmul.f32 v9, v6  }
0xf1: {  	v3 =	vunpack.i.u.bf16.f32 v3;
	v6 =	vunpack.i.u.bf16.f32 v7;
	v7 =	vld [tilespmem:s22+$0x0]  }
0xf2: {  	v3 =	vmul.f32 v3, v6;
	v2 =	vadd.f32 v4, v2;
	v4 =	vld [tilespmem:s0+$0x0]  }
0xf3: {  	v6 =	vunpack.i.l.bf16.f32 v8;
	v9 =	vunpack.i.l.bf16.f32 v5  }
0xf4: {  	v2 =	vadd.f32 v2, v3;
	v3 =	vmul.f32 v9, v6  }
0xf5: {  	v5 =	vunpack.i.u.bf16.f32 v5;
	v6 =	vunpack.i.u.bf16.f32 v8;
	v8 =	vld [tilespmem:s22+$0x10]  }
0xf6: {  	v2 =	vadd.f32 v3, v2;
	v3 =	vmul.f32 v5, v6;
	v5 =	vld [tilespmem:s0+$0x10]  }
0xf7: {  	v6 =	vunpack.i.l.bf16.f32 v7;
	v9 =	vunpack.i.l.bf16.f32 v4  }
0xf8: {  	v2 =	vadd.f32 v2, v3;
	v3 =	vmul.f32 v9, v6  }
0xf9: {  	v4 =	vunpack.i.u.bf16.f32 v4;
	v6 =	vunpack.i.u.bf16.f32 v7;
	v7 =	vld [tilespmem:s22+$0x20]  }
0xfa: {  	v2 =	vadd.f32 v3, v2;
	v3 =	vmul.f32 v4, v6;
	v4 =	vld [tilespmem:s0+$0x20]  }
0xfb: {  	v6 =	vunpack.i.l.bf16.f32 v8;
	v9 =	vunpack.i.l.bf16.f32 v5  }
0xfc: {  	v2 =	vadd.f32 v2, v3;
	v3 =	vmul.f32 v9, v6  }
0xfd: {  	v5 =	vunpack.i.u.bf16.f32 v5;
	v6 =	vunpack.i.u.bf16.f32 v8;
	v8 =	vld [tilespmem:s22+$0x30]  }
0xfe: {  	v2 =	vadd.f32 v3, v2;
	v3 =	vmul.f32 v5, v6;
	v5 =	vld [tilespmem:s0+$0x30]  }
0xff: {  	v6 =	vunpack.i.l.bf16.f32 v7;
	v9 =	vunpack.i.l.bf16.f32 v4  }
0x100: {  	v2 =	vadd.f32 v2, v3;
	v3 =	vmul.f32 v9, v6  }
0x101: {  	v4 =	vunpack.i.u.bf16.f32 v4;
	v6 =	vunpack.i.u.bf16.f32 v7  }
0x102: {  	v2 =	vadd.f32 v3, v2;
	v3 =	vmul.f32 v4, v6  }
0x103: {  	v4 =	vunpack.i.l.bf16.f32 v8;
	v6 =	vunpack.i.l.bf16.f32 v5  }
0x104: {  	v2 =	vadd.f32 v2, v3;
	v3 =	vmul.f32 v6, v4  }
0x105: {  	v5 =	vunpack.i.u.bf16.f32 v5;
	v4 =	vunpack.i.u.bf16.f32 v8  }
0x106: {  	v2 =	vadd.f32 v3, v2;
	v3 =	vmul.f32 v5, v4;
	_ =	sdelay $0x1  }
0x107: {  	v2 =	vadd.f32 v2, v3;
	_ =	sdelay $0x1  }
0x108: {  	(xrf2) =	vadd.scan.msk.f32 $0xffff, v2;
	_ =	sdelay $0x7  }
0x109: {  	v2 =	vld [tilespmem:$0xA400];
	_ =	sdelay $0x1  }
0x10a: {  	v3, _, _ =	vpop (xrf2)  }
0x10b: {  	v4 =	vmov s1;
	s1 =	smov.u32 s31;
	v3 =	vbroadcast v3, $0xF  }
.Ltmp4:
0x10c: {  	vm0 =	veq.s32 v4, v1;
	(pc) =	sbr.rel @p1 .LBB2_12-.Ltmp4, $4  }
0x10d: {  	v2 =	vsel vm0, v3, v2  }
0x10e: {  	s22 =	sadd.s32 $0x80, s22;
	[tilespmem:$0xA400] =	vst v2  }
0x10f: {  	s0 =	sadd.s32 $0x80, s0;
	v2 =	vld [tilespmem:s22+$0xFFFFFFC0]  }
0x110: {  	s31 =	sadd.s32 $0x1, s31;
	v3 =	vld [tilespmem:s0+$0xFFFFFFC0]  }
0x111: {  	_ =	sdelay $0x1  }
0x112: {  	v4 =	vld [tilespmem:s22+$0xFFFFFFD0]  }
0x113: {  	v5 =	vld [tilespmem:s0+$0xFFFFFFD0]  }
0x114: {  	v6 =	vunpack.i.l.bf16.f32 v2;
	v7 =	vunpack.i.l.bf16.f32 v3  }
0x115: {  	v6 =	vmul.f32 v7, v6  }
0x116: {  	v32 =	vld [tilespmem:s22+$0xFFFFFFE0];
	v2 =	vunpack.i.u.bf16.f32 v2;
	v3 =	vunpack.i.u.bf16.f32 v3  }
0x117: {  	v2 =	vmul.f32 v3, v2;
	v3 =	vld [tilespmem:s0+$0xFFFFFFE0];
	v6 =	vadd.f32 $0.0e+00, v6  }
0x118: {  	v8 =	vunpack.i.l.bf16.f32 v4;
	v9 =	vunpack.i.l.bf16.f32 v5  }
0x119: {  	v33 =	vmul.f32 v9, v8;
	v2 =	vadd.f32 v6, v2  }
0x11a: {  	v34 =	vld [tilespmem:s22+$0xFFFFFFF0];
	v4 =	vunpack.i.u.bf16.f32 v4;
	v5 =	vunpack.i.u.bf16.f32 v5  }
0x11b: {  	v35 =	vld [tilespmem:s0+$0xFFFFFFF0];
	v4 =	vmul.f32 v5, v4;
	v2 =	vadd.f32 v33, v2  }
0x11c: {  	v36 =	vunpack.i.l.bf16.f32 v32;
	v37 =	vunpack.i.l.bf16.f32 v3  }
0x11d: {  	v38 =	vmul.f32 v37, v36;
	v2 =	vadd.f32 v2, v4  }
0x11e: {  	v40 =	vld [tilespmem:s22+$0x0];
	v39 =	vunpack.i.u.bf16.f32 v32;
	v3 =	vunpack.i.u.bf16.f32 v3  }
0x11f: {  	v41 =	vld [tilespmem:s0+$0x0];
	v3 =	vmul.f32 v3, v39;
	v2 =	vadd.f32 v38, v2  }
0x120: {  	v42 =	vunpack.i.l.bf16.f32 v34;
	v43 =	vunpack.i.l.bf16.f32 v35  }
0x121: {  	v2 =	vadd.f32 v2, v3;
	v3 =	vmul.f32 v43, v42  }
0x122: {  	v45 =	vld [tilespmem:s22+$0x10];
	v44 =	vunpack.i.u.bf16.f32 v34;
	v5 =	vunpack.i.u.bf16.f32 v35  }
0x123: {  	v46 =	vld [tilespmem:s0+$0x10];
	v2 =	vadd.f32 v3, v2;
	v3 =	vmul.f32 v5, v44  }
0x124: {  	v47 =	vunpack.i.l.bf16.f32 v40;
	v48 =	vunpack.i.l.bf16.f32 v41  }
0x125: {  	v2 =	vadd.f32 v2, v3;
	v3 =	vmul.f32 v48, v47  }
0x126: {  	v50 =	vld [tilespmem:s22+$0x20];
	v49 =	vunpack.i.u.bf16.f32 v40;
	v4 =	vunpack.i.u.bf16.f32 v41  }
0x127: {  	v51 =	vld [tilespmem:s0+$0x20];
	v2 =	vadd.f32 v3, v2;
	v3 =	vmul.f32 v4, v49  }
0x128: {  	v52 =	vunpack.i.l.bf16.f32 v45;
	v53 =	vunpack.i.l.bf16.f32 v46  }
0x129: {  	v2 =	vadd.f32 v2, v3;
	v3 =	vmul.f32 v53, v52  }
0x12a: {  	v55 =	vld [tilespmem:s22+$0x30];
	v54 =	vunpack.i.u.bf16.f32 v45;
	v5 =	vunpack.i.u.bf16.f32 v46  }
0x12b: {  	v56 =	vld [tilespmem:s0+$0x30];
	v2 =	vadd.f32 v3, v2;
	v3 =	vmul.f32 v5, v54  }
0x12c: {  	v57 =	vunpack.i.l.bf16.f32 v50;
	v58 =	vunpack.i.l.bf16.f32 v51  }
0x12d: {  	v2 =	vadd.f32 v2, v3;
	v3 =	vmul.f32 v58, v57  }
0x12e: {  	v59 =	vunpack.i.u.bf16.f32 v50;
	v4 =	vunpack.i.u.bf16.f32 v51  }
0x12f: {  	v2 =	vadd.f32 v3, v2;
	v3 =	vmul.f32 v4, v59  }
0x130: {  	v60 =	vunpack.i.l.bf16.f32 v55;
	v61 =	vunpack.i.l.bf16.f32 v56  }
0x131: {  	v2 =	vadd.f32 v2, v3;
	v3 =	vmul.f32 v61, v60  }
0x132: {  	v62 =	vunpack.i.u.bf16.f32 v55;
	v5 =	vunpack.i.u.bf16.f32 v56  }
0x133: {  	v2 =	vadd.f32 v3, v2;
	v3 =	vmul.f32 v5, v62;
	_ =	sdelay $0x1  }
0x134: {  	v2 =	vadd.f32 v2, v3;
	_ =	sdelay $0x1  }
0x135: {  	(xrf2) =	vadd.scan.msk.f32 $0xffff, v2;
	_ =	sdelay $0x7  }
0x136: {  	v2 =	vld [tilespmem:$0xA400];
	_ =	sdelay $0x1  }
0x137: {  	v3, _, _ =	vpop (xrf2)  }
0x138: {  	v63 =	vmov s1;
	v3 =	vbroadcast v3, $0xF  }
0x139: {  	vm0 =	veq.s32 v63, v1  }
0x13a: {  	v2 =	vsel vm0, v3, v2  }
0x13b: {  	v3 =	vmul.f32 $1.442695020e+00, v2;
	_ =	sdelay $0x1  }
0x13c: {  	(erf) = vpow2.f32 v3  }
0x13d: {  	s31 =	sshll.u32 s30, $0x4  }
0x13e: {  	s0 =	sor.u32 s29, s31;
	[tilespmem:$0xA400] =	vst v2  }
0x13f: {  	v2 =	vld [tilespmem:s0+$0x1400];
	_ =	sdelay $0x3  }
.Ltmp5:
0x140: {  	_ = 	snop;
	(pc) =	sbr.rel @p0 .LBB2_11-.Ltmp5, $4  }
0x141: {  	_ = 	snop  }
0x142: {  	v3 =	vpop (erf)  }
0x143: {  	[tilespmem:s0+$0x6800] =	vst v3  }
0x144: {  	s30 =	simm.s32 $0x1;
	p1 =	por $0x0, $0x0;
	[tilespmem:v2+s24+$0x0] =	vst.idx.add.f32.msk $0xffff, v3  }
0x145: {  	s28 =	sadd.s32 $0x1, s28  }
0x146: {  	p0 =	sne.s32 s28, $0x50  }
.Ltmp6:
0x147: {  	_ = 	snop;
	(pc) =	sbr.rel @p0 .LBB2_6-.Ltmp6, $1  }
0x148: {  	_ =	sdelay $0x3  }
0x149: {  	s0 =	simm.s32 $0x6800  }
0x14a: {  	[hbm4b:s8+s3] =	stream.linear.scatter [tilespmem:s0], [sflag:$0x3], $0x1400, $0x38;
	[tilespmem:$0x1E410] =	vst v63  }
0x14b: {  	s26 =	sadd.s32 $0x1, s26;
	_ =	swait.ge [sflag:s15], $0x1400  }
0x14c: {  	p0 =	sne.s32 s26, s10;
	[sflag:s15] =	ssyncset.done $0x0  }
.Ltmp7:
0x14d: {  	[sflag:s15] =	ssyncadd.s32 $0xFFFFEC00;
	(pc) =	sbr.rel @p0 .LBB2_1-.Ltmp7, $4  }
0x14e: {  	[hbm4b:s9+s3] =	stream.linear.scatter [tilespmem:s24], [sflag:$0x3], $0x2800, $0x38;
	[tilespmem:$0x1E410] =	vst v63  }
0x14f: {  	_ =	swait.ge [sflag:s15], $0x2800  }
0x150: {  	[sflag:s15] =	ssyncset.done $0x0  }
0x151: {  	[sflag:s15] =	ssyncadd.s32 $0xFFFFD800  }
0x152: {  	_ =	sfence.sel $0x180000  }
0x153: {  	[bflag:$0x0] =	sbarrier.arrive $0xFFFF  }
0x154: {  	_ =	strace $0x90000047  }
0x155: {  	s0 =	stileid.u32;
	[bflag:$0x2] =	sbarrier.arrive $0xFFFF  }
0x156: {  	p0 =	sne.s32 s0, $0x0;
	s0 =	rddreg [dreg:$0x3]  }
0x157: {  	s0 =	sadd.s32 @!p0 $0x100000, s0  }
0x158: {  	[sflag:s0] =	ssyncadd.tile.s32 @!p0 $0x1;
	_ =	shalt  }
.Lfunc_end2:
_tile_overlayer_lowered:
.L_overlay_start_2:
0x159: {  	(tag) =	ssettag $0x2  }
0x15a: {  	s0 =	rddreg [dreg:$0x0];
	s2 =	stileid.u32  }
0x15b: {  	s1 =	rddreg [dreg:$0x1];
	p0 =	sne.s32 s2, $0x0  }
0x15c: {  	s3 =	rddreg [dreg:$0x2];
	[bflag:$0x3] =	sbarrier.arrive $0xFFFF;
	s2 =	simm.s32 @!p0 $0x1C03  }
0x15d: {  	[timem:s3], [sflag:s2] =	dma.local @!p0 [hbm:s0], s1  }
0x15e: {  	s0 =	simm.s32 @!p0 $0x3  }
0x15f: {  	_ =	swait.ge @!p0 [sflag:s0], s1  }
0x160: {  	s1 =	ssub.s32 @!p0 $0x0, s1;
	[sflag:s0] =	ssyncset.done @!p0 $0x0  }
0x161: {  	[sflag:s0] =	ssyncadd.s32 @!p0 s1  }
0x162: {  	[bflag:$0x3] =	sbarrier.arrive $0xFFFF  }
0x163: {  	_ =	shalt  }

// kernel: kernel.9.cloned.1.call-start
scs
__scs_entry_jumppad:
0x0: {  	(pc) =	sbr.rel $0x88, $3  }
0x1: {  	(tag) =	ssettag $0x0;
	lr =	simm.s32 $0x1  }
0x2: {  	[smem:$0x3F9D] =	sst lr;
	_ =	strace $0xD0000000  }
0x3: {  	_ = 	snop  }
0x4: {  	_ = 	snop  }
0x5: {  	_ = 	snop  }
0x6: {  	_ = 	snop  }
0x7: {  	_ = 	snop  }
__scs_overlays_trampoline_lowered:
0x8: {  	[smem:$0x3FAC] =	sst s0  }
0x9: {  	[smem:$0x3FAD] =	sst s1  }
0xa: {  	[smem:$0x3FAE] =	sst s2  }
0xb: {  	[smem:$0x3FAF] =	sst s3  }
0xc: {  	[smem:$0x3FB0] =	sst s4  }
0xd: {  	[smem:$0x3FB1] =	sst s5  }
0xe: {  	[smem:$0x3FB2] =	sst s6  }
0xf: {  	[smem:$0x3FB3] =	sst s7  }
0x10: {  	[smem:$0x3FB4] =	sst s8  }
0x11: {  	[smem:$0x3FB5] =	sst s9;
	s0 =	simm.s32 @!p0 $0x0  }
0x12: {  	s1 =	sld [smem:$0x3F9B];
	s0 =	simm.s32 @p0 $0x1  }
0x13: {  	[smem:$0x3FB6] =	sst s0;
	s0 =	simm.s32 @!p1 $0x0  }
0x14: {  	s2 =	sld [smem:$0x3F9A];
	s0 =	simm.s32 @p1 $0x1  }
0x15: {  	[smem:$0x3FB7] =	sst s0;
	s0 =	simm.s32 @!p2 $0x0  }
0x16: {  	s3 =	sld [smem:$0x3FDB];
	s0 =	simm.s32 @p2 $0x1  }
0x17: {  	s4 =	simm.s32 $0x1BF5;
	[smem:$0x3FB9] =	sst s0  }
0x18: {  	s0 =	sld [smem:$0x3F9C];
	_ =	swait.ge [sflag:s4], $0x0  }
0x19: {  	s7 =	sld [smem:$0x3F9D]  }
0x1a: {  	s8 =	sadd.s32 $0xFFFFE003, lr  }
0x1b: {  	s9 =	sadd.s32 $0xFFFFFEF7, lr;
	s5 =	simm.s32 $0xFFFFFFFF;
	p2 =	slt.u32 s8, $0xFFFFF086  }
0x1c: {  	p1 =	slt.u32 s9, $0xF7A;
	s5 =	simm.s32 @!p2 $0x0  }
0x1d: {  	s5 =	simm.s32 @p1 $0x1;
	p0 =	seq.s32 s7, s2  }
0x1e: {  	s7 =	smul.u32 @!p0 $0xF7A, s2;
	p2 =	seq.s32 @!p0 s5, $0x0  }
0x1f: {  	s9 =	smul.u32 $0xF7A, s1;
	s8 =	simm.s32 @!p0 $0x1BF5;
	p2 =	por !p2, p0  }
0x20: {  	[sflag:s8] =	ssyncset.s32 @!p0 $0xFFFFF086;
	s6 =	sadd.s32 @!p0 s3, s7;
	s7 =	simm.s32 @!p0 $0x108  }
0x21: {  	s3 =	sadd.s32 s3, s9;
	s6 =	sadd.s32 @!p0 $0x88, s6;
	s7 =	simm.s32 @p2 $0x1082  }
0x22: {  	[simem:s7], [sflag:s8] =	dma.local @!p0 [hbm:s6], $0xF7A  }
0x23: {  	s9 =	sor.u32 $0xD0000000, s2;
	s6 =	simm.s32 $0x108;
	_ =	swait.ge @!p0 [sflag:s8], $0x0  }
0x24: {  	s3 =	sadd.s32 $0x88, s3;
	s6 =	simm.s32 @!p1 $0x1082;
	[sflag:s4] =	ssyncset.s32 $0xFFFFF086  }
0x25: {  	[simem:s6], [sflag:s4] =	dma.local [hbm:s3], $0xF7A  }
0x26: {  	[smem:$0x3F9D] =	sst s1;
	(tag) =	ssettag s2;
	_ =	strace s9  }
0x27: {  	s1 =	sld [smem:$0x3FAD]  }
0x28: {  	s2 =	sld [smem:$0x3FAE]  }
0x29: {  	s4 =	sld [smem:$0x3FB0]  }
0x2a: {  	p0 =	seq.s32 s5, $0x0;
	s5 =	sld [smem:$0x3FB1]  }
0x2b: {  	s6 =	sld [smem:$0x3FB2]  }
0x2c: {  	s7 =	sld [smem:$0x3FB3]  }
0x2d: {  	s3 =	simm.s32 $0x108;
	s8 =	sld [smem:$0x3FB4]  }
0x2e: {  	s3 =	simm.s32 @!p0 $0x1082;
	s9 =	sld [smem:$0x3FB5]  }
0x2f: {  	lr =	sadd.s32 s0, s3;
	s0 =	sld [smem:$0x3FAC]  }
0x30: {  	s3 =	sld [smem:$0x3FAF]  }
0x31: {  	[smem:$0x3FB8] =	sst s10  }
0x32: {  	s10 =	sld [smem:$0x3FB6];
	_ =	sdelay $0x3  }
0x33: {  	p0 =	seq.s32 s10, $0x1;
	s10 =	sld [smem:$0x3FB8];
	_ =	sdelay $0x3  }
0x34: {  	[smem:$0x3FB8] =	sst s10  }
0x35: {  	s10 =	sld [smem:$0x3FB7];
	_ =	sdelay $0x3  }
0x36: {  	p1 =	seq.s32 s10, $0x1;
	s10 =	sld [smem:$0x3FB8];
	_ =	sdelay $0x3  }
0x37: {  	[smem:$0x3FB8] =	sst s10  }
0x38: {  	s10 =	sld [smem:$0x3FB9]  }
0x39: {  	_ = 	snop;
	(pc) =	sbr.ind lr, $3  }
0x3a: {  	_ = 	snop  }
0x3b: {  	_ = 	snop  }
0x3c: {  	p2 =	seq.s32 s10, $0x1;
	s10 =	sld [smem:$0x3FB8]  }
0x3d: {  	_ =	shalt  }
0x3e: {  	_ =	shalt  }
0x3f: {  	_ =	shalt  }
0x40: {  	_ =	shalt  }
0x41: {  	_ =	shalt  }
0x42: {  	_ =	shalt  }
0x43: {  	_ =	shalt  }
0x44: {  	_ =	shalt  }
0x45: {  	_ =	shalt  }
0x46: {  	_ =	shalt  }
0x47: {  	_ =	shalt  }
0x48: {  	_ =	shalt  }
0x49: {  	_ =	shalt  }
0x4a: {  	_ =	shalt  }
0x4b: {  	_ =	shalt  }
0x4c: {  	_ =	shalt  }
0x4d: {  	_ =	shalt  }
0x4e: {  	_ =	shalt  }
0x4f: {  	_ =	shalt  }
0x50: {  	_ =	shalt  }
0x51: {  	_ =	shalt  }
0x52: {  	_ =	shalt  }
0x53: {  	_ =	shalt  }
0x54: {  	_ =	shalt  }
0x55: {  	_ =	shalt  }
0x56: {  	_ =	shalt  }
0x57: {  	_ =	shalt  }
0x58: {  	_ =	shalt  }
0x59: {  	_ =	shalt  }
0x5a: {  	_ =	shalt  }
0x5b: {  	_ =	shalt  }
0x5c: {  	_ =	shalt  }
0x5d: {  	_ =	shalt  }
0x5e: {  	_ =	shalt  }
0x5f: {  	_ =	shalt  }
0x60: {  	_ =	shalt  }
0x61: {  	_ =	shalt  }
0x62: {  	_ =	shalt  }
0x63: {  	_ =	shalt  }
0x64: {  	_ =	shalt  }
0x65: {  	_ =	shalt  }
0x66: {  	_ =	shalt  }
0x67: {  	_ =	shalt  }
0x68: {  	_ =	shalt  }
0x69: {  	_ =	shalt  }
0x6a: {  	_ =	shalt  }
0x6b: {  	_ =	shalt  }
0x6c: {  	_ =	shalt  }
0x6d: {  	_ =	shalt  }
0x6e: {  	_ =	shalt  }
0x6f: {  	_ =	shalt  }
0x70: {  	_ =	shalt  }
0x71: {  	_ =	shalt  }
0x72: {  	_ =	shalt  }
0x73: {  	_ =	shalt  }
0x74: {  	_ =	shalt  }
0x75: {  	_ =	shalt  }
0x76: {  	_ =	shalt  }
0x77: {  	_ =	shalt  }
0x78: {  	_ =	shalt  }
0x79: {  	_ =	shalt  }
0x7a: {  	_ =	shalt  }
0x7b: {  	_ =	shalt  }
0x7c: {  	_ =	shalt  }
0x7d: {  	_ =	shalt  }
0x7e: {  	_ =	shalt  }
0x7f: {  	_ =	shalt  }
0x80: {  	_ =	shalt  }
0x81: {  	_ =	shalt  }
0x82: {  	_ =	shalt  }
0x83: {  	_ =	shalt  }
0x84: {  	_ =	shalt  }
0x85: {  	_ =	shalt  }
0x86: {  	_ =	shalt  }
0x87: {  	_ =	shalt  }
.Lfunc_end0:
.L_simem_size_0:
called_computation.1_lowered:
.L_overlay_start_0:
0x88: {  	s2 =	sld [smem:$0x3FD9]  }
0x89: {  	s3 =	sld [smem:$0x3FFE];
	_ =	sdelay $0x1  }
0x8a: {  	s1 =	srdreg.scid  }
0x8b: {  	s0 =	sand.u32 $0x1, s1  }
0x8c: {  	s16 =	sshll.u32 s0, $0xA;
	s2 =	sadd.s32 s3, s2  }
0x8d: {  	s2 =	sadd.s32 s2, s16  }
0x8e: {  	[smem:$0x3FC4] =	sst s2  }
0x8f: {  	_ = 	snop  }
0x90: {  	(tm) =	ssettm $0x1  }
0x91: {  	s17 =	sld [smem:$0x3FFB];
	_ =	sdelay $0x3  }
0x92: {  	_ =	strace s17  }
0x93: {  	s2 =	sld [smem:$0x3FFC];
	_ =	sdelay $0x3  }
0x94: {  	_ =	strace s2  }
0x95: {  	s2 =	sld [smem:$0x3FFD];
	_ =	sdelay $0x3  }
0x96: {  	_ =	strace s2  }
0x97: {  	_ =	strace $0x8FFFFFFF  }
0x98: {  	s18 =	sld [smem:$0x3FDB];
	_ =	sdelay $0x1  }
0x99: {  	s19 =	simm.s32 $_scs_section_size  }
0x9a: {  	s4 =	simm.s32 $_size__tile_overlayer_lowered;
	s5 =	simm.s32 $_tile_overlayer_lowered  }
0x9b: {  	s22 =	simm.s32 $0x1BFF;
	s21 =	sshll.u32 s5, $0x1;
	s2 =	sadd.s32 s19, s18  }
0x9c: {  	s6 =	simm.s32 $0x0;
	s20 =	sshll.u32 s4, $0x1;
	s4 =	sadd.s32 s21, s2  }
0x9d: {  	[timem:s6], [sflag:s22] =	dma.local [hbm:s4], s20  }
0x9e: {  	_ =	swait.ge [sflag:s22], s20  }
0x9f: {  	s3 =	ssub.s32 $0x0, s20;
	[sflag:s22] =	ssyncset.done $0x0  }
0xa0: {  	[sflag:s22] =	ssyncadd.s32 s3;
	_ =	sdelay $0x1  }
0xa1: {  	s23 =	simm.s32 $0x1B8B  }
0xa2: {  	_ =	swait.ge [sflag:s23], $0x1  }
0xa3: {  	[sflag:s23] =	ssyncset.done $0x0  }
0xa4: {  	s25 =	simm.s32 $0x1B8E;
	s24 =	sld [smem:$0x3FFE];
	[sflag:s23] =	ssyncadd.s32 $0xFFFFFFFF  }
0xa5: {  	s26 =	simm.s32 $execute0_lowered;
	[smem:$0x3FD2] =	sst s25  }
0xa6: {  	s4 =	sshll.u32 s26, $0x1;
	_ =	strace $0x80000049;
	[dreg:$0x1] =	wrdreg $0xFFFFFFFF  }
0xa7: {  	s28 =	simm.s32 $_size_execute0_lowered;
	s2 =	sadd.s32 s2, s4;
	[dreg:$0x0] =	wrdreg $0x0  }
0xa8: {  	s4 =	sshll.u32 s28, $0x1;
	[dreg:$0x2] =	wrdreg s2  }
0xa9: {  	[dreg:$0x3] =	wrdreg s4  }
0xaa: {  	[dreg:$0x4] =	wrdreg $0xC0  }
0xab: {  	_ =	task [dreg:s6], $0x5FFFF  }
0xac: {  	[dreg:$0x1] =	wrdreg $0xFFFFFFFF  }
0xad: {  	[dreg:$0x0] =	wrdreg $0x60  }
0xae: {  	[dreg:$0x2] =	wrdreg s24  }
0xaf: {  	[dreg:$0x3] =	wrdreg $0xAA000  }
0xb0: {  	[dreg:$0x4] =	wrdreg $0x9  }
0xb1: {  	_ =	task.clear_ibuf [dreg:s6], $0x5FFFF;
	_ =	strace $0x90000049  }
0xb2: {  	s29 =	simm.s32 $0x9;
	_ =	strace $0x8000004B  }
0xb3: {  	_ =	swait.ge [sflag:s29], $0x1  }
0xb4: {  	[sflag:s29] =	ssyncadd.s32 $0xFFFFFFFF  }
0xb5: {  	_ =	strace $0x9000004B  }
0xb6: {  	_ =	sfence  }
0xb7: {  	s30 =	sld [smem:$0x0];
	_ =	sdelay $0x2  }
0xb8: {  	s31 =	sshll.u32 s1, $0xD;
	s1 =	sshrl.u32 s1, $0x2  }
0xb9: {  	s3 =	sand.u32 $0x4000, s31;
	s1 =	sadd.s32 s1, s30  }
0xba: {  	s0 =	sor.u32 s3, s0;
	s1 =	sshll.u32 s1, $0x11  }
0xbb: {  	s0 =	sor.u32 s1, s0  }
0xbc: {  	s0 =	sadd.s32 $0x8F2B, s0  }
0xbd: {  	[sflag:s0] =	ssyncadd.remote.s32 $0x1  }
0xbe: {  	_ =	sfence.sel $0xFFFF  }
0xbf: {  	[dreg:$0x0] =	wrdreg $0xFFFFFFFF;
	(pc) =	sbr.abs _section_cstart, $3  }
0xc0: {  	[dreg:$0x1] =	wrdreg $0xFFFFFFFF  }
0xc1: {  	_ =	task.clear_ibuf [dreg:s6], $0x2FFFF;
	_ =	strace $0x9FFFFFFF  }
0xc2: {  	(tm) =	ssettm $0x7FFFFFFF  }
0xc3: {  	_ =	shalt  }
tec
execute0_lowered:
.L_overlay_start_1:
0x0: {  	(tag) =	ssettag $0x1  }
0x1: {  	s0 =	rddreg [dreg:$0x0]  }
0x2: {  	s2 =	rddreg [dreg:$0x1];
	s3 =	simm.s32 $0x0  }
0x3: {  	s13 =	stileid.u32;
	s7 =	srdreg.scid;
	s28 =	simm.s32 $0x5  }
0x4: {  	s29 =	simm.s32 $0x2900;
	s30 =	simm.s32 $0x80;
	s4 =	smul.u32 $0x2800, s13  }
0x5: {  	s31 =	simm.s32 $0x2800;
	[smem:$0x7FF] =	sst s3;
	s11 =	smul.u32 $0x50000, s13  }
0x6: {  	s5 =	sadd.s32 $0xB000, s0;
	s6 =	sadd.s32 $0x6000, s0;
	s15 =	smul.u32 $0x500, s13  }
0x7: {  	s9 =	sand.u32 $0x1, s7;
	s7 =	sadd.s32 $0x65000, s0;
	s16 =	smul.u32 $0x280, s13  }
0x8: {  	_ =	strace $0x8000004A;
	s10 =	ssub.s32 $0x2, s9;
	s14 =	smul.u32 $0x2800, s9  }
0x9: {  	s1 =	sshrl.u32 s4, $0x3;
	s12 =	sshrl.u32 s10, $0x1;
	s11 =	sshrl.u32 s11, $0x2  }
0xa: {  	s20 =	sadd.s32 $0x80, s16;
	s25 =	sadd.s32 $0x100, s16;
	s26 =	sadd.s32 $0x180, s16  }
0xb: {  	s8 =	sadd.s32 s1, s0;
	s0 =	sadd.s32 $0x6A000, s0;
	s12 =	ssub.s32 s10, s12  }
0xc: {  	s9 =	sadd.s32 s11, s2;
	s10 =	smul.u32 $0x50, s13;
	s11 =	sadd.s32 s6, s15  }
0xd: {  	s1 =	sadd.s32 s7, s1;
	s19 =	sadd.s32 s14, s16;
	s22 =	sadd.s32 s14, s20  }
0xe: {  	s23 =	sshll.u32 s20, $0x7;
	s17 =	sadd.s32 s14, s25;
	[dreg:$0x4] =	wrdreg s11  }
0xf: {  	s15 =	sadd.s32 s14, s26;
	s8 =	sadd.s32 $0x1000, s8;
	[dreg:$0x5] =	wrdreg s1  }
0x10: {  	s18 =	smax.u32 s12, $0x1;
	s21 =	sadd.s32 $0x4000, s9;
	s1 =	sshll.u32 s19, $0x4  }
0x11: {  	s24 =	sshll.u32 s22, $0x4;
	s13 =	sshll.u32 s17, $0x4;
	[dreg:$0x3] =	wrdreg s8  }
0x12: {  	s15 =	sshll.u32 s15, $0x4;
	s20 =	sadd.s32 $0x8000, s9;
	[dreg:$0x6] =	wrdreg s18  }
0x13: {  	s22 =	sshll.u32 s25, $0x7;
	s12 =	simm.s32 $0xA980;
	[dreg:$0x7] =	wrdreg s21  }
0x14: {  	s1 =	sadd.s32 s0, s1;
	s11 =	sadd.s32 s0, s24;
	[dreg:$0xd] =	wrdreg s20  }
0x15: {  	s8 =	sadd.s32 $0x200, s16;
	s13 =	sadd.s32 s0, s13;
	[dreg:$0x8] =	wrdreg s1  }
0x16: {  	s18 =	sadd.s32 s0, s15;
	s21 =	sadd.s32 s23, s2;
	[dreg:$0x9] =	wrdreg s11  }
0x17: {  	s23 =	sshll.u32 s26, $0x7;
	s26 =	sadd.s32 $0xC000, s9;
	[dreg:$0xa] =	wrdreg s13  }
0x18: {  	s15 =	simm.s32 $0x4;
	s16 =	sadd.s32 s14, s8;
	[dreg:$0xb] =	wrdreg s18  }
0x19: {  	[dreg:$0xe] =	wrdreg s21;
	s8 =	sshll.u32 s8, $0x7;
	s24 =	sadd.s32 s23, s2  }
0x1a: {  	[dreg:$0x12] =	wrdreg s26;
	s26 =	sadd.s32 $0x10000, s9;
	s1 =	simm.s32 $0x1  }
.Ltmp0:
0x1b: {  	s11 =	simm.s32 $0x2880;
	s13 =	simm.s32 $0x2;
	(pc) =	sbr.rel .LBB2_1-.Ltmp0, $4  }
0x1c: {  	s19 =	sshll.u32 s16, $0x4;
	[dreg:$0x10] =	wrdreg s24;
	s25 =	sadd.s32 s8, s2  }
0x1d: {  	v0 =	vmov s14;
	s14 =	simm.s32 $0x3;
	s0 =	sadd.s32 s0, s19;
	[dreg:$0x11] =	wrdreg s25  }
0x1e: {  	s8 =	simm.s32 $0x6900;
	[dreg:$0xc] =	wrdreg s0;
	s0 =	sadd.s32 s22, s2  }
0x1f: {  	v1 =	vimm.f32 $0.0e+00;
	s16 =	simm.s32 $0x0;
	[dreg:$0xf] =	wrdreg s0;
	s0 =	simm.s32 $0xA900  }
.LBB2_12:
0x20: {  	_ =	swait.ge [sflag:s15], $0x4000  }
0x21: {  	[sflag:s15] =	ssyncset.done $0x0  }
0x22: {  	[sflag:s15] =	ssyncadd.s32 $0xFFFFC000  }
0x23: {  	[bflag:$0x0] =	sbarrier.arrive $0xFFFF  }
0x24: {  	[tilespmem:s29], [sflag:$0x5] =	stream.linear.gather [spmem:s9], $0x4000, $0x38;
	[tilespmem:$0x1EA00] =	vst v63  }
0x25: {  	_ =	swait.ge [sflag:s28], $0x4000  }
0x26: {  	[sflag:s28] =	ssyncset.done $0x0  }
0x27: {  	s17 =	rddreg [dreg:$0x8];
	[sflag:s28] =	ssyncadd.s32 $0xFFFFC000  }
0x28: {  	[hbm4b:s17+s3] =	stream.linear.scatter [tilespmem:s29], [sflag:$0x5], $0x4000, $0x38;
	[tilespmem:$0x1EA00] =	vst v63  }
0x29: {  	_ =	swait.ge [sflag:s28], $0x4000  }
0x2a: {  	[sflag:s28] =	ssyncset.done $0x0  }
0x2b: {  	s25 =	rddreg [dreg:$0xe];
	[sflag:s28] =	ssyncadd.s32 $0xFFFFC000  }
0x2c: {  	[tilespmem:s29], [sflag:$0x5] =	stream.linear.gather [spmem:s25], $0x4000, $0x38;
	[tilespmem:$0x1EA00] =	vst v63  }
0x2d: {  	_ =	swait.ge [sflag:s28], $0x4000  }
0x2e: {  	[sflag:s28] =	ssyncset.done $0x0  }
0x2f: {  	s18 =	rddreg [dreg:$0x9];
	[sflag:s28] =	ssyncadd.s32 $0xFFFFC000  }
0x30: {  	[hbm4b:s18+s3] =	stream.linear.scatter [tilespmem:s29], [sflag:$0x5], $0x4000, $0x38;
	[tilespmem:$0x1EA00] =	vst v63  }
0x31: {  	_ =	swait.ge [sflag:s28], $0x4000  }
0x32: {  	[sflag:s28] =	ssyncset.done $0x0  }
0x33: {  	s19 =	rddreg [dreg:$0xf];
	[sflag:s28] =	ssyncadd.s32 $0xFFFFC000  }
0x34: {  	[tilespmem:s29], [sflag:$0x5] =	stream.linear.gather [spmem:s19], $0x4000, $0x38;
	[tilespmem:$0x1EA00] =	vst v63  }
0x35: {  	_ =	swait.ge [sflag:s28], $0x4000  }
0x36: {  	[sflag:s28] =	ssyncset.done $0x0  }
0x37: {  	s20 =	rddreg [dreg:$0xa];
	[sflag:s28] =	ssyncadd.s32 $0xFFFFC000  }
0x38: {  	[hbm4b:s20+s3] =	stream.linear.scatter [tilespmem:s29], [sflag:$0x5], $0x4000, $0x38;
	[tilespmem:$0x1EA00] =	vst v63  }
0x39: {  	_ =	swait.ge [sflag:s28], $0x4000  }
0x3a: {  	[sflag:s28] =	ssyncset.done $0x0  }
0x3b: {  	s21 =	rddreg [dreg:$0x10];
	[sflag:s28] =	ssyncadd.s32 $0xFFFFC000  }
0x3c: {  	[tilespmem:s29], [sflag:$0x5] =	stream.linear.gather [spmem:s21], $0x4000, $0x38;
	[tilespmem:$0x1EA00] =	vst v63  }
0x3d: {  	_ =	swait.ge [sflag:s28], $0x4000  }
0x3e: {  	[sflag:s28] =	ssyncset.done $0x0  }
0x3f: {  	s22 =	rddreg [dreg:$0xb];
	[sflag:s28] =	ssyncadd.s32 $0xFFFFC000  }
0x40: {  	[hbm4b:s22+s3] =	stream.linear.scatter [tilespmem:s29], [sflag:$0x5], $0x4000, $0x38;
	[tilespmem:$0x1EA00] =	vst v63  }
0x41: {  	_ =	swait.ge [sflag:s28], $0x4000  }
0x42: {  	[sflag:s28] =	ssyncset.done $0x0  }
0x43: {  	s23 =	rddreg [dreg:$0x11];
	[sflag:s28] =	ssyncadd.s32 $0xFFFFC000  }
0x44: {  	[tilespmem:s29], [sflag:$0x5] =	stream.linear.gather [spmem:s23], $0x4000, $0x38;
	[tilespmem:$0x1EA00] =	vst v63  }
0x45: {  	_ =	swait.ge [sflag:s28], $0x4000  }
0x46: {  	[sflag:s28] =	ssyncset.done $0x0  }
0x47: {  	s24 =	rddreg [dreg:$0xc];
	[sflag:s28] =	ssyncadd.s32 $0xFFFFC000  }
0x48: {  	[hbm4b:s24+s3] =	stream.linear.scatter [tilespmem:s29], [sflag:$0x5], $0x4000, $0x38;
	[tilespmem:$0x1EA00] =	vst v63  }
0x49: {  	_ =	swait.ge [sflag:s28], $0x4000  }
0x4a: {  	s16 =	sadd.s32 $0x1, s16;
	s25 =	rddreg [dreg:$0x6]  }
0x4b: {  	p0 =	sne.s32 s16, s25  }
.Ltmp1:
0x4c: {  	_ = 	snop;
	(pc) =	sbr.rel @!p0 .LBB2_13-.Ltmp1, $3  }
0x4d: {  	_ =	sdelay $0x1  }
0x4e: {  	[sflag:s28] =	ssyncset.done $0x0  }
0x4f: {  	[sflag:s28] =	ssyncadd.s32 $0xFFFFC000  }
.LBB2_1:
0x50: {  	s17 =	rddreg [dreg:$0x3]  }
0x51: {  	[tilespmem:s3], [sflag:$0x5] =	stream.linear.gather [hbm4b:s17+s3], $0x2800, $0x38;
	[tilespmem:$0x1EA00] =	vst v63  }
0x52: {  	_ =	swait.ge [sflag:s28], $0x2800  }
0x53: {  	[sflag:s28] =	ssyncset.done $0x0  }
0x54: {  	s18 =	simm.s32 $0x40;
	s17 =	simm.s32 $0x0;
	[sflag:s28] =	ssyncadd.s32 $0xFFFFD800  }
.LBB2_2:
0x55: {  	p0 =	sne.s32 s18, $0x9FC0;
	v2 =	vld [tilespmem:s17+$0x0];
	_ =	sdelay $0x1  }
.Ltmp2:
0x56: {  	(pc) =	sbr.rel @p0 .LBB2_2-.Ltmp2, $3  }
0x57: {  	_ =	sdelay $0x1  }
0x58: {  	v2 =	vadd.s32 v0, v2  }
0x59: {  	[tilespmem:s17+$0x0] =	vst v2;
	s17 =	sshra.s32 s18, $0x2;
	s18 =	sadd.s32 $0x40, s18  }
0x5a: {  	v2 =	vld [tilespmem:s17+$0x0];
	_ =	sdelay $0x4  }
0x5b: {  	v2 =	vadd.s32 v0, v2  }
0x5c: {  	s18 =	simm.s32 $0x200;
	[tilespmem:s17+$0x0] =	vst v2;
	s17 =	simm.s32 $0x0  }
.LBB2_4:
0x5d: {  	p0 =	sne.s32 s18, $0xFE00;
	[tilespmem:s17+$0x2970] =	vst v1  }
0x5e: {  	[tilespmem:s17+$0x2900] =	vst v1  }
0x5f: {  	[tilespmem:s17+$0x2910] =	vst v1  }
.Ltmp3:
0x60: {  	[tilespmem:s17+$0x2920] =	vst v1;
	(pc) =	sbr.rel @p0 .LBB2_4-.Ltmp3, $4  }
0x61: {  	[tilespmem:s17+$0x2930] =	vst v1  }
0x62: {  	[tilespmem:s17+$0x2940] =	vst v1  }
0x63: {  	[tilespmem:s17+$0x2950] =	vst v1  }
0x64: {  	[tilespmem:s17+$0x2960] =	vst v1;
	s17 =	sshra.s32 s18, $0x2;
	s18 =	sadd.s32 $0x200, s18  }
0x65: {  	[tilespmem:s17+$0x2970] =	vst v1  }
0x66: {  	[tilespmem:s17+$0x2900] =	vst v1  }
0x67: {  	[tilespmem:s17+$0x2910] =	vst v1  }
0x68: {  	[tilespmem:s17+$0x2920] =	vst v1  }
0x69: {  	[tilespmem:s17+$0x2930] =	vst v1  }
0x6a: {  	[tilespmem:s17+$0x2940] =	vst v1  }
0x6b: {  	[tilespmem:s17+$0x2950] =	vst v1  }
0x6c: {  	[tilespmem:s17+$0x2960] =	vst v1  }
0x6d: {  	[spmem:s9] =	stream.linear.scatter [tilespmem:s29], [sflag:$0x5], $0x4000, $0x38;
	[tilespmem:$0x1EA00] =	vst v63  }
0x6e: {  	_ =	swait.ge [sflag:s28], $0x4000  }
0x6f: {  	[sflag:s28] =	ssyncset.done $0x0  }
0x70: {  	s22 =	rddreg [dreg:$0x7];
	[sflag:s28] =	ssyncadd.s32 $0xFFFFC000  }
0x71: {  	[spmem:s22] =	stream.linear.scatter [tilespmem:s29], [sflag:$0x5], $0x4000, $0x38;
	[tilespmem:$0x1EA00] =	vst v63  }
0x72: {  	_ =	swait.ge [sflag:s28], $0x4000  }
0x73: {  	[sflag:s28] =	ssyncset.done $0x0  }
0x74: {  	s23 =	rddreg [dreg:$0xd];
	[sflag:s28] =	ssyncadd.s32 $0xFFFFC000  }
0x75: {  	[spmem:s23] =	stream.linear.scatter [tilespmem:s29], [sflag:$0x5], $0x4000, $0x38;
	[tilespmem:$0x1EA00] =	vst v63  }
0x76: {  	_ =	swait.ge [sflag:s28], $0x4000  }
0x77: {  	[sflag:s28] =	ssyncset.done $0x0  }
0x78: {  	s24 =	rddreg [dreg:$0x12];
	[sflag:s28] =	ssyncadd.s32 $0xFFFFC000  }
0x79: {  	[spmem:s24] =	stream.linear.scatter [tilespmem:s29], [sflag:$0x5], $0x4000, $0x38;
	[tilespmem:$0x1EA00] =	vst v63  }
0x7a: {  	_ =	swait.ge [sflag:s28], $0x4000  }
0x7b: {  	[sflag:s28] =	ssyncset.done $0x0  }
0x7c: {  	[sflag:s28] =	ssyncadd.s32 $0xFFFFC000  }
0x7d: {  	[spmem:s26] =	stream.linear.scatter [tilespmem:s29], [sflag:$0x5], $0x4000, $0x38;
	[tilespmem:$0x1EA00] =	vst v63  }
0x7e: {  	_ =	swait.ge [sflag:s28], $0x4000  }
0x7f: {  	[sflag:s28] =	ssyncset.done $0x0  }
0x80: {  	[sflag:s28] =	ssyncadd.s32 $0xFFFFC000  }
0x81: {  	s17 =	simm.s32 $0x0;
	[bflag:$0x0] =	sbarrier.arrive $0xFFFF  }
0x82: {  	[tilespmem:s29], [sflag:$0x1] =	stream.indirect.gather [hbm4b:s5+s30], $0x80, s17, s30, $0xb8;
	[tilespmem:$0x1EA00] =	vst v63  }
0x83: {  	s18 =	rddreg [dreg:$0x4]  }
0x84: {  	[tilespmem:s31], [sflag:$0x1] =	stream.linear.gather [hbm4b:s18+s17], $0x80, $0x38;
	[tilespmem:$0x1EA00] =	vst v63  }
0x85: {  	s25 =	rddreg [dreg:$0x5];
	s18 =	simm.s32 $0x0  }
0x86: {  	[tilespmem:s0], [sflag:$0x1] =	stream.linear.gather [hbm4b:s25+s17], $0x80, $0x38;
	[tilespmem:$0x1EA00] =	vst v63  }
.LBB2_6:
0x87: {  	_ =	swait.ge [sflag:s1], $0x4000  }
0x88: {  	[sflag:s1] =	ssyncset.done $0x0  }
0x89: {  	v2 =	vmov s17;
	[sflag:s1] =	ssyncadd.s32 $0xFFFFC000  }
0x8a: {  	v2 =	vand.u32 $0xFFFFFFFC, v2;
	_ =	swait.ge [sflag:s1], $0x80  }
0x8b: {  	v2 =	vbroadcast v2, $0x0;
	[sflag:s1] =	ssyncset.done $0x0  }
0x8c: {  	[sflag:s1] =	ssyncadd.s32 $0xFFFFFF80  }
0x8d: {  	_ =	swait.ge [sflag:s1], $0x80  }
0x8e: {  	[sflag:s1] =	ssyncset.done $0x0  }
0x8f: {  	s19 =	simm.s32 $0x2A00;
	[sflag:s1] =	ssyncadd.s32 $0xFFFFFF80  }
0x90: {  	v3 =	vld [tilespmem:s19+$0xFFFFFF70]  }
0x91: {  	v2 =	vld.idx.msk [tilespmem:v2+s0+$0x0], $0xffff  }
0x92: {  	v4 =	vld [tilespmem:s19+$0xFFFFFF00]  }
0x93: {  	v5 =	vld [tilespmem:s19+$0xFFFFFF20]  }
0x94: {  	v6 =	vld [tilespmem:s19+$0xFFFFFF50]  }
0x95: {  	v7 =	vld [tilespmem:s19+$0xFFFFFF40]  }
0x96: {  	v8 =	vld [tilespmem:s19+$0xFFFFFF60];
	v3 =	vmul.f32 v3, v2  }
0x97: {  	s20 =	simm.s32 $0x1;
	v9 =	vld [tilespmem:s19+$0xFFFFFF30];
	v4 =	vmul.f32 v4, v2  }
0x98: {  	v10 =	vld [tilespmem:s19+$0xFFFFFF10];
	v5 =	vmul.f32 v5, v2;
	[tilespmem:s19+$0xFFFFFF70] =	vst v3;
	v3 =	vmov s20  }
0x99: {  	v6 =	vmul.f32 v6, v2;
	[tilespmem:s19+$0xFFFFFF00] =	vst v4;
	v3 =	vand.u32 $0xFFFFFFFD, v3  }
0x9a: {  	v4 =	vmul.f32 v7, v2;
	[tilespmem:s19+$0xFFFFFF20] =	vst v5;
	v3 =	vbroadcast v3, $0x0  }
0x9b: {  	v5 =	vmul.f32 v8, v2;
	[tilespmem:s19+$0xFFFFFF50] =	vst v6  }
0x9c: {  	v6 =	vmul.f32 v9, v2;
	[tilespmem:s19+$0xFFFFFF40] =	vst v4  }
0x9d: {  	v2 =	vmul.f32 v10, v2;
	[tilespmem:s19+$0xFFFFFF60] =	vst v5  }
0x9e: {  	[tilespmem:s19+$0xFFFFFF30] =	vst v6  }
0x9f: {  	[tilespmem:s19+$0xFFFFFF10] =	vst v2;
	v2 =	vld [tilespmem:s19+$0xFFFFFF90]  }
0xa0: {  	v4 =	vld.idx.msk [tilespmem:v3+s0+$0x0], $0xffff  }
0xa1: {  	v3 =	vld [tilespmem:s19+$0xFFFFFFA0]  }
0xa2: {  	v5 =	vld [tilespmem:s19+$0xFFFFFF80]  }
0xa3: {  	v6 =	vld [tilespmem:s19+$0xFFFFFFB0]  }
0xa4: {  	v7 =	vld [tilespmem:s19+$0xFFFFFFC0]  }
0xa5: {  	v8 =	vld [tilespmem:s19+$0xFFFFFFD0];
	v2 =	vmul.f32 v2, v4  }
0xa6: {  	s25 =	simm.s32 $0x2;
	v9 =	vld [tilespmem:s19+$0xFFFFFFF0];
	v3 =	vmul.f32 v3, v4  }
0xa7: {  	v10 =	vld [tilespmem:s19+$0xFFFFFFE0];
	v5 =	vmul.f32 v5, v4;
	[tilespmem:s19+$0xFFFFFF90] =	vst v2;
	v2 =	vmov s25  }
0xa8: {  	v6 =	vmul.f32 v6, v4;
	[tilespmem:s19+$0xFFFFFFA0] =	vst v3;
	v2 =	vand.u32 $0xFFFFFFFE, v2  }
0xa9: {  	v3 =	vmul.f32 v7, v4;
	[tilespmem:s19+$0xFFFFFF80] =	vst v5;
	v7 =	vld [tilespmem:s19+$0x60];
	v11 =	vbroadcast v2, $0x0  }
0xaa: {  	v5 =	vmul.f32 v8, v4;
	[tilespmem:s19+$0xFFFFFFB0] =	vst v6;
	v8 =	vld [tilespmem:s19+$0x0]  }
0xab: {  	v6 =	vmul.f32 v9, v4;
	v2 =	vld [tilespmem:s19+$0x20];
	[tilespmem:s19+$0xFFFFFFC0] =	vst v3  }
0xac: {  	v4 =	vmul.f32 v10, v4;
	v3 =	vld [tilespmem:s19+$0x30];
	[tilespmem:s19+$0xFFFFFFD0] =	vst v5  }
0xad: {  	[tilespmem:s19+$0xFFFFFFF0] =	vst v6;
	v5 =	vld [tilespmem:s19+$0x40]  }
0xae: {  	[tilespmem:s19+$0xFFFFFFE0] =	vst v4;
	v6 =	vld [tilespmem:s19+$0x10]  }
0xaf: {  	s21 =	simm.s32 $0x4;
	s22 =	simm.s32 $0x2A00;
	s20 =	simm.s32 $0x0;
	v4 =	vld.idx.msk [tilespmem:v11+s0+$0x0], $0xffff  }
.LBB2_7:
0xb0: {  	p0 =	sne.s32 s21, $0x7C  }
0xb1: {  	v9 =	vld [tilespmem:s19+$0x50];
	s22 =	sadd.s32 $0x200, s22;
	s23 =	smov.u32 s21;
	s21 =	sadd.s32 $0x4, s21  }
0xb2: {  	v10 =	vld [tilespmem:s19+$0x70];
	_ =	sdelay $0x1  }
0xb3: {  	v7 =	vmul.f32 v7, v4;
	v8 =	vmul.f32 v8, v4  }
0xb4: {  	v5 =	vmul.f32 v5, v4;
	v6 =	vmul.f32 v6, v4  }
0xb5: {  	v2 =	vmul.f32 v2, v4;
	v3 =	vmul.f32 v3, v4;
	[tilespmem:s19+$0x60] =	vst v7  }
0xb6: {  	[tilespmem:s19+$0x40] =	vst v5;
	v5 =	vmul.f32 v9, v4;
	v4 =	vmul.f32 v10, v4  }
0xb7: {  	s24 =	sadd.s32 $0x3, s20;
	s20 =	smov.u32 s23;
	[tilespmem:s19+$0x20] =	vst v2;
	v7 =	vld [tilespmem:s19+$0x80]  }
0xb8: {  	v2 =	vld [tilespmem:s22+$0x20];
	[tilespmem:s19+$0x0] =	vst v8;
	v8 =	vmov s24  }
0xb9: {  	[tilespmem:s19+$0x50] =	vst v5;
	v5 =	vld [tilespmem:s19+$0xE0]  }
0xba: {  	[tilespmem:s19+$0x30] =	vst v3;
	v9 =	vld [tilespmem:s19+$0xC0]  }
0xbb: {  	v3 =	vld [tilespmem:s22+$0x30];
	[tilespmem:s19+$0x10] =	vst v6  }
0xbc: {  	[tilespmem:s19+$0x70] =	vst v4;
	v4 =	vld [tilespmem:s19+$0xA0]  }
0xbd: {  	v6 =	vld.idx.msk [tilespmem:v8+s0+$0x0], $0xffff  }
0xbe: {  	v8 =	vld [tilespmem:s19+$0x90]  }
0xbf: {  	v10 =	vld [tilespmem:s19+$0xB0]  }
0xc0: {  	v11 =	vld [tilespmem:s19+$0xD0]  }
0xc1: {  	v12 =	vld [tilespmem:s19+$0xF0];
	_ =	sdelay $0x1  }
0xc2: {  	v7 =	vmul.f32 v7, v6;
	v8 =	vmul.f32 v8, v6  }
0xc3: {  	v4 =	vmul.f32 v4, v6;
	v10 =	vmul.f32 v10, v6  }
0xc4: {  	v13 =	vmov s20;
	[tilespmem:s19+$0x80] =	vst v7;
	v7 =	vmul.f32 v9, v6;
	v9 =	vmul.f32 v11, v6  }
0xc5: {  	v11 =	vand.u32 $0xFFFFFFFC, v13;
	[tilespmem:s19+$0xA0] =	vst v4;
	v4 =	vmul.f32 v5, v6;
	v5 =	vmul.f32 v12, v6  }
0xc6: {  	v6 =	vbroadcast v11, $0x0;
	[tilespmem:s19+$0xC0] =	vst v7  }
0xc7: {  	[tilespmem:s19+$0xF0] =	vst v5  }
0xc8: {  	v5 =	vld [tilespmem:s22+$0xFFFFFF40];
	[tilespmem:s19+$0xE0] =	vst v4  }
0xc9: {  	v4 =	vld [tilespmem:s22+$0xFFFFFF50];
	[tilespmem:s19+$0x90] =	vst v8  }
0xca: {  	v7 =	vld [tilespmem:s22+$0xFFFFFF60];
	[tilespmem:s19+$0xB0] =	vst v10  }
0xcb: {  	v8 =	vld [tilespmem:s22+$0xFFFFFF70];
	[tilespmem:s19+$0xD0] =	vst v9;
	s19 =	smov.u32 s22  }
0xcc: {  	v6 =	vld.idx.msk [tilespmem:v6+s0+$0x0], $0xffff  }
0xcd: {  	v9 =	vld [tilespmem:s22+$0xFFFFFF00]  }
0xce: {  	v10 =	vld [tilespmem:s22+$0xFFFFFF20]  }
0xcf: {  	v11 =	vld [tilespmem:s22+$0xFFFFFF10]  }
0xd0: {  	v12 =	vld [tilespmem:s22+$0xFFFFFF30];
	_ =	sdelay $0x1  }
0xd1: {  	v8 =	vmul.f32 v8, v6;
	v9 =	vmul.f32 v9, v6  }
0xd2: {  	s23 =	sadd.s32 $0x1, s20;
	v7 =	vmul.f32 v7, v6;
	v10 =	vmul.f32 v10, v6  }
0xd3: {  	v4 =	vmul.f32 v4, v6;
	v11 =	vmul.f32 v11, v6;
	[tilespmem:s22+$0xFFFFFF70] =	vst v8;
	v8 =	vmov s23  }
0xd4: {  	v5 =	vmul.f32 v5, v6;
	[tilespmem:s22+$0xFFFFFF00] =	vst v9;
	v9 =	vmul.f32 v12, v6;
	v6 =	vand.u32 $0xFFFFFFFD, v8  }
0xd5: {  	[tilespmem:s22+$0xFFFFFF20] =	vst v10;
	v6 =	vbroadcast v6, $0x0  }
0xd6: {  	[tilespmem:s22+$0xFFFFFF50] =	vst v4  }
0xd7: {  	[tilespmem:s22+$0xFFFFFF40] =	vst v5;
	v4 =	vld [tilespmem:s22+$0xFFFFFFF0]  }
0xd8: {  	[tilespmem:s22+$0xFFFFFF60] =	vst v7;
	v5 =	vld [tilespmem:s22+$0xFFFFFFC0]  }
0xd9: {  	[tilespmem:s22+$0xFFFFFF30] =	vst v9;
	v7 =	vld [tilespmem:s22+$0xFFFFFFD0]  }
0xda: {  	[tilespmem:s22+$0xFFFFFF10] =	vst v11;
	v8 =	vld [tilespmem:s22+$0xFFFFFF90]  }
0xdb: {  	v6 =	vld.idx.msk [tilespmem:v6+s0+$0x0], $0xffff  }
0xdc: {  	v9 =	vld [tilespmem:s22+$0xFFFFFF80]  }
0xdd: {  	v10 =	vld [tilespmem:s22+$0xFFFFFFA0]  }
0xde: {  	v11 =	vld [tilespmem:s22+$0xFFFFFFB0]  }
0xdf: {  	v12 =	vld [tilespmem:s22+$0xFFFFFFE0];
	_ =	sdelay $0x1  }
0xe0: {  	v8 =	vmul.f32 v8, v6;
	v9 =	vmul.f32 v9, v6  }
0xe1: {  	s23 =	sadd.s32 $0x2, s20;
	v7 =	vmul.f32 v7, v6;
	v10 =	vmul.f32 v10, v6  }
0xe2: {  	v5 =	vmul.f32 v5, v6;
	[tilespmem:s22+$0xFFFFFF90] =	vst v8;
	v8 =	vmul.f32 v11, v6;
	v11 =	vmov s23  }
0xe3: {  	v4 =	vmul.f32 v4, v6;
	[tilespmem:s22+$0xFFFFFFA0] =	vst v10;
	v10 =	vmul.f32 v12, v6;
	v6 =	vand.u32 $0xFFFFFFFE, v11  }
0xe4: {  	[tilespmem:s22+$0xFFFFFF80] =	vst v9;
	v6 =	vbroadcast v6, $0x0  }
0xe5: {  	[tilespmem:s22+$0xFFFFFFB0] =	vst v8  }
0xe6: {  	[tilespmem:s22+$0xFFFFFFC0] =	vst v5  }
0xe7: {  	[tilespmem:s22+$0xFFFFFFD0] =	vst v7  }
.Ltmp4:
0xe8: {  	[tilespmem:s22+$0xFFFFFFF0] =	vst v4;
	v5 =	vld [tilespmem:s22+$0x40];
	(pc) =	sbr.rel @p0 .LBB2_7-.Ltmp4, $4  }
0xe9: {  	[tilespmem:s22+$0xFFFFFFE0] =	vst v10;
	v7 =	vld [tilespmem:s22+$0x60]  }
0xea: {  	v4 =	vld.idx.msk [tilespmem:v6+s0+$0x0], $0xffff  }
0xeb: {  	v8 =	vld [tilespmem:s22+$0x0]  }
0xec: {  	v6 =	vld [tilespmem:s22+$0x10]  }
0xed: {  	_ =	sdelay $0x1  }
0xee: {  	v7 =	vmul.f32 v7, v4  }
0xef: {  	v9 =	vld [tilespmem:s19+$0x50];
	v5 =	vmul.f32 v5, v4  }
0xf0: {  	v10 =	vld [tilespmem:s19+$0x70];
	v2 =	vmul.f32 v2, v4;
	[tilespmem:s19+$0x60] =	vst v7  }
0xf1: {  	v7 =	vmul.f32 v8, v4;
	[tilespmem:s19+$0x40] =	vst v5  }
0xf2: {  	s20 =	sadd.s32 $0x3, s20;
	[tilespmem:s19+$0x20] =	vst v2;
	v2 =	vmul.f32 v3, v4  }
0xf3: {  	v6 =	vmul.f32 v6, v4;
	[tilespmem:s19+$0x0] =	vst v7;
	v7 =	vmov s20  }
0xf4: {  	v5 =	vmul.f32 v9, v4;
	[tilespmem:s19+$0x30] =	vst v2  }
0xf5: {  	v4 =	vmul.f32 v10, v4;
	[tilespmem:s19+$0x10] =	vst v6  }
0xf6: {  	[tilespmem:s19+$0x50] =	vst v5  }
0xf7: {  	v3 =	vld [tilespmem:s19+$0x80];
	[tilespmem:s19+$0x70] =	vst v4  }
0xf8: {  	v2 =	vld.idx.msk [tilespmem:v7+s0+$0x0], $0xffff  }
0xf9: {  	v4 =	vld [tilespmem:s19+$0xA0]  }
0xfa: {  	v5 =	vld [tilespmem:s19+$0xC0]  }
0xfb: {  	v6 =	vld [tilespmem:s19+$0xF0]  }
0xfc: {  	v7 =	vld [tilespmem:s19+$0xE0]  }
0xfd: {  	v8 =	vld [tilespmem:s19+$0x90];
	v3 =	vmul.f32 v3, v2  }
0xfe: {  	v9 =	vld [tilespmem:s19+$0xB0];
	v4 =	vmul.f32 v4, v2  }
0xff: {  	v10 =	vld [tilespmem:s19+$0xD0];
	[tilespmem:s19+$0x80] =	vst v3;
	v3 =	vmul.f32 v5, v2  }
0x100: {  	[tilespmem:s19+$0xA0] =	vst v4;
	v4 =	vmul.f32 v6, v2  }
0x101: {  	v5 =	vmul.f32 v7, v2;
	[tilespmem:s19+$0xC0] =	vst v3  }
0x102: {  	v3 =	vmul.f32 v8, v2;
	[tilespmem:s19+$0xF0] =	vst v4  }
0x103: {  	v4 =	vmul.f32 v9, v2;
	[tilespmem:s19+$0xE0] =	vst v5  }
0x104: {  	v2 =	vmul.f32 v10, v2;
	[tilespmem:s19+$0x90] =	vst v3  }
0x105: {  	p0 =	seq.s32 s18, $0x0;
	[tilespmem:s19+$0xB0] =	vst v4  }
0x106: {  	s21 =	sshllo.u32 s18, $0x1;
	[tilespmem:s19+$0xD0] =	vst v2;
	s19 =	simm.s32 @!p0 $0x4  }
0x107: {  	[spmem:s2] =	stream.indirect.scatter.add.f32 [tilespmem:s29], [sflag:$0x3], $0x80, s31, s30, $0xb8;
	[tilespmem:$0x1EA00] =	vst v63  }
0x108: {  	s23 =	sshll.u32 s21, $0x7;
	s21 =	sadd.s32 s10, s21;
	_ =	swait.ge @!p0 [sflag:s19], $0x4000  }
0x109: {  	s21 =	sshll.u32 s21, $0x4;
	[sflag:s19] =	ssyncset.done @!p0 $0x0  }
0x10a: {  	s20 =	simm.s32 $0x80;
	[sflag:s19] =	ssyncadd.s32 @!p0 $0xFFFFC000;
	s19 =	sadd.s32 s4, s23  }
0x10b: {  	[tilespmem:s8], [sflag:$0x2] =	stream.indirect.gather [hbm4b:s5+s20], $0x80, s23, s20, $0xb8;
	[tilespmem:$0x1EA00] =	vst v63  }
0x10c: {  	s21 =	sadd.s32 s6, s21;
	s19 =	sshrl.u32 s19, $0x3  }
0x10d: {  	[tilespmem:s11], [sflag:$0x2] =	stream.linear.gather [hbm4b:s21+s3], $0x80, $0x38;
	[tilespmem:$0x1EA00] =	vst v63  }
0x10e: {  	s19 =	sadd.s32 s7, s19  }
0x10f: {  	[tilespmem:s12], [sflag:$0x2] =	stream.linear.gather [hbm4b:s19+s3], $0x80, $0x38;
	[tilespmem:$0x1EA00] =	vst v63  }
0x110: {  	_ =	swait.ge [sflag:s13], $0x4000  }
0x111: {  	[sflag:s13] =	ssyncset.done $0x0  }
0x112: {  	v2 =	vmov s20;
	[sflag:s13] =	ssyncadd.s32 $0xFFFFC000  }
0x113: {  	v2 =	vand.u32 $0xFFFFFFFC, v2;
	_ =	swait.ge [sflag:s13], $0x80  }
0x114: {  	v2 =	vbroadcast v2, $0x0;
	[sflag:s13] =	ssyncset.done $0x0  }
0x115: {  	[sflag:s13] =	ssyncadd.s32 $0xFFFFFF80  }
0x116: {  	_ =	swait.ge [sflag:s13], $0x80  }
0x117: {  	[sflag:s13] =	ssyncset.done $0x0  }
0x118: {  	s19 =	simm.s32 $0x6A00;
	[sflag:s13] =	ssyncadd.s32 $0xFFFFFF80  }
0x119: {  	v3 =	vld [tilespmem:s19+$0xFFFFFF70]  }
0x11a: {  	v2 =	vld.idx.msk [tilespmem:v2+s0+$0x0], $0xffff  }
0x11b: {  	v4 =	vld [tilespmem:s19+$0xFFFFFF00]  }
0x11c: {  	v5 =	vld [tilespmem:s19+$0xFFFFFF20]  }
0x11d: {  	v6 =	vld [tilespmem:s19+$0xFFFFFF50]  }
0x11e: {  	v7 =	vld [tilespmem:s19+$0xFFFFFF40]  }
0x11f: {  	v8 =	vld [tilespmem:s19+$0xFFFFFF60];
	v3 =	vmul.f32 v3, v2  }
0x120: {  	s24 =	simm.s32 $0x81;
	v9 =	vld [tilespmem:s19+$0xFFFFFF30];
	v4 =	vmul.f32 v4, v2  }
0x121: {  	v10 =	vld [tilespmem:s19+$0xFFFFFF10];
	v5 =	vmul.f32 v5, v2;
	[tilespmem:s19+$0xFFFFFF70] =	vst v3;
	v3 =	vmov s24  }
0x122: {  	v6 =	vmul.f32 v6, v2;
	[tilespmem:s19+$0xFFFFFF00] =	vst v4;
	v3 =	vand.u32 $0xFFFFFFFD, v3  }
0x123: {  	v4 =	vmul.f32 v7, v2;
	[tilespmem:s19+$0xFFFFFF20] =	vst v5;
	v3 =	vbroadcast v3, $0x0  }
0x124: {  	v5 =	vmul.f32 v8, v2;
	[tilespmem:s19+$0xFFFFFF50] =	vst v6  }
0x125: {  	v6 =	vmul.f32 v9, v2;
	[tilespmem:s19+$0xFFFFFF40] =	vst v4  }
0x126: {  	v2 =	vmul.f32 v10, v2;
	[tilespmem:s19+$0xFFFFFF60] =	vst v5  }
0x127: {  	[tilespmem:s19+$0xFFFFFF30] =	vst v6  }
0x128: {  	[tilespmem:s19+$0xFFFFFF10] =	vst v2;
	v2 =	vld [tilespmem:s19+$0xFFFFFF90]  }
0x129: {  	v4 =	vld.idx.msk [tilespmem:v3+s0+$0x0], $0xffff  }
0x12a: {  	v3 =	vld [tilespmem:s19+$0xFFFFFFA0]  }
0x12b: {  	v5 =	vld [tilespmem:s19+$0xFFFFFF80]  }
0x12c: {  	v6 =	vld [tilespmem:s19+$0xFFFFFFB0]  }
0x12d: {  	v7 =	vld [tilespmem:s19+$0xFFFFFFC0]  }
0x12e: {  	v8 =	vld [tilespmem:s19+$0xFFFFFFD0];
	v2 =	vmul.f32 v2, v4  }
0x12f: {  	s25 =	simm.s32 $0x82;
	v9 =	vld [tilespmem:s19+$0xFFFFFFF0];
	v3 =	vmul.f32 v3, v4  }
0x130: {  	v10 =	vld [tilespmem:s19+$0xFFFFFFE0];
	v5 =	vmul.f32 v5, v4;
	[tilespmem:s19+$0xFFFFFF90] =	vst v2;
	v2 =	vmov s25  }
0x131: {  	v6 =	vmul.f32 v6, v4;
	[tilespmem:s19+$0xFFFFFFA0] =	vst v3;
	v2 =	vand.u32 $0xFFFFFFFE, v2  }
0x132: {  	v3 =	vmul.f32 v7, v4;
	[tilespmem:s19+$0xFFFFFF80] =	vst v5;
	v7 =	vld [tilespmem:s19+$0x60];
	v11 =	vbroadcast v2, $0x0  }
0x133: {  	v5 =	vmul.f32 v8, v4;
	[tilespmem:s19+$0xFFFFFFB0] =	vst v6;
	v8 =	vld [tilespmem:s19+$0x0]  }
0x134: {  	v6 =	vmul.f32 v9, v4;
	v2 =	vld [tilespmem:s19+$0x20];
	[tilespmem:s19+$0xFFFFFFC0] =	vst v3  }
0x135: {  	v4 =	vmul.f32 v10, v4;
	v3 =	vld [tilespmem:s19+$0x30];
	[tilespmem:s19+$0xFFFFFFD0] =	vst v5  }
0x136: {  	[tilespmem:s19+$0xFFFFFFF0] =	vst v6;
	v5 =	vld [tilespmem:s19+$0x40]  }
0x137: {  	[tilespmem:s19+$0xFFFFFFE0] =	vst v4;
	v6 =	vld [tilespmem:s19+$0x10]  }
0x138: {  	s22 =	simm.s32 $0x84;
	s23 =	simm.s32 $0x6A00;
	s21 =	sshll.u32 s18, $0x1;
	v4 =	vld.idx.msk [tilespmem:v11+s0+$0x0], $0xffff  }
.LBB2_9:
0x139: {  	p0 =	sne.s32 s22, $0xFC  }
0x13a: {  	v9 =	vld [tilespmem:s19+$0x50];
	s23 =	sadd.s32 $0x200, s23;
	s24 =	smov.u32 s22;
	s22 =	sadd.s32 $0x4, s22  }
0x13b: {  	v10 =	vld [tilespmem:s19+$0x70];
	_ =	sdelay $0x1  }
0x13c: {  	v7 =	vmul.f32 v7, v4;
	v8 =	vmul.f32 v8, v4  }
0x13d: {  	v5 =	vmul.f32 v5, v4;
	v6 =	vmul.f32 v6, v4  }
0x13e: {  	v2 =	vmul.f32 v2, v4;
	v3 =	vmul.f32 v3, v4;
	[tilespmem:s19+$0x60] =	vst v7  }
0x13f: {  	[tilespmem:s19+$0x40] =	vst v5;
	v5 =	vmul.f32 v9, v4;
	v4 =	vmul.f32 v10, v4  }
0x140: {  	s25 =	sadd.s32 $0x3, s20;
	s20 =	smov.u32 s24;
	[tilespmem:s19+$0x20] =	vst v2;
	v7 =	vld [tilespmem:s19+$0x80]  }
0x141: {  	v2 =	vld [tilespmem:s23+$0x20];
	[tilespmem:s19+$0x0] =	vst v8;
	v8 =	vmov s25  }
0x142: {  	[tilespmem:s19+$0x50] =	vst v5;
	v5 =	vld [tilespmem:s19+$0xE0]  }
0x143: {  	[tilespmem:s19+$0x30] =	vst v3;
	v9 =	vld [tilespmem:s19+$0xC0]  }
0x144: {  	v3 =	vld [tilespmem:s23+$0x30];
	[tilespmem:s19+$0x10] =	vst v6  }
0x145: {  	[tilespmem:s19+$0x70] =	vst v4;
	v4 =	vld [tilespmem:s19+$0xA0]  }
0x146: {  	v6 =	vld.idx.msk [tilespmem:v8+s0+$0x0], $0xffff  }
0x147: {  	v8 =	vld [tilespmem:s19+$0x90]  }
0x148: {  	v10 =	vld [tilespmem:s19+$0xB0]  }
0x149: {  	v11 =	vld [tilespmem:s19+$0xD0]  }
0x14a: {  	v12 =	vld [tilespmem:s19+$0xF0];
	_ =	sdelay $0x1  }
0x14b: {  	v7 =	vmul.f32 v7, v6;
	v8 =	vmul.f32 v8, v6  }
0x14c: {  	v4 =	vmul.f32 v4, v6;
	v10 =	vmul.f32 v10, v6  }
0x14d: {  	v13 =	vmov s20;
	[tilespmem:s19+$0x80] =	vst v7;
	v7 =	vmul.f32 v9, v6;
	v9 =	vmul.f32 v11, v6  }
0x14e: {  	v11 =	vand.u32 $0xFFFFFFFC, v13;
	[tilespmem:s19+$0xA0] =	vst v4;
	v4 =	vmul.f32 v5, v6;
	v5 =	vmul.f32 v12, v6  }
0x14f: {  	v6 =	vbroadcast v11, $0x0;
	[tilespmem:s19+$0xC0] =	vst v7  }
0x150: {  	[tilespmem:s19+$0xF0] =	vst v5  }
0x151: {  	v5 =	vld [tilespmem:s23+$0xFFFFFF40];
	[tilespmem:s19+$0xE0] =	vst v4  }
0x152: {  	v4 =	vld [tilespmem:s23+$0xFFFFFF50];
	[tilespmem:s19+$0x90] =	vst v8  }
0x153: {  	v7 =	vld [tilespmem:s23+$0xFFFFFF60];
	[tilespmem:s19+$0xB0] =	vst v10  }
0x154: {  	v8 =	vld [tilespmem:s23+$0xFFFFFF70];
	[tilespmem:s19+$0xD0] =	vst v9;
	s19 =	smov.u32 s23  }
0x155: {  	v6 =	vld.idx.msk [tilespmem:v6+s0+$0x0], $0xffff  }
0x156: {  	v9 =	vld [tilespmem:s23+$0xFFFFFF00]  }
0x157: {  	v10 =	vld [tilespmem:s23+$0xFFFFFF20]  }
0x158: {  	v11 =	vld [tilespmem:s23+$0xFFFFFF10]  }
0x159: {  	v12 =	vld [tilespmem:s23+$0xFFFFFF30];
	_ =	sdelay $0x1  }
0x15a: {  	v8 =	vmul.f32 v8, v6;
	v9 =	vmul.f32 v9, v6  }
0x15b: {  	s24 =	sadd.s32 $0x1, s20;
	v7 =	vmul.f32 v7, v6;
	v10 =	vmul.f32 v10, v6  }
0x15c: {  	v4 =	vmul.f32 v4, v6;
	v11 =	vmul.f32 v11, v6;
	[tilespmem:s23+$0xFFFFFF70] =	vst v8;
	v8 =	vmov s24  }
0x15d: {  	v5 =	vmul.f32 v5, v6;
	[tilespmem:s23+$0xFFFFFF00] =	vst v9;
	v9 =	vmul.f32 v12, v6;
	v6 =	vand.u32 $0xFFFFFFFD, v8  }
0x15e: {  	[tilespmem:s23+$0xFFFFFF20] =	vst v10;
	v6 =	vbroadcast v6, $0x0  }
0x15f: {  	[tilespmem:s23+$0xFFFFFF50] =	vst v4  }
0x160: {  	[tilespmem:s23+$0xFFFFFF40] =	vst v5;
	v4 =	vld [tilespmem:s23+$0xFFFFFFF0]  }
0x161: {  	[tilespmem:s23+$0xFFFFFF60] =	vst v7;
	v5 =	vld [tilespmem:s23+$0xFFFFFFC0]  }
0x162: {  	[tilespmem:s23+$0xFFFFFF30] =	vst v9;
	v7 =	vld [tilespmem:s23+$0xFFFFFFD0]  }
0x163: {  	[tilespmem:s23+$0xFFFFFF10] =	vst v11;
	v8 =	vld [tilespmem:s23+$0xFFFFFF90]  }
0x164: {  	v6 =	vld.idx.msk [tilespmem:v6+s0+$0x0], $0xffff  }
0x165: {  	v9 =	vld [tilespmem:s23+$0xFFFFFF80]  }
0x166: {  	v10 =	vld [tilespmem:s23+$0xFFFFFFA0]  }
0x167: {  	v11 =	vld [tilespmem:s23+$0xFFFFFFB0]  }
0x168: {  	v12 =	vld [tilespmem:s23+$0xFFFFFFE0];
	_ =	sdelay $0x1  }
0x169: {  	v8 =	vmul.f32 v8, v6;
	v9 =	vmul.f32 v9, v6  }
0x16a: {  	s24 =	sadd.s32 $0x2, s20;
	v7 =	vmul.f32 v7, v6;
	v10 =	vmul.f32 v10, v6  }
0x16b: {  	v5 =	vmul.f32 v5, v6;
	[tilespmem:s23+$0xFFFFFF90] =	vst v8;
	v8 =	vmul.f32 v11, v6;
	v11 =	vmov s24  }
0x16c: {  	v4 =	vmul.f32 v4, v6;
	[tilespmem:s23+$0xFFFFFFA0] =	vst v10;
	v10 =	vmul.f32 v12, v6;
	v6 =	vand.u32 $0xFFFFFFFE, v11  }
0x16d: {  	[tilespmem:s23+$0xFFFFFF80] =	vst v9;
	v6 =	vbroadcast v6, $0x0  }
0x16e: {  	[tilespmem:s23+$0xFFFFFFB0] =	vst v8  }
0x16f: {  	[tilespmem:s23+$0xFFFFFFC0] =	vst v5  }
0x170: {  	[tilespmem:s23+$0xFFFFFFD0] =	vst v7  }
.Ltmp5:
0x171: {  	[tilespmem:s23+$0xFFFFFFF0] =	vst v4;
	v5 =	vld [tilespmem:s23+$0x40];
	(pc) =	sbr.rel @p0 .LBB2_9-.Ltmp5, $4  }
0x172: {  	[tilespmem:s23+$0xFFFFFFE0] =	vst v10;
	v7 =	vld [tilespmem:s23+$0x60]  }
0x173: {  	v4 =	vld.idx.msk [tilespmem:v6+s0+$0x0], $0xffff  }
0x174: {  	v8 =	vld [tilespmem:s23+$0x0]  }
0x175: {  	v6 =	vld [tilespmem:s23+$0x10]  }
0x176: {  	_ =	sdelay $0x1  }
0x177: {  	v7 =	vmul.f32 v7, v4  }
0x178: {  	v9 =	vld [tilespmem:s19+$0x50];
	v5 =	vmul.f32 v5, v4  }
0x179: {  	v10 =	vld [tilespmem:s19+$0x70];
	v2 =	vmul.f32 v2, v4;
	[tilespmem:s19+$0x60] =	vst v7  }
0x17a: {  	v50 =	vmul.f32 v8, v4;
	[tilespmem:s19+$0x40] =	vst v5  }
0x17b: {  	s20 =	sadd.s32 $0x3, s20;
	[tilespmem:s19+$0x20] =	vst v2;
	v2 =	vmul.f32 v3, v4  }
0x17c: {  	v52 =	vmov s20;
	v6 =	vmul.f32 v6, v4;
	[tilespmem:s19+$0x0] =	vst v50  }
0x17d: {  	v51 =	vmul.f32 v9, v4;
	[tilespmem:s19+$0x30] =	vst v2  }
0x17e: {  	v53 =	vmul.f32 v10, v4;
	[tilespmem:s19+$0x10] =	vst v6  }
0x17f: {  	[tilespmem:s19+$0x50] =	vst v51  }
0x180: {  	v3 =	vld [tilespmem:s19+$0x80];
	[tilespmem:s19+$0x70] =	vst v53  }
0x181: {  	v2 =	vld.idx.msk [tilespmem:v52+s0+$0x0], $0xffff  }
0x182: {  	v54 =	vld [tilespmem:s19+$0xA0]  }
0x183: {  	v56 =	vld [tilespmem:s19+$0xF0]  }
0x184: {  	v57 =	vld [tilespmem:s19+$0xE0]  }
0x185: {  	v55 =	vld [tilespmem:s19+$0xC0]  }
0x186: {  	v59 =	vld [tilespmem:s19+$0xB0];
	v3 =	vmul.f32 v3, v2  }
0x187: {  	v58 =	vld [tilespmem:s19+$0x90];
	v4 =	vmul.f32 v54, v2  }
0x188: {  	v60 =	vld [tilespmem:s19+$0xD0];
	v61 =	vmul.f32 v56, v2;
	[tilespmem:s19+$0x80] =	vst v3  }
0x189: {  	v62 =	vmul.f32 v57, v2;
	[tilespmem:s19+$0xA0] =	vst v4  }
0x18a: {  	v3 =	vmul.f32 v55, v2;
	[tilespmem:s19+$0xF0] =	vst v61  }
0x18b: {  	v63 =	vmul.f32 v59, v2;
	[tilespmem:s19+$0xE0] =	vst v62  }
0x18c: {  	[tilespmem:s19+$0xC0] =	vst v3;
	v3 =	vmul.f32 v58, v2  }
0x18d: {  	[tilespmem:s19+$0xB0] =	vst v63;
	v2 =	vmul.f32 v60, v2  }
0x18e: {  	p0 =	seq.s32 s18, $0x27;
	[tilespmem:s19+$0x90] =	vst v3  }
.Ltmp6:
0x18f: {  	[tilespmem:s19+$0xD0] =	vst v2;
	(pc) =	sbr.rel @p0 .LBB2_12-.Ltmp6, $4  }
0x190: {  	[spmem:s2] =	stream.indirect.scatter.add.f32 [tilespmem:s8], [sflag:$0x4], $0x80, s11, s30, $0xb8;
	[tilespmem:$0x1EA00] =	vst v63  }
0x191: {  	_ =	swait.ge [sflag:s14], $0x4000  }
0x192: {  	[sflag:s14] =	ssyncset.done $0x0  }
0x193: {  	[sflag:s14] =	ssyncadd.s32 $0xFFFFC000  }
0x194: {  	s19 =	sadd.s32 $0x2, s21  }
0x195: {  	s20 =	sshll.u32 s19, $0x7;
	s19 =	sadd.s32 s10, s19  }
0x196: {  	[tilespmem:s29], [sflag:$0x1] =	stream.indirect.gather [hbm4b:s5+s30], $0x80, s20, s30, $0xb8;
	[tilespmem:$0x1EA00] =	vst v63  }
0x197: {  	s19 =	sshll.u32 s19, $0x4  }
.Ltmp7:
0x198: {  	s25 =	sadd.s32 s4, s20;
	s19 =	sadd.s32 s6, s19;
	(pc) =	sbr.rel .LBB2_6-.Ltmp7, $4  }
0x199: {  	[tilespmem:s31], [sflag:$0x1] =	stream.linear.gather [hbm4b:s19+s3], $0x80, $0x38;
	[tilespmem:$0x1EA00] =	vst v63  }
0x19a: {  	s19 =	sshrl.u32 s25, $0x3  }
0x19b: {  	s18 =	sadd.s32 $0x1, s18;
	s19 =	sadd.s32 s7, s19  }
0x19c: {  	[tilespmem:s0], [sflag:$0x1] =	stream.linear.gather [hbm4b:s19+s3], $0x80, $0x38;
	[tilespmem:$0x1EA00] =	vst v63  }
.LBB2_13:
0x19d: {  	_ =	sfence.sel $0x180000  }
0x19e: {  	[bflag:$0x0] =	sbarrier.arrive $0xFFFF  }
0x19f: {  	_ =	strace $0x9000004A  }
0x1a0: {  	s0 =	stileid.u32;
	[bflag:$0x2] =	sbarrier.arrive $0xFFFF  }
0x1a1: {  	p0 =	sne.s32 s0, $0x0;
	s0 =	rddreg [dreg:$0x2]  }
0x1a2: {  	s0 =	sadd.s32 @!p0 $0x100000, s0  }
0x1a3: {  	[sflag:s0] =	ssyncadd.tile.s32 @!p0 $0x1;
	_ =	shalt  }
.Lfunc_end2:
_tile_overlayer_lowered:
.L_overlay_start_2:
0x1a4: {  	(tag) =	ssettag $0x2  }
0x1a5: {  	s0 =	rddreg [dreg:$0x0];
	s2 =	stileid.u32  }
0x1a6: {  	s1 =	rddreg [dreg:$0x1];
	p0 =	sne.s32 s2, $0x0  }
0x1a7: {  	s3 =	rddreg [dreg:$0x2];
	[bflag:$0x3] =	sbarrier.arrive $0xFFFF;
	s2 =	simm.s32 @!p0 $0x1C05  }
0x1a8: {  	[timem:s3], [sflag:s2] =	dma.local @!p0 [hbm:s0], s1  }
0x1a9: {  	s0 =	simm.s32 @!p0 $0x5  }
0x1aa: {  	_ =	swait.ge @!p0 [sflag:s0], s1  }
0x1ab: {  	s1 =	ssub.s32 @!p0 $0x0, s1;
	[sflag:s0] =	ssyncset.done @!p0 $0x0  }
0x1ac: {  	[sflag:s0] =	ssyncadd.s32 @!p0 s1  }
0x1ad: {  	[bflag:$0x3] =	sbarrier.arrive $0xFFFF  }
0x1ae: {  	_ =	shalt  }

</sc_bundles>
